<compile_context>
chip_gen: v7x
topology: tpu7x:2x2x1
jax: 0.10.2.dev20260603
libtpu: 0.0.44.dev20260713+nightly
codegen_flags: <defaults>
</compile_context>

<pallas_src>
import dataclasses
import functools

import jax
import jax.numpy as jnp
from jax import lax
from jax.experimental import pallas as pl
from jax.experimental.pallas import tpu as pltpu
from jax.experimental.pallas import tpu_sc as plsc

N_NODES = 10000
N_EDGES = 160000
NSEG = 256
HID = 256
TSTEPS = 1000.0

NB = 2000
EB = 1280
GB = 128
SB = 128
TW = 128


def _silu(x):
    return x * lax.logistic(x)


def _pack_pair(x):
    rows = x.shape[0]
    bits = lax.bitcast_convert_type(x, jnp.int32)
    rounded = bits + 0x8000
    lo = lax.shift_right_logical(rounded[:, :TW], 16)
    hi = jnp.bitwise_and(rounded[:, TW:], jnp.int32(-65536))
    return lax.bitcast_convert_type(jnp.bitwise_or(hi, lo), jnp.float32)


def _unpack_pair(p):
    w = lax.bitcast_convert_type(p, jnp.int32)
    lo = lax.bitcast_convert_type(lax.shift_left(w, 16), jnp.float32)
    hi = lax.bitcast_convert_type(
        jnp.bitwise_and(w, jnp.int32(-65536)), jnp.float32)
    return jnp.concatenate([lo, hi], axis=1)


def _onehot(m, rows):
    return (m == lax.broadcasted_iota(jnp.int32, (rows, NSEG), 1)).astype(
        jnp.float32)


def _t1a_body(mask_ref, eps_ref, t_ref, mean_ref, sc_ref):
    o = _onehot(mask_ref[...], N_NODES)
    ones = jnp.ones((N_NODES, 1), jnp.float32)
    cdims = (((0,), (0,)), ((), ()))
    counts = jnp.maximum(lax.dot_general(o, ones, cdims), 1.0)
    sums = lax.dot_general(o, eps_ref[...], cdims)
    mean_ref[...] = sums / counts
    t = t_ref[...]
    gamma_t = -7.0 + 13.0 * t
    gamma_s = -7.0 + 13.0 * (t - 1.0 / TSTEPS)
    alpha = jnp.sqrt(lax.logistic(-gamma_t))
    sigma = jnp.sqrt(lax.logistic(gamma_t))
    snr = 1.0 - jnp.exp(gamma_t - gamma_s)
    sc_ref[...] = jnp.concatenate(
        [counts, alpha, sigma, snr, jnp.zeros((NSEG, 4), jnp.float32)], axis=1)


def _t1a(mask2, eps, t):
    return pl.pallas_call(
        _t1a_body,
        out_shape=[
            jax.ShapeDtypeStruct((NSEG, 16), jnp.float32),
            jax.ShapeDtypeStruct((NSEG, 8), jnp.float32),
        ],
    )(mask2, eps, t)


def _t1b_body(mask_ref, xh_ref, eps_ref, t_ref, cond_ref, wc_ref, wz_ref,
              wt_ref, we1a_ref, we1b_ref, mean_ref, sc_ref,
              ta_ref, tb_ref, pos_ref, hemb_ref, epsc_ref):
    o = _onehot(mask_ref[...], NB)
    sc = sc_ref[...]
    alpha_n = o @ sc[:, 1:2]
    sigma_n = o @ sc[:, 2:3]
    t_n = o @ t_ref[...]
    cmask3 = (lax.broadcasted_iota(jnp.int32, (1, 16), 1) < 3).astype(
        jnp.float32)
    mean_n = (o @ mean_ref[...]) * cmask3
    eps_c = eps_ref[...] - mean_n
    z16 = alpha_n * xh_ref[...] + sigma_n * eps_c
    cond_n = o @ (cond_ref[...] @ wc_ref[...])
    h_emb = _silu(z16 @ wz_ref[...] + t_n @ wt_ref[...] + cond_n)
    cmask4 = (lax.broadcasted_iota(jnp.int32, (1, 4), 1) < 3).astype(
        jnp.float32)
    hb = h_emb.astype(jnp.bfloat16)
    ta32 = jnp.dot(hb, we1a_ref[...].astype(jnp.bfloat16),
                   preferred_element_type=jnp.float32)
    tb32 = jnp.dot(hb, we1b_ref[...].astype(jnp.bfloat16),
                   preferred_element_type=jnp.float32)
    ta_ref[...] = _pack_pair(ta32)
    tb_ref[...] = _pack_pair(tb32)
    pos_ref[...] = z16[:, 0:4] * cmask4
    hemb_ref[...] = h_emb
    epsc_ref[...] = eps_c


def _t1b(mask2, xh, eps, t, conditions, wc, wz, wt, we1a, we1b, mean, sc):
    nblk = N_NODES // NB
    full = lambda r, c: pl.BlockSpec((r, c), lambda i: (0, 0))
    blk = lambda c: pl.BlockSpec((NB, c), lambda i: (i, 0))
    return pl.pallas_call(
        _t1b_body,
        grid=(nblk,),
        in_specs=[
            blk(1), blk(16), blk(16),
            full(NSEG, 1), full(NSEG, 1), full(1, HID),
            full(16, HID), full(1, HID), full(HID, HID), full(HID, HID),
            full(NSEG, 16), full(NSEG, 8),
        ],
        out_specs=[blk(TW), blk(TW), blk(4), blk(HID), blk(16)],
        out_shape=[
            jax.ShapeDtypeStruct((N_NODES, TW), jnp.float32),
            jax.ShapeDtypeStruct((N_NODES, TW), jnp.float32),
            jax.ShapeDtypeStruct((N_NODES, 4), jnp.float32),
            jax.ShapeDtypeStruct((N_NODES, HID), jnp.float32),
            jax.ShapeDtypeStruct((N_NODES, 16), jnp.float32),
        ],
    )(mask2, xh, eps, t, conditions, wc, wz, wt, we1a, we1b, mean, sc)


def _s1(ta, tb, pos4, src, dst):
    mesh = plsc.VectorSubcoreMesh(core_axis_name="c", subcore_axis_name="s")
    cp = pltpu.CompilerParams()
    if "needs_layout_passes" in pltpu.CompilerParams.__dataclass_fields__:
        cp = dataclasses.replace(cp, needs_layout_passes=False)
    nblk = N_EDGES // GB
    nit = pl.cdiv(nblk, 32)

    @functools.partial(
        pl.kernel, mesh=mesh, compiler_params=cp,
        out_type=[
            jax.ShapeDtypeStruct((N_EDGES, TW), jnp.float32),
            jax.ShapeDtypeStruct((N_EDGES, TW), jnp.float32),
            jax.ShapeDtypeStruct((8, N_EDGES), jnp.float32),
        ],
        scratch_types=[
            pltpu.VMEM((GB,), jnp.int32), pltpu.VMEM((GB,), jnp.int32),
            pltpu.VMEM((GB, TW), jnp.float32), pltpu.VMEM((GB, TW), jnp.float32),
            pltpu.VMEM((4 * N_NODES,), jnp.float32),
            pltpu.VMEM((8, GB), jnp.float32),
            pltpu.SemaphoreType.DMA, pltpu.SemaphoreType.DMA,
            pltpu.SemaphoreType.DMA, pltpu.SemaphoreType.DMA,
            pltpu.SemaphoreType.DMA, pltpu.SemaphoreType.DMA,
            pltpu.SemaphoreType.DMA,
        ])
    def k(ta_hbm, tb_hbm, pos_hbm, src_hbm, dst_hbm, asp_hbm, bdp_hbm,
          geo_hbm, si, di, ra, rb, posv, gbuf, sema, semb, sia, sib, swa,
          swb, swg):
        wid = lax.axis_index("s") * 2 + lax.axis_index("c")
        pltpu.sync_copy(pos_hbm, posv)
        zero16 = jnp.zeros((16,), jnp.float32)

        @pl.loop(0, 8)
        def _(g):
            gbuf[3, pl.ds(g * 16, 16)] = zero16
            gbuf[4, pl.ds(g * 16, 16)] = zero16
            gbuf[5, pl.ds(g * 16, 16)] = zero16
            gbuf[6, pl.ds(g * 16, 16)] = zero16
            gbuf[7, pl.ds(g * 16, 16)] = zero16

        @pl.when(wid < nblk)
        def _():
            pltpu.async_copy(src_hbm.at[pl.ds(wid * GB, GB)], si, sia)
            pltpu.async_copy(dst_hbm.at[pl.ds(wid * GB, GB)], di, sib)

        @pl.loop(0, nit)
        def _(it):
            blk = wid + it * 32

            @pl.when(blk < nblk)
            def _():
                base = blk * GB
                pltpu.make_async_copy(src_hbm.at[pl.ds(0, GB)], si, sia).wait()
                pltpu.make_async_copy(dst_hbm.at[pl.ds(0, GB)], di, sib).wait()

                @pl.when(it > 0)
                def _():
                    pltpu.make_async_copy(ra, asp_hbm.at[pl.ds(0, GB)],
                                          swa).wait()
                    pltpu.make_async_copy(rb, bdp_hbm.at[pl.ds(0, GB)],
                                          swb).wait()

                ca = pltpu.async_copy(ta_hbm.at[si], ra, sema)
                cb = pltpu.async_copy(tb_hbm.at[di], rb, semb)

                @pl.when(it > 0)
                def _():
                    pltpu.make_async_copy(gbuf, geo_hbm.at[:, pl.ds(0, GB)],
                                          swg).wait()

                @pl.loop(0, GB // 16)
                def _(g):
                    sidx = si[pl.ds(g * 16, 16)] * 4
                    didx = di[pl.ds(g * 16, 16)] * 4
                    for kc in range(3):
                        ps = plsc.load_gather(posv, [sidx + kc])
                        pd = plsc.load_gather(posv, [didx + kc])
                        gbuf[kc, pl.ds(g * 16, 16)] = ps - pd

                pltpu.async_copy(gbuf, geo_hbm.at[:, pl.ds(base, GB)], swg)
                ca.wait()
                cb.wait()

                @pl.when(blk + 32 < nblk)
                def _():
                    pltpu.async_copy(src_hbm.at[pl.ds((blk + 32) * GB, GB)],
                                     si, sia)
                    pltpu.async_copy(dst_hbm.at[pl.ds((blk + 32) * GB, GB)],
                                     di, sib)

                pltpu.async_copy(ra, asp_hbm.at[pl.ds(base, GB)], swa)
                pltpu.async_copy(rb, bdp_hbm.at[pl.ds(base, GB)], swb)

        pltpu.make_async_copy(ra, asp_hbm.at[pl.ds(0, GB)], swa).wait()
        pltpu.make_async_copy(rb, bdp_hbm.at[pl.ds(0, GB)], swb).wait()
        pltpu.make_async_copy(gbuf, geo_hbm.at[:, pl.ds(0, GB)], swg).wait()

    return k(ta, tb, pos4, src, dst)


def _t2_body(a_ref, b_ref, g_ref, wd_ref, we2_ref, wx_ref, m2a_ref, m2b_ref,
             rlx_ref):
    a = _unpack_pair(a_ref[...])
    b = _unpack_pair(b_ref[...])
    eye8 = (lax.broadcasted_iota(jnp.int32, (8, 8), 0)
            == lax.broadcasted_iota(jnp.int32, (8, 8), 1)).astype(jnp.float32)
    rel = lax.dot_general(g_ref[...], eye8, (((0,), (0,)), ((), ())))
    d2 = jnp.sum(rel * rel, axis=1, keepdims=True)
    m1 = _silu(a + b + d2 @ wd_ref[...])
    m2 = _silu(jnp.dot(m1.astype(jnp.bfloat16),
                       we2_ref[...].astype(jnp.bfloat16),
                       preferred_element_type=jnp.float32))
    wx = m2 @ wx_ref[...]
    m2a_ref[...] = m2[:, :128]
    m2b_ref[...] = m2[:, 128:]
    pad128 = (lax.broadcasted_iota(jnp.int32, (8, 128), 0)
              == lax.broadcasted_iota(jnp.int32, (8, 128), 1)).astype(
                  jnp.float32)
    rlx_ref[...] = (rel * wx) @ pad128


def _t2(asp, bdp, geo, wd, we2, wx):
    nblk = N_EDGES // EB
    full = lambda r, c: pl.BlockSpec((r, c), lambda i: (0, 0))
    blk = lambda c: pl.BlockSpec((EB, c), lambda i: (i, 0))
    return pl.pallas_call(
        _t2_body,
        grid=(nblk,),
        in_specs=[blk(TW), blk(TW), pl.BlockSpec((8, EB), lambda i: (0, i)),
                  full(1, HID), full(HID, HID), full(HID, 1)],
        out_specs=[blk(128), blk(128), blk(128)],
        out_shape=[
            jax.ShapeDtypeStruct((N_EDGES, 128), jnp.float32),
            jax.ShapeDtypeStruct((N_EDGES, 128), jnp.float32),
            jax.ShapeDtypeStruct((N_EDGES, 128), jnp.float32),
        ],
    )(asp, bdp, geo, wd, we2, wx)


def _s2(m2a, m2b, rlx128, dst):
    mesh = plsc.VectorSubcoreMesh(core_axis_name="c", subcore_axis_name="s")
    cp = pltpu.CompilerParams()
    if "needs_layout_passes" in pltpu.CompilerParams.__dataclass_fields__:
        cp = dataclasses.replace(cp, needs_layout_passes=False)
    nblk = N_EDGES // SB
    nblk2 = nblk // 2
    ROWS = 632
    LAST = N_NODES - 15 * ROWS

    @functools.partial(
        pl.kernel, mesh=mesh, compiler_params=cp,
        out_type=[
            jax.ShapeDtypeStruct((N_NODES, 128), jnp.float32),
            jax.ShapeDtypeStruct((N_NODES, 128), jnp.float32),
            jax.ShapeDtypeStruct((N_NODES, 128), jnp.float32),
            jax.ShapeDtypeStruct((N_NODES, 128), jnp.float32),
        ],
        scratch_types=[
            pltpu.VMEM_SHARED((N_NODES, 128), jnp.float32),
            pltpu.VMEM((8, 128), jnp.float32),
            pltpu.VMEM((SB, 128), jnp.float32),
            pltpu.VMEM((SB, 128), jnp.float32),
            pltpu.VMEM((SB,), jnp.int32),
            pltpu.VMEM((SB,), jnp.int32),
            pltpu.SemaphoreType.DMA, pltpu.SemaphoreType.DMA,
            pltpu.SemaphoreType.DMA, pltpu.SemaphoreType.DMA,
            pltpu.SemaphoreType.DMA, pltpu.SemaphoreType.DMA,
        ])
    def k(m2a_hbm, m2b_hbm, rlx_hbm, dst_hbm, agga_hbm, aggb_hbm, dpa_hbm,
          dpb_hbm, acc, zb, mb0, mb1, ix0, ix1, si0, sm0, si1, sm1, ss0, ss1):
        c = lax.axis_index("c")
        s = lax.axis_index("s")
        off = s * ROWS
        nz = jnp.where(s == 15, LAST // 8, ROWS // 8)
        zero16 = jnp.zeros((16,), jnp.float32)

        @pl.loop(0, 8)
        def _(i):
            @pl.loop(0, 8)
            def _(j):
                zb[i, pl.ds(j * 16, 16)] = zero16

        def zero_own_rows():
            @pl.loop(0, ROWS // 8)
            def _(i):
                @pl.when(i < nz)
                def _():
                    pltpu.sync_copy(zb, acc.at[pl.ds(off + i * 8, 8)])

        def copy_out(dst_full):
            @pl.when(s < 15)
            def _():
                pltpu.sync_copy(acc.at[pl.ds(off, ROWS)],
                                dst_full.at[pl.ds(off, ROWS)])

            @pl.when(s == 15)
            def _():
                pltpu.sync_copy(acc.at[pl.ds(off, LAST)],
                                dst_full.at[pl.ds(off, LAST)])

        def wait_load(ixb, mub, semi, semm):
            pltpu.make_async_copy(dst_hbm.at[pl.ds(0, SB)], ixb, semi).wait()
            pltpu.make_async_copy(m2a_hbm.at[pl.ds(0, SB)], mub, semm).wait()

        def scat(ixb, mub, sems):
            pltpu.async_copy(mub, acc.at[ixb], sems, add=True)

        def wait_scat(ixb, mub, sems):
            pltpu.make_async_copy(mub, acc.at[ixb], sems).wait()

        def pipelined_phase(nb, load_fn):
            nj = pl.cdiv(nb, 16)

            def valid(j):
                return j * 16 + s < nb

            @pl.when(valid(0))
            def _():
                load_fn(0, ix0, mb0, si0, sm0)

            @pl.loop(0, pl.cdiv(nj, 2))
            def _(it):
                j0 = 2 * it
                j1 = 2 * it + 1
                j2 = 2 * it + 2

                @pl.when(jnp.logical_and(valid(j1), j1 >= 3))
                def _():
                    wait_scat(ix1, mb1, ss1)

                @pl.when(valid(j1))
                def _():
                    load_fn(j1, ix1, mb1, si1, sm1)

                @pl.when(valid(j0))
                def _():
                    wait_load(ix0, mb0, si0, sm0)
                    scat(ix0, mb0, ss0)

                @pl.when(valid(j2))
                def _():
                    wait_scat(ix0, mb0, ss0)
                    load_fn(j2, ix0, mb0, si0, sm0)

                @pl.when(valid(j1))
                def _():
                    wait_load(ix1, mb1, si1, sm1)
                    scat(ix1, mb1, ss1)

            @pl.when(valid(0))
            def _():
                wait_scat(ix0, mb0, ss0)

            @pl.when(valid(1))
            def _():
                wait_scat(ix1, mb1, ss1)

        def load1(j, ixb, mub, semi, semm):
            base = (j * 16 + s) * SB
            pltpu.async_copy(dst_hbm.at[pl.ds(base, SB)], ixb, semi)

            @pl.when(c == 0)
            def _():
                pltpu.async_copy(m2a_hbm.at[pl.ds(base, SB)], mub, semm)

            @pl.when(c == 1)
            def _():
                pltpu.async_copy(m2b_hbm.at[pl.ds(base, SB)], mub, semm)

        zero_own_rows()
        plsc.subcore_barrier()
        pipelined_phase(nblk, load1)
        plsc.subcore_barrier()

        @pl.when(c == 0)
        def _():
            copy_out(agga_hbm)

        @pl.when(c == 1)
        def _():
            copy_out(aggb_hbm)

        def load2(j, ixb, mub, semi, semm):
            base = (c * nblk2 + j * 16 + s) * SB
            pltpu.async_copy(dst_hbm.at[pl.ds(base, SB)], ixb, semi)
            pltpu.async_copy(rlx_hbm.at[pl.ds(base, SB)], mub, semm)

        zero_own_rows()
        plsc.subcore_barrier()
        pipelined_phase(nblk2, load2)
        plsc.subcore_barrier()

        @pl.when(c == 0)
        def _():
            copy_out(dpa_hbm)

        @pl.when(c == 1)
        def _():
            copy_out(dpb_hbm)

    return k(m2a, m2b, rlx128, dst)


def _t3a_body(mask_ref, dpa_ref, dpb_ref, sc_ref, out_ref):
    o = _onehot(mask_ref[...], N_NODES)
    dpos = dpa_ref[:, :16] + dpb_ref[:, :16]
    sums = lax.dot_general(o, dpos, (((0,), (0,)), ((), ())))
    out_ref[...] = sums / sc_ref[:, 0:1]


def _t3a(mask2, dpa, dpb, sc):
    return pl.pallas_call(
        _t3a_body,
        out_shape=jax.ShapeDtypeStruct((NSEG, 16), jnp.float32),
    )(mask2, dpa, dpb, sc)


def _t3b_body(mask_ref, hemb_ref, agga_ref, aggb_ref, dpa_ref, dpb_ref,
              epsc_ref, dmean_ref, sc_ref, wht_ref, whb0_ref, whb1_ref,
              wout_ref, out_ref):
    i = pl.program_id(0)
    o = _onehot(mask_ref[...], NB)
    h_new = _silu(
        jnp.dot(hemb_ref[...].astype(jnp.bfloat16),
                wht_ref[...].astype(jnp.bfloat16),
                preferred_element_type=jnp.float32)
        + jnp.dot(agga_ref[...].astype(jnp.bfloat16),
                  whb0_ref[...].astype(jnp.bfloat16),
                  preferred_element_type=jnp.float32)
        + jnp.dot(aggb_ref[...].astype(jnp.bfloat16),
                  whb1_ref[...].astype(jnp.bfloat16),
                  preferred_element_type=jnp.float32))
    dpos = dpa_ref[:, :16] + dpb_ref[:, :16]
    net16 = (dpos - o @ dmean_ref[...]) + h_new @ wout_ref[...]
    diff = epsc_ref[...] - net16
    err = jnp.sum(diff * diff, axis=1, keepdims=True)
    part = lax.dot_general(o, err, (((0,), (0,)), ((), ())))

    @pl.when(i == 0)
    def _():
        out_ref[...] = part

    @pl.when(i > 0)
    def _():
        out_ref[...] += part

    @pl.when(i == N_NODES // NB - 1)
    def _():
        out_ref[...] *= sc_ref[:, 3:4]


def _t3b(mask2, hemb, agga, aggb, dpa, dpb, epsc, dmean, sc, wht, whb0, whb1,
         wout_pad):
    nblk = N_NODES // NB
    full = lambda r, c: pl.BlockSpec((r, c), lambda i: (0, 0))
    blk = lambda c: pl.BlockSpec((NB, c), lambda i: (i, 0))
    return pl.pallas_call(
        _t3b_body,
        grid=(nblk,),
        in_specs=[
            blk(1), blk(HID), blk(128), blk(128), blk(128), blk(128), blk(16),
            full(NSEG, 16), full(NSEG, 8),
            full(HID, HID), full(128, HID), full(128, HID), full(HID, 16),
        ],
        out_specs=pl.BlockSpec((NSEG, 1), lambda i: (0, 0)),
        out_shape=jax.ShapeDtypeStruct((NSEG, 1), jnp.float32),
    )(mask2, hemb, agga, aggb, dpa, dpb, epsc, dmean, sc, wht, whb0, whb1,
      wout_pad)


def kernel(pos, h, eps, t, conditions, W_in, Wc, We1, We2, Wx, Wh, Wout,
           combined_mask, edge_index):
    f32 = jnp.float32
    mask2 = combined_mask.reshape(N_NODES, 1).astype(jnp.int32)
    src = edge_index[0].astype(jnp.int32)
    dst = edge_index[1].astype(jnp.int32)
    xh = jnp.concatenate([pos, h], axis=1)
    wz = jnp.concatenate([jnp.zeros((3, HID), f32), W_in[:13]], axis=0)
    wt = W_in[13:14]
    perm = jnp.concatenate([jnp.arange(0, HID, 2), jnp.arange(1, HID, 2)])
    we1a = We1[:HID][:, perm]
    we1b = We1[HID:2 * HID][:, perm]
    wd = We1[2 * HID:2 * HID + 1][:, perm]
    We2 = We2[perm, :]
    wht = Wh[:HID]
    whb0 = Wh[HID:HID + 128]
    whb1 = Wh[HID + 128:]
    wout_pad = jnp.concatenate([jnp.zeros((HID, 3), f32), Wout], axis=1)

    mean, sc = _t1a(mask2, eps, t)
    ta, tb, pos4, hemb, epsc = _t1b(mask2, xh, eps, t, conditions, Wc, wz, wt,
                                    we1a, we1b, mean, sc)
    asp, bdp, geo = _s1(ta, tb, pos4.reshape(4 * N_NODES), src, dst)
    m2a, m2b, rlx = _t2(asp, bdp, geo, wd, We2, Wx)
    agga, aggb, dpa, dpb = _s2(m2a, m2b, rlx, dst)
    dmean = _t3a(mask2, dpa, dpb, sc)
    err = _t3b(mask2, hemb, agga, aggb, dpa, dpb, epsc, dmean, sc, wht, whb0,
               whb1, wout_pad)
    return err.reshape(NSEG)

# --- scband reference (transcript-rebuilt; emitter-appended) ---
"""Pipeline reference for scband-en-variational-diffusion-35150012351081 (READ-ONLY COPY).

The authoritative reference and input builder live on the scoring server;
editing this copy changes nothing except your own understanding.
"""

import jax, jax.numpy as jnp
import numpy as np

N = 10000
E = 160000
B = 256
HID = 256
POS = 3
HF = 13
TSTEPS = 1000.0

def _gamma(t):
    # simple learned-free noise schedule gamma(t), monotone increasing
    return -7.0 + 13.0 * t

def setup_inputs(seed: int = 0) -> dict:
    key = jax.random.key(seed)
    ks = jax.random.split(key, 14)
    s = 0.05
    inp = {
        "pos": jax.random.normal(ks[0], (N, POS), dtype=jnp.float32),
        "h": jax.random.normal(ks[1], (N, HF), dtype=jnp.float32),
        "eps": jax.random.normal(ks[2], (N, POS + HF), dtype=jnp.float32),
        "t": jax.random.uniform(ks[3], (B, 1), dtype=jnp.float32, minval=1.0 / TSTEPS, maxval=1.0),
        "conditions": jax.random.normal(ks[4], (B, 1), dtype=jnp.float32),
        "W_in": jax.random.normal(ks[5], (HF + 1, HID), dtype=jnp.float32) * s,
        "Wc": jax.random.normal(ks[6], (1, HID), dtype=jnp.float32) * s,
        "We1": jax.random.normal(ks[7], (2 * HID + 1, HID), dtype=jnp.float32) * s,
        "We2": jax.random.normal(ks[8], (HID, HID), dtype=jnp.float32) * s,
        "Wx": jax.random.normal(ks[9], (HID, 1), dtype=jnp.float32) * s,
        "Wh": jax.random.normal(ks[10], (2 * HID, HID), dtype=jnp.float32) * s,
        "Wout": jax.random.normal(ks[11], (HID, HF), dtype=jnp.float32) * s,
        "combined_mask": jnp.sort(jax.random.randint(ks[12], (N,), 0, B)),
        "edge_index": jax.random.randint(ks[13], (2, E), 0, N),
    }
    return inp

def reference(pos, h, eps, t, conditions, W_in, Wc, We1, We2, Wx, Wh, Wout, combined_mask, edge_index):
    mask = combined_mask
    n = pos.shape[0]
    gamma_t = _gamma(t)                      # [B,1]
    gamma_s = _gamma(t - 1.0 / TSTEPS)       # [B,1]
    alpha_t = jnp.sqrt(jax.nn.sigmoid(-gamma_t))
    sigma_t = jnp.sqrt(jax.nn.sigmoid(gamma_t))
    counts = jnp.maximum(jax.ops.segment_sum(jnp.ones((n,), jnp.float32), mask, num_segments=B), 1.0)
    # sample_center_gravity_zero_gaussian_batch: remove per-fragment CoG from position noise
    eps_pos = eps[:, :POS]
    seg_mean = jax.ops.segment_sum(eps_pos, mask, num_segments=B) / counts[:, None]
    eps_pos = eps_pos - seg_mean[mask]
    eps_c = jnp.concatenate([eps_pos, eps[:, POS:]], axis=1)
    # noised_representation: z_t = alpha_t * xh + sigma_t * eps
    xh = jnp.concatenate([pos, h], axis=1)
    z_t = alpha_t[mask] * xh + sigma_t[mask] * eps_c
    z_pos, z_h = z_t[:, :POS], z_t[:, POS:]
    # EGNN dynamics: node embed conditioned on t and conditions
    h_in = jnp.concatenate([z_h, t[mask]], axis=1)
    h_emb = jax.nn.silu(h_in @ W_in + (conditions @ Wc)[mask])
    src, dst = edge_index[0], edge_index[1]
    rel = z_pos[src] - z_pos[dst]
    d2 = jnp.sum(rel * rel, axis=1, keepdims=True)
    m = jax.nn.silu(jnp.concatenate([h_emb[src], h_emb[dst], d2], axis=1) @ We1)
    m = jax.nn.silu(m @ We2)
    agg = jax.ops.segment_sum(m, dst, num_segments=n)
    h_new = jax.nn.silu(jnp.concatenate([h_emb, agg], axis=1) @ Wh)
    net_eps_h = h_new @ Wout
    dpos = jax.ops.segment_sum(rel * (m @ Wx), dst, num_segments=n)
    # equivariant output: subtract per-fragment center of gravity
    dmean = jax.ops.segment_sum(dpos, mask, num_segments=B) / counts[:, None]
    net_eps_pos = dpos - dmean[mask]
    net_eps = jnp.concatenate([net_eps_pos, net_eps_h], axis=1)
    # error_t = sum_except_batch((eps - net_eps)^2) per sample, SNR weighting
    err_node = jnp.sum((eps_c - net_eps) ** 2, axis=1)
    error_t = jax.ops.segment_sum(err_node, mask, num_segments=B)
    snr_weight = 1.0 - jnp.exp(-(gamma_s - gamma_t))[:, 0]
    return error_t * snr_weight

if __name__ == "__main__":
    import jax
    _d = setup_inputs()
    print(jax.jit(kernel)(*tuple(_d.values())))

</pallas_src>

<mosaic_0001>
#map = affine_map<(d0, d1) -> (0, 0)>
#map1 = affine_map<(d0, d1) -> (0)>
module attributes {stable_mosaic.version = 14 : i64} {
  func.func @k(%arg0: i32, %arg1: i32, %arg2: memref<160000x128xf32, #tpu.memory_space<hbm>>, %arg3: memref<160000x128xf32, #tpu.memory_space<hbm>>, %arg4: memref<160000x128xf32, #tpu.memory_space<hbm>>, %arg5: memref<160000xi32, #tpu.memory_space<hbm>>, %arg6: memref<10000x128xf32, #tpu.memory_space<hbm>>, %arg7: memref<10000x128xf32, #tpu.memory_space<hbm>>, %arg8: memref<10000x128xf32, #tpu.memory_space<hbm>>, %arg9: memref<10000x128xf32, #tpu.memory_space<hbm>>, %arg10: memref<10000x128xf32, #tpu.memory_space<vmem_shared>>, %arg11: memref<8x128xf32, #tpu.memory_space<vmem>>, %arg12: memref<128x128xf32, #tpu.memory_space<vmem>>, %arg13: memref<128x128xf32, #tpu.memory_space<vmem>>, %arg14: memref<128xi32, #tpu.memory_space<vmem>>, %arg15: memref<128xi32, #tpu.memory_space<vmem>>, %arg16: memref<!tpu.dma_semaphore, #tpu.memory_space<semaphore_mem>>, %arg17: memref<!tpu.dma_semaphore, #tpu.memory_space<semaphore_mem>>, %arg18: memref<!tpu.dma_semaphore, #tpu.memory_space<semaphore_mem>>, %arg19: memref<!tpu.dma_semaphore, #tpu.memory_space<semaphore_mem>>, %arg20: memref<!tpu.dma_semaphore, #tpu.memory_space<semaphore_mem>>, %arg21: memref<!tpu.dma_semaphore, #tpu.memory_space<semaphore_mem>>) attributes {dimension_semantics = [#tpu.dimension_semantics<core_parallel>, #tpu.dimension_semantics<subcore_parallel>], iteration_bounds = array<i64: 2, 16>, scalar_prefetch = 0 : i64, scratch_operands = 12 : i64, tpu.core_type = #tpu.core_type<sc_vector_subcore>, window_params = [{transform_indices = #map}, {transform_indices = #map}, {transform_indices = #map}, {transform_indices = #map1}, {transform_indices = #map}, {transform_indices = #map}, {transform_indices = #map}, {transform_indices = #map}]} {
    %mul3A = arith.constant 632 : i32
    %mul3A_0 = arith.muli %arg1, %mul3A : i32
    %eq3A = arith.constant 15 : i32
    %eq3A_1 = arith.cmpi eq, %arg1, %eq3A : i32
    %jit3A = arith.constant 65 : i32
    %jit3A_2 = arith.constant 79 : i32
    %select_n3A = arith.select %eq3A_1, %jit3A, %jit3A_2 : i32
    %broadcast_in_dim3A = arith.constant 0.000000e+00 : f32
    %broadcast_in_dim3A_3 = vector.broadcast %broadcast_in_dim3A : f32 to vector<16xf32>
    %scan3A = arith.constant 0 : i32
    %scan3A_4 = arith.constant 8 : i32
    %scan3A_5 = arith.addi %scan3A, %scan3A_4 : i32
    %scan3A_6 = arith.constant 1 : i32
    scf.for %scan3A_89 = %scan3A to %scan3A_5 step %scan3A_6  : i32 {
      %mul3A_90 = arith.constant 1 : i32
      %mul3A_91 = arith.muli %scan3A_89, %mul3A_90 : i32
      %add3A_92 = arith.constant 0 : i32
      %add3A_93 = arith.addi %add3A_92, %mul3A_91 : i32
      %scan3A_94 = arith.constant 0 : i32
      %scan3A_95 = arith.constant 8 : i32
      %scan3A_96 = arith.addi %scan3A_94, %scan3A_95 : i32
      %scan3A_97 = arith.constant 1 : i32
      scf.for %scan3A_99 = %scan3A_94 to %scan3A_96 step %scan3A_97  : i32 {
        %mul3A_100 = arith.constant 1 : i32
        %mul3A_101 = arith.muli %scan3A_99, %mul3A_100 : i32
        %add3A_102 = arith.constant 0 : i32
        %add3A_103 = arith.addi %add3A_102, %mul3A_101 : i32
        %mul3A_104 = arith.constant 16 : i32
        %mul3A_105 = arith.muli %add3A_103, %mul3A_104 : i32
        %swap3A = arith.index_cast %add3A_93 : i32 to index
        %swap3A_106 = arith.index_cast %mul3A_105 : i32 to index
        %swap3A_107 = tpu.vector_load %arg11[%swap3A, %swap3A_106] {strides = array<i32>} : memref<8x128xf32, #tpu.memory_space<vmem>>, vector<16xf32>,
        tpu.vector_store %arg11[%swap3A, %swap3A_106], %broadcast_in_dim3A_3 {strides = array<i32>} : memref<8x128xf32, #tpu.memory_space<vmem>>, vector<16xf32>,
      }
      %scan3A_98 = arith.constant 8 : i32
    }
    %scan3A_7 = arith.constant 8 : i32
    %scan3A_8 = arith.constant 0 : i32
    %scan3A_9 = arith.constant 79 : i32
    %scan3A_10 = arith.addi %scan3A_8, %scan3A_9 : i32
    %scan3A_11 = arith.constant 1 : i32
    scf.for %scan3A_89 = %scan3A_8 to %scan3A_10 step %scan3A_11  : i32 {
      %mul3A_90 = arith.constant 1 : i32
      %mul3A_91 = arith.muli %scan3A_89, %mul3A_90 : i32
      %add3A_92 = arith.constant 0 : i32
      %add3A_93 = arith.addi %add3A_92, %mul3A_91 : i32
      %lt3A_94 = arith.cmpi slt, %add3A_93, %select_n3A : i32
      %convert_element_type3A_95 = arith.extui %lt3A_94 : i1 to i32
      %cond3A_96 = arith.constant 0 : i32
      %cond3A_97 = arith.cmpi ne, %convert_element_type3A_95, %cond3A_96 : i32
      scf.if %cond3A_97 {
        %mul3A_98 = arith.constant 8 : i32
        %mul3A_99 = arith.muli %add3A_93, %mul3A_98 : i32
        %add3A_100 = arith.addi %mul3A_0, %mul3A_99 : i32
        "tpu.region"() ({
          %run_scoped3A = tpu.sem_alloc : memref<!tpu.dma_semaphore, #tpu.memory_space<semaphore_mem>>
          %dma_start3A = arith.constant 0 : i32
          %dma_start3A_101 = tpu.memref_slice %arg10[%add3A_100, %dma_start3A] : memref<10000x128xf32, #tpu.memory_space<vmem_shared>> -> memref<8x128xf32, #tpu.memory_space<vmem_shared>>
          %dma_start3A_102 = arith.constant 0 : i32
          %dma_start3A_103 = tpu.memref_slice %arg10[%add3A_100, %dma_start3A_102] : memref<10000x128xf32, #tpu.memory_space<vmem_shared>> -> memref<8x128xf32, #tpu.memory_space<vmem_shared>>
          tpu.enqueue_dma source(%arg11 : memref<8x128xf32, #tpu.memory_space<vmem>>) target(%dma_start3A_103 : memref<8x128xf32, #tpu.memory_space<vmem_shared>>) target_semaphore(%run_scoped3A : memref<!tpu.dma_semaphore, #tpu.memory_space<semaphore_mem>>)
          %dma_wait3A = arith.constant 0 : i32
          %dma_wait3A_104 = tpu.memref_slice %arg10[%add3A_100, %dma_wait3A] : memref<10000x128xf32, #tpu.memory_space<vmem_shared>> -> memref<8x128xf32, #tpu.memory_space<vmem_shared>>
          %dma_wait3A_105 = arith.constant 0 : i32
          %dma_wait3A_106 = tpu.memref_slice %arg10[%add3A_100, %dma_wait3A_105] : memref<10000x128xf32, #tpu.memory_space<vmem_shared>> -> memref<8x128xf32, #tpu.memory_space<vmem_shared>>
          tpu.wait_dma2 semaphore(%run_scoped3A : memref<!tpu.dma_semaphore, #tpu.memory_space<semaphore_mem>>) src(%arg11 : memref<8x128xf32, #tpu.memory_space<vmem>>) dst(%dma_wait3A_106 : memref<8x128xf32, #tpu.memory_space<vmem_shared>>)
          tpu.yield
        }) : () -> ()
      } else {
      }
    }
    %scan3A_12 = arith.constant 79 : i32
    %barrier3A = arith.constant 0 : index
    tpu.barrier barrier_id(%barrier3A)
    %add3A = arith.constant 0 : i32
    %add3A_13 = arith.addi %add3A, %arg1 : i32
    %lt3A = arith.constant 1250 : i32
    %lt3A_14 = arith.cmpi slt, %add3A_13, %lt3A : i32
    %convert_element_type3A = arith.extui %lt3A_14 : i1 to i32
    %cond3A = arith.constant 0 : i32
    %cond3A_15 = arith.cmpi ne, %convert_element_type3A, %cond3A : i32
    scf.if %cond3A_15 {
      %add3A_89 = arith.constant 0 : i32
      %add3A_90 = arith.addi %add3A_89, %arg1 : i32
      %mul3A_91 = arith.constant 128 : i32
      %mul3A_92 = arith.muli %add3A_90, %mul3A_91 : i32
      %dma_start3A = tpu.memref_slice %arg5[%mul3A_92] : memref<160000xi32, #tpu.memory_space<hbm>> -> memref<128xi32, #tpu.memory_space<hbm>>
      %dma_start3A_93 = tpu.memref_slice %arg5[%mul3A_92] : memref<160000xi32, #tpu.memory_space<hbm>> -> memref<128xi32, #tpu.memory_space<hbm>>
      tpu.enqueue_dma source(%dma_start3A_93 : memref<128xi32, #tpu.memory_space<hbm>>) target(%arg14 : memref<128xi32, #tpu.memory_space<vmem>>) target_semaphore(%arg16 : memref<!tpu.dma_semaphore, #tpu.memory_space<semaphore_mem>>)
      %eq3A_94 = arith.constant 0 : i32
      %eq3A_95 = arith.cmpi eq, %arg0, %eq3A_94 : i32
      %convert_element_type3A_96 = arith.extui %eq3A_95 : i1 to i32
      %cond3A_97 = arith.constant 0 : i32
      %cond3A_98 = arith.cmpi ne, %convert_element_type3A_96, %cond3A_97 : i32
      scf.if %cond3A_98 {
        %dma_start3A_104 = arith.constant 0 : i32
        %dma_start3A_105 = tpu.memref_slice %arg2[%mul3A_92, %dma_start3A_104] : memref<160000x128xf32, #tpu.memory_space<hbm>> -> memref<128x128xf32, #tpu.memory_space<hbm>>
        %dma_start3A_106 = arith.constant 0 : i32
        %dma_start3A_107 = tpu.memref_slice %arg2[%mul3A_92, %dma_start3A_106] : memref<160000x128xf32, #tpu.memory_space<hbm>> -> memref<128x128xf32, #tpu.memory_space<hbm>>
        tpu.enqueue_dma source(%dma_start3A_107 : memref<128x128xf32, #tpu.memory_space<hbm>>) target(%arg12 : memref<128x128xf32, #tpu.memory_space<vmem>>) target_semaphore(%arg17 : memref<!tpu.dma_semaphore, #tpu.memory_space<semaphore_mem>>)
      } else {
      }
      %eq3A_99 = arith.constant 1 : i32
      %eq3A_100 = arith.cmpi eq, %arg0, %eq3A_99 : i32
      %convert_element_type3A_101 = arith.extui %eq3A_100 : i1 to i32
      %cond3A_102 = arith.constant 0 : i32
      %cond3A_103 = arith.cmpi ne, %convert_element_type3A_101, %cond3A_102 : i32
      scf.if %cond3A_103 {
        %dma_start3A_104 = arith.constant 0 : i32
        %dma_start3A_105 = tpu.memref_slice %arg3[%mul3A_92, %dma_start3A_104] : memref<160000x128xf32, #tpu.memory_space<hbm>> -> memref<128x128xf32, #tpu.memory_space<hbm>>
        %dma_start3A_106 = arith.constant 0 : i32
        %dma_start3A_107 = tpu.memref_slice %arg3[%mul3A_92, %dma_start3A_106] : memref<160000x128xf32, #tpu.memory_space<hbm>> -> memref<128x128xf32, #tpu.memory_space<hbm>>
        tpu.enqueue_dma source(%dma_start3A_107 : memref<128x128xf32, #tpu.memory_space<hbm>>) target(%arg12 : memref<128x128xf32, #tpu.memory_space<vmem>>) target_semaphore(%arg17 : memref<!tpu.dma_semaphore, #tpu.memory_space<semaphore_mem>>)
      } else {
      }
    } else {
    }
    %scan3A_16 = arith.constant 0 : i32
    %scan3A_17 = arith.constant 40 : i32
    %scan3A_18 = arith.addi %scan3A_16, %scan3A_17 : i32
    %scan3A_19 = arith.constant 1 : i32
    scf.for %scan3A_89 = %scan3A_16 to %scan3A_18 step %scan3A_19  : i32 {
      %mul3A_90 = arith.constant 1 : i32
      %mul3A_91 = arith.muli %scan3A_89, %mul3A_90 : i32
      %add3A_92 = arith.constant 0 : i32
      %add3A_93 = arith.addi %add3A_92, %mul3A_91 : i32
      %mul3A_94 = arith.constant 2 : i32
      %mul3A_95 = arith.muli %mul3A_94, %add3A_93 : i32
      %mul3A_96 = arith.constant 2 : i32
      %mul3A_97 = arith.muli %mul3A_96, %add3A_93 : i32
      %add3A_98 = arith.constant 1 : i32
      %add3A_99 = arith.addi %mul3A_97, %add3A_98 : i32
      %mul3A_100 = arith.constant 2 : i32
      %mul3A_101 = arith.muli %mul3A_100, %add3A_93 : i32
      %add3A_102 = arith.constant 2 : i32
      %add3A_103 = arith.addi %mul3A_101, %add3A_102 : i32
      %mul3A_104 = arith.constant 16 : i32
      %mul3A_105 = arith.muli %add3A_99, %mul3A_104 : i32
      %add3A_106 = arith.addi %mul3A_105, %arg1 : i32
      %lt3A_107 = arith.constant 1250 : i32
      %lt3A_108 = arith.cmpi slt, %add3A_106, %lt3A_107 : i32
      %ge3A = arith.constant 3 : i32
      %ge3A_109 = arith.cmpi sge, %add3A_99, %ge3A : i32
      %and3A = arith.andi %lt3A_108, %ge3A_109 : i1
      %convert_element_type3A_110 = arith.extui %and3A : i1 to i32
      %cond3A_111 = arith.constant 0 : i32
      %cond3A_112 = arith.cmpi ne, %convert_element_type3A_110, %cond3A_111 : i32
      scf.if %cond3A_112 {
        %dma_wait3A = arith.constant 0 : i32
        %dma_wait3A_145 = arith.constant 0 : i32
        %dma_wait3A_146 = tpu.memref_slice %arg10[%dma_wait3A, %dma_wait3A_145] : memref<10000x128xf32, #tpu.memory_space<vmem_shared>> -> memref<10000x128xf32, #tpu.memory_space<vmem_shared>>
        tpu.wait_indirect_dma semaphore(%arg21 : memref<!tpu.dma_semaphore, #tpu.memory_space<semaphore_mem>>) src(%arg13 : memref<128x128xf32, #tpu.memory_space<vmem>>) dst(%dma_wait3A_146 : memref<10000x128xf32, #tpu.memory_space<vmem_shared>>)
      } else {
      }
      %mul3A_113 = arith.constant 16 : i32
      %mul3A_114 = arith.muli %add3A_99, %mul3A_113 : i32
      %add3A_115 = arith.addi %mul3A_114, %arg1 : i32
      %lt3A_116 = arith.constant 1250 : i32
      %lt3A_117 = arith.cmpi slt, %add3A_115, %lt3A_116 : i32
      %convert_element_type3A_118 = arith.extui %lt3A_117 : i1 to i32
      %cond3A_119 = arith.constant 0 : i32
      %cond3A_120 = arith.cmpi ne, %convert_element_type3A_118, %cond3A_119 : i32
      scf.if %cond3A_120 {
        %mul3A_145 = arith.constant 16 : i32
        %mul3A_146 = arith.muli %add3A_99, %mul3A_145 : i32
        %add3A_147 = arith.addi %mul3A_146, %arg1 : i32
        %mul3A_148 = arith.constant 128 : i32
        %mul3A_149 = arith.muli %add3A_147, %mul3A_148 : i32
        %dma_start3A = tpu.memref_slice %arg5[%mul3A_149] : memref<160000xi32, #tpu.memory_space<hbm>> -> memref<128xi32, #tpu.memory_space<hbm>>
        %dma_start3A_150 = tpu.memref_slice %arg5[%mul3A_149] : memref<160000xi32, #tpu.memory_space<hbm>> -> memref<128xi32, #tpu.memory_space<hbm>>
        tpu.enqueue_dma source(%dma_start3A_150 : memref<128xi32, #tpu.memory_space<hbm>>) target(%arg15 : memref<128xi32, #tpu.memory_space<vmem>>) target_semaphore(%arg18 : memref<!tpu.dma_semaphore, #tpu.memory_space<semaphore_mem>>)
        %eq3A_151 = arith.constant 0 : i32
        %eq3A_152 = arith.cmpi eq, %arg0, %eq3A_151 : i32
        %convert_element_type3A_153 = arith.extui %eq3A_152 : i1 to i32
        %cond3A_154 = arith.constant 0 : i32
        %cond3A_155 = arith.cmpi ne, %convert_element_type3A_153, %cond3A_154 : i32
        scf.if %cond3A_155 {
          %dma_start3A_161 = arith.constant 0 : i32
          %dma_start3A_162 = tpu.memref_slice %arg2[%mul3A_149, %dma_start3A_161] : memref<160000x128xf32, #tpu.memory_space<hbm>> -> memref<128x128xf32, #tpu.memory_space<hbm>>
          %dma_start3A_163 = arith.constant 0 : i32
          %dma_start3A_164 = tpu.memref_slice %arg2[%mul3A_149, %dma_start3A_163] : memref<160000x128xf32, #tpu.memory_space<hbm>> -> memref<128x128xf32, #tpu.memory_space<hbm>>
          tpu.enqueue_dma source(%dma_start3A_164 : memref<128x128xf32, #tpu.memory_space<hbm>>) target(%arg13 : memref<128x128xf32, #tpu.memory_space<vmem>>) target_semaphore(%arg19 : memref<!tpu.dma_semaphore, #tpu.memory_space<semaphore_mem>>)
        } else {
        }
        %eq3A_156 = arith.constant 1 : i32
        %eq3A_157 = arith.cmpi eq, %arg0, %eq3A_156 : i32
        %convert_element_type3A_158 = arith.extui %eq3A_157 : i1 to i32
        %cond3A_159 = arith.constant 0 : i32
        %cond3A_160 = arith.cmpi ne, %convert_element_type3A_158, %cond3A_159 : i32
        scf.if %cond3A_160 {
          %dma_start3A_161 = arith.constant 0 : i32
          %dma_start3A_162 = tpu.memref_slice %arg3[%mul3A_149, %dma_start3A_161] : memref<160000x128xf32, #tpu.memory_space<hbm>> -> memref<128x128xf32, #tpu.memory_space<hbm>>
          %dma_start3A_163 = arith.constant 0 : i32
          %dma_start3A_164 = tpu.memref_slice %arg3[%mul3A_149, %dma_start3A_163] : memref<160000x128xf32, #tpu.memory_space<hbm>> -> memref<128x128xf32, #tpu.memory_space<hbm>>
          tpu.enqueue_dma source(%dma_start3A_164 : memref<128x128xf32, #tpu.memory_space<hbm>>) target(%arg13 : memref<128x128xf32, #tpu.memory_space<vmem>>) target_semaphore(%arg19 : memref<!tpu.dma_semaphore, #tpu.memory_space<semaphore_mem>>)
        } else {
        }
      } else {
      }
      %mul3A_121 = arith.constant 16 : i32
      %mul3A_122 = arith.muli %mul3A_95, %mul3A_121 : i32
      %add3A_123 = arith.addi %mul3A_122, %arg1 : i32
      %lt3A_124 = arith.constant 1250 : i32
      %lt3A_125 = arith.cmpi slt, %add3A_123, %lt3A_124 : i32
      %convert_element_type3A_126 = arith.extui %lt3A_125 : i1 to i32
      %cond3A_127 = arith.constant 0 : i32
      %cond3A_128 = arith.cmpi ne, %convert_element_type3A_126, %cond3A_127 : i32
      scf.if %cond3A_128 {
        %dma_wait3A = arith.constant 0 : i32
        %dma_wait3A_145 = tpu.memref_slice %arg5[%dma_wait3A] : memref<160000xi32, #tpu.memory_space<hbm>> -> memref<128xi32, #tpu.memory_space<hbm>>
        %dma_wait3A_146 = arith.constant 0 : i32
        %dma_wait3A_147 = tpu.memref_slice %arg5[%dma_wait3A_146] : memref<160000xi32, #tpu.memory_space<hbm>> -> memref<128xi32, #tpu.memory_space<hbm>>
        tpu.wait_dma2 semaphore(%arg16 : memref<!tpu.dma_semaphore, #tpu.memory_space<semaphore_mem>>) src(%dma_wait3A_147 : memref<128xi32, #tpu.memory_space<hbm>>) dst(%arg14 : memref<128xi32, #tpu.memory_space<vmem>>)
        %dma_wait3A_148 = arith.constant 0 : i32
        %dma_wait3A_149 = arith.constant 0 : i32
        %dma_wait3A_150 = tpu.memref_slice %arg2[%dma_wait3A_148, %dma_wait3A_149] : memref<160000x128xf32, #tpu.memory_space<hbm>> -> memref<128x128xf32, #tpu.memory_space<hbm>>
        %dma_wait3A_151 = arith.constant 0 : i32
        %dma_wait3A_152 = arith.constant 0 : i32
        %dma_wait3A_153 = tpu.memref_slice %arg2[%dma_wait3A_151, %dma_wait3A_152] : memref<160000x128xf32, #tpu.memory_space<hbm>> -> memref<128x128xf32, #tpu.memory_space<hbm>>
        tpu.wait_dma2 semaphore(%arg17 : memref<!tpu.dma_semaphore, #tpu.memory_space<semaphore_mem>>) src(%dma_wait3A_153 : memref<128x128xf32, #tpu.memory_space<hbm>>) dst(%arg12 : memref<128x128xf32, #tpu.memory_space<vmem>>)
        %dma_start3A = arith.constant 0 : i32
        %dma_start3A_154 = arith.constant 0 : i32
        %dma_start3A_155 = tpu.memref_slice %arg10[%dma_start3A, %dma_start3A_154] : memref<10000x128xf32, #tpu.memory_space<vmem_shared>> -> memref<10000x128xf32, #tpu.memory_space<vmem_shared>>
        tpu.enqueue_indirect_dma source(%arg12 : memref<128x128xf32, #tpu.memory_space<vmem>>) target(%dma_start3A_155 : memref<10000x128xf32, #tpu.memory_space<vmem_shared>>) offsets(%arg14 : memref<128xi32, #tpu.memory_space<vmem>>) semaphore(%arg20 : memref<!tpu.dma_semaphore, #tpu.memory_space<semaphore_mem>>) {add = true}
      } else {
      }
      %mul3A_129 = arith.constant 16 : i32
      %mul3A_130 = arith.muli %add3A_103, %mul3A_129 : i32
      %add3A_131 = arith.addi %mul3A_130, %arg1 : i32
      %lt3A_132 = arith.constant 1250 : i32
      %lt3A_133 = arith.cmpi slt, %add3A_131, %lt3A_132 : i32
      %convert_element_type3A_134 = arith.extui %lt3A_133 : i1 to i32
      %cond3A_135 = arith.constant 0 : i32
      %cond3A_136 = arith.cmpi ne, %convert_element_type3A_134, %cond3A_135 : i32
      scf.if %cond3A_136 {
        %dma_wait3A = arith.constant 0 : i32
        %dma_wait3A_145 = arith.constant 0 : i32
        %dma_wait3A_146 = tpu.memref_slice %arg10[%dma_wait3A, %dma_wait3A_145] : memref<10000x128xf32, #tpu.memory_space<vmem_shared>> -> memref<10000x128xf32, #tpu.memory_space<vmem_shared>>
        tpu.wait_indirect_dma semaphore(%arg20 : memref<!tpu.dma_semaphore, #tpu.memory_space<semaphore_mem>>) src(%arg12 : memref<128x128xf32, #tpu.memory_space<vmem>>) dst(%dma_wait3A_146 : memref<10000x128xf32, #tpu.memory_space<vmem_shared>>)
        %mul3A_147 = arith.constant 16 : i32
        %mul3A_148 = arith.muli %add3A_103, %mul3A_147 : i32
        %add3A_149 = arith.addi %mul3A_148, %arg1 : i32
        %mul3A_150 = arith.constant 128 : i32
        %mul3A_151 = arith.muli %add3A_149, %mul3A_150 : i32
        %dma_start3A = tpu.memref_slice %arg5[%mul3A_151] : memref<160000xi32, #tpu.memory_space<hbm>> -> memref<128xi32, #tpu.memory_space<hbm>>
        %dma_start3A_152 = tpu.memref_slice %arg5[%mul3A_151] : memref<160000xi32, #tpu.memory_space<hbm>> -> memref<128xi32, #tpu.memory_space<hbm>>
        tpu.enqueue_dma source(%dma_start3A_152 : memref<128xi32, #tpu.memory_space<hbm>>) target(%arg14 : memref<128xi32, #tpu.memory_space<vmem>>) target_semaphore(%arg16 : memref<!tpu.dma_semaphore, #tpu.memory_space<semaphore_mem>>)
        %eq3A_153 = arith.constant 0 : i32
        %eq3A_154 = arith.cmpi eq, %arg0, %eq3A_153 : i32
        %convert_element_type3A_155 = arith.extui %eq3A_154 : i1 to i32
        %cond3A_156 = arith.constant 0 : i32
        %cond3A_157 = arith.cmpi ne, %convert_element_type3A_155, %cond3A_156 : i32
        scf.if %cond3A_157 {
          %dma_start3A_163 = arith.constant 0 : i32
          %dma_start3A_164 = tpu.memref_slice %arg2[%mul3A_151, %dma_start3A_163] : memref<160000x128xf32, #tpu.memory_space<hbm>> -> memref<128x128xf32, #tpu.memory_space<hbm>>
          %dma_start3A_165 = arith.constant 0 : i32
          %dma_start3A_166 = tpu.memref_slice %arg2[%mul3A_151, %dma_start3A_165] : memref<160000x128xf32, #tpu.memory_space<hbm>> -> memref<128x128xf32, #tpu.memory_space<hbm>>
          tpu.enqueue_dma source(%dma_start3A_166 : memref<128x128xf32, #tpu.memory_space<hbm>>) target(%arg12 : memref<128x128xf32, #tpu.memory_space<vmem>>) target_semaphore(%arg17 : memref<!tpu.dma_semaphore, #tpu.memory_space<semaphore_mem>>)
        } else {
        }
        %eq3A_158 = arith.constant 1 : i32
        %eq3A_159 = arith.cmpi eq, %arg0, %eq3A_158 : i32
        %convert_element_type3A_160 = arith.extui %eq3A_159 : i1 to i32
        %cond3A_161 = arith.constant 0 : i32
        %cond3A_162 = arith.cmpi ne, %convert_element_type3A_160, %cond3A_161 : i32
        scf.if %cond3A_162 {
          %dma_start3A_163 = arith.constant 0 : i32
          %dma_start3A_164 = tpu.memref_slice %arg3[%mul3A_151, %dma_start3A_163] : memref<160000x128xf32, #tpu.memory_space<hbm>> -> memref<128x128xf32, #tpu.memory_space<hbm>>
          %dma_start3A_165 = arith.constant 0 : i32
          %dma_start3A_166 = tpu.memref_slice %arg3[%mul3A_151, %dma_start3A_165] : memref<160000x128xf32, #tpu.memory_space<hbm>> -> memref<128x128xf32, #tpu.memory_space<hbm>>
          tpu.enqueue_dma source(%dma_start3A_166 : memref<128x128xf32, #tpu.memory_space<hbm>>) target(%arg12 : memref<128x128xf32, #tpu.memory_space<vmem>>) target_semaphore(%arg17 : memref<!tpu.dma_semaphore, #tpu.memory_space<semaphore_mem>>)
        } else {
        }
      } else {
      }
      %mul3A_137 = arith.constant 16 : i32
      %mul3A_138 = arith.muli %add3A_99, %mul3A_137 : i32
      %add3A_139 = arith.addi %mul3A_138, %arg1 : i32
      %lt3A_140 = arith.constant 1250 : i32
      %lt3A_141 = arith.cmpi slt, %add3A_139, %lt3A_140 : i32
      %convert_element_type3A_142 = arith.extui %lt3A_141 : i1 to i32
      %cond3A_143 = arith.constant 0 : i32
      %cond3A_144 = arith.cmpi ne, %convert_element_type3A_142, %cond3A_143 : i32
      scf.if %cond3A_144 {
        %dma_wait3A = arith.constant 0 : i32
        %dma_wait3A_145 = tpu.memref_slice %arg5[%dma_wait3A] : memref<160000xi32, #tpu.memory_space<hbm>> -> memref<128xi32, #tpu.memory_space<hbm>>
        %dma_wait3A_146 = arith.constant 0 : i32
        %dma_wait3A_147 = tpu.memref_slice %arg5[%dma_wait3A_146] : memref<160000xi32, #tpu.memory_space<hbm>> -> memref<128xi32, #tpu.memory_space<hbm>>
        tpu.wait_dma2 semaphore(%arg18 : memref<!tpu.dma_semaphore, #tpu.memory_space<semaphore_mem>>) src(%dma_wait3A_147 : memref<128xi32, #tpu.memory_space<hbm>>) dst(%arg15 : memref<128xi32, #tpu.memory_space<vmem>>)
        %dma_wait3A_148 = arith.constant 0 : i32
        %dma_wait3A_149 = arith.constant 0 : i32
        %dma_wait3A_150 = tpu.memref_slice %arg2[%dma_wait3A_148, %dma_wait3A_149] : memref<160000x128xf32, #tpu.memory_space<hbm>> -> memref<128x128xf32, #tpu.memory_space<hbm>>
        %dma_wait3A_151 = arith.constant 0 : i32
        %dma_wait3A_152 = arith.constant 0 : i32
        %dma_wait3A_153 = tpu.memref_slice %arg2[%dma_wait3A_151, %dma_wait3A_152] : memref<160000x128xf32, #tpu.memory_space<hbm>> -> memref<128x128xf32, #tpu.memory_space<hbm>>
        tpu.wait_dma2 semaphore(%arg19 : memref<!tpu.dma_semaphore, #tpu.memory_space<semaphore_mem>>) src(%dma_wait3A_153 : memref<128x128xf32, #tpu.memory_space<hbm>>) dst(%arg13 : memref<128x128xf32, #tpu.memory_space<vmem>>)
        %dma_start3A = arith.constant 0 : i32
        %dma_start3A_154 = arith.constant 0 : i32
        %dma_start3A_155 = tpu.memref_slice %arg10[%dma_start3A, %dma_start3A_154] : memref<10000x128xf32, #tpu.memory_space<vmem_shared>> -> memref<10000x128xf32, #tpu.memory_space<vmem_shared>>
        tpu.enqueue_indirect_dma source(%arg13 : memref<128x128xf32, #tpu.memory_space<vmem>>) target(%dma_start3A_155 : memref<10000x128xf32, #tpu.memory_space<vmem_shared>>) offsets(%arg15 : memref<128xi32, #tpu.memory_space<vmem>>) semaphore(%arg21 : memref<!tpu.dma_semaphore, #tpu.memory_space<semaphore_mem>>) {add = true}
      } else {
      }
    }
    %scan3A_20 = arith.constant 40 : i32
    %add3A_21 = arith.constant 0 : i32
    %add3A_22 = arith.addi %add3A_21, %arg1 : i32
    %lt3A_23 = arith.constant 1250 : i32
    %lt3A_24 = arith.cmpi slt, %add3A_22, %lt3A_23 : i32
    %convert_element_type3A_25 = arith.extui %lt3A_24 : i1 to i32
    %cond3A_26 = arith.constant 0 : i32
    %cond3A_27 = arith.cmpi ne, %convert_element_type3A_25, %cond3A_26 : i32
    scf.if %cond3A_27 {
      %dma_wait3A = arith.constant 0 : i32
      %dma_wait3A_89 = arith.constant 0 : i32
      %dma_wait3A_90 = tpu.memref_slice %arg10[%dma_wait3A, %dma_wait3A_89] : memref<10000x128xf32, #tpu.memory_space<vmem_shared>> -> memref<10000x128xf32, #tpu.memory_space<vmem_shared>>
      tpu.wait_indirect_dma semaphore(%arg20 : memref<!tpu.dma_semaphore, #tpu.memory_space<semaphore_mem>>) src(%arg12 : memref<128x128xf32, #tpu.memory_space<vmem>>) dst(%dma_wait3A_90 : memref<10000x128xf32, #tpu.memory_space<vmem_shared>>)
    } else {
    }
    %add3A_28 = arith.constant 16 : i32
    %add3A_29 = arith.addi %add3A_28, %arg1 : i32
    %lt3A_30 = arith.constant 1250 : i32
    %lt3A_31 = arith.cmpi slt, %add3A_29, %lt3A_30 : i32
    %convert_element_type3A_32 = arith.extui %lt3A_31 : i1 to i32
    %cond3A_33 = arith.constant 0 : i32
    %cond3A_34 = arith.cmpi ne, %convert_element_type3A_32, %cond3A_33 : i32
    scf.if %cond3A_34 {
      %dma_wait3A = arith.constant 0 : i32
      %dma_wait3A_89 = arith.constant 0 : i32
      %dma_wait3A_90 = tpu.memref_slice %arg10[%dma_wait3A, %dma_wait3A_89] : memref<10000x128xf32, #tpu.memory_space<vmem_shared>> -> memref<10000x128xf32, #tpu.memory_space<vmem_shared>>
      tpu.wait_indirect_dma semaphore(%arg21 : memref<!tpu.dma_semaphore, #tpu.memory_space<semaphore_mem>>) src(%arg13 : memref<128x128xf32, #tpu.memory_space<vmem>>) dst(%dma_wait3A_90 : memref<10000x128xf32, #tpu.memory_space<vmem_shared>>)
    } else {
    }
    %barrier3A_35 = arith.constant 0 : index
    tpu.barrier barrier_id(%barrier3A_35)
    %eq3A_36 = arith.constant 0 : i32
    %eq3A_37 = arith.cmpi eq, %arg0, %eq3A_36 : i32
    %convert_element_type3A_38 = arith.extui %eq3A_37 : i1 to i32
    %cond3A_39 = arith.constant 0 : i32
    %cond3A_40 = arith.cmpi ne, %convert_element_type3A_38, %cond3A_39 : i32
    scf.if %cond3A_40 {
      %lt3A_89 = arith.constant 15 : i32
      %lt3A_90 = arith.cmpi slt, %arg1, %lt3A_89 : i32
      %convert_element_type3A_91 = arith.extui %lt3A_90 : i1 to i32
      %cond3A_92 = arith.constant 0 : i32
      %cond3A_93 = arith.cmpi ne, %convert_element_type3A_91, %cond3A_92 : i32
      scf.if %cond3A_93 {
        "tpu.region"() ({
          %run_scoped3A = tpu.sem_alloc : memref<!tpu.dma_semaphore, #tpu.memory_space<semaphore_mem>>
          %dma_start3A = arith.constant 0 : i32
          %dma_start3A_99 = tpu.memref_slice %arg6[%mul3A_0, %dma_start3A] : memref<10000x128xf32, #tpu.memory_space<hbm>> -> memref<632x128xf32, #tpu.memory_space<hbm>>
          %dma_start3A_100 = arith.constant 0 : i32
          %dma_start3A_101 = tpu.memref_slice %arg10[%mul3A_0, %dma_start3A_100] : memref<10000x128xf32, #tpu.memory_space<vmem_shared>> -> memref<632x128xf32, #tpu.memory_space<vmem_shared>>
          tpu.enqueue_dma source(%dma_start3A_101 : memref<632x128xf32, #tpu.memory_space<vmem_shared>>) target(%dma_start3A_99 : memref<632x128xf32, #tpu.memory_space<hbm>>) target_semaphore(%run_scoped3A : memref<!tpu.dma_semaphore, #tpu.memory_space<semaphore_mem>>)
          %dma_wait3A = arith.constant 0 : i32
          %dma_wait3A_102 = tpu.memref_slice %arg6[%mul3A_0, %dma_wait3A] : memref<10000x128xf32, #tpu.memory_space<hbm>> -> memref<632x128xf32, #tpu.memory_space<hbm>>
          %dma_wait3A_103 = arith.constant 0 : i32
          %dma_wait3A_104 = tpu.memref_slice %arg10[%mul3A_0, %dma_wait3A_103] : memref<10000x128xf32, #tpu.memory_space<vmem_shared>> -> memref<632x128xf32, #tpu.memory_space<vmem_shared>>
          tpu.wait_dma2 semaphore(%run_scoped3A : memref<!tpu.dma_semaphore, #tpu.memory_space<semaphore_mem>>) src(%dma_wait3A_104 : memref<632x128xf32, #tpu.memory_space<vmem_shared>>) dst(%dma_wait3A_102 : memref<632x128xf32, #tpu.memory_space<hbm>>)
          tpu.yield
        }) : () -> ()
      } else {
      }
      %eq3A_94 = arith.constant 15 : i32
      %eq3A_95 = arith.cmpi eq, %arg1, %eq3A_94 : i32
      %convert_element_type3A_96 = arith.extui %eq3A_95 : i1 to i32
      %cond3A_97 = arith.constant 0 : i32
      %cond3A_98 = arith.cmpi ne, %convert_element_type3A_96, %cond3A_97 : i32
      scf.if %cond3A_98 {
        "tpu.region"() ({
          %run_scoped3A = tpu.sem_alloc : memref<!tpu.dma_semaphore, #tpu.memory_space<semaphore_mem>>
          %dma_start3A = arith.constant 0 : i32
          %dma_start3A_99 = tpu.memref_slice %arg6[%mul3A_0, %dma_start3A] : memref<10000x128xf32, #tpu.memory_space<hbm>> -> memref<520x128xf32, #tpu.memory_space<hbm>>
          %dma_start3A_100 = arith.constant 0 : i32
          %dma_start3A_101 = tpu.memref_slice %arg10[%mul3A_0, %dma_start3A_100] : memref<10000x128xf32, #tpu.memory_space<vmem_shared>> -> memref<520x128xf32, #tpu.memory_space<vmem_shared>>
          tpu.enqueue_dma source(%dma_start3A_101 : memref<520x128xf32, #tpu.memory_space<vmem_shared>>) target(%dma_start3A_99 : memref<520x128xf32, #tpu.memory_space<hbm>>) target_semaphore(%run_scoped3A : memref<!tpu.dma_semaphore, #tpu.memory_space<semaphore_mem>>)
          %dma_wait3A = arith.constant 0 : i32
          %dma_wait3A_102 = tpu.memref_slice %arg6[%mul3A_0, %dma_wait3A] : memref<10000x128xf32, #tpu.memory_space<hbm>> -> memref<520x128xf32, #tpu.memory_space<hbm>>
          %dma_wait3A_103 = arith.constant 0 : i32
          %dma_wait3A_104 = tpu.memref_slice %arg10[%mul3A_0, %dma_wait3A_103] : memref<10000x128xf32, #tpu.memory_space<vmem_shared>> -> memref<520x128xf32, #tpu.memory_space<vmem_shared>>
          tpu.wait_dma2 semaphore(%run_scoped3A : memref<!tpu.dma_semaphore, #tpu.memory_space<semaphore_mem>>) src(%dma_wait3A_104 : memref<520x128xf32, #tpu.memory_space<vmem_shared>>) dst(%dma_wait3A_102 : memref<520x128xf32, #tpu.memory_space<hbm>>)
          tpu.yield
        }) : () -> ()
      } else {
      }
    } else {
    }
    %eq3A_41 = arith.constant 1 : i32
    %eq3A_42 = arith.cmpi eq, %arg0, %eq3A_41 : i32
    %convert_element_type3A_43 = arith.extui %eq3A_42 : i1 to i32
    %cond3A_44 = arith.constant 0 : i32
    %cond3A_45 = arith.cmpi ne, %convert_element_type3A_43, %cond3A_44 : i32
    scf.if %cond3A_45 {
      %lt3A_89 = arith.constant 15 : i32
      %lt3A_90 = arith.cmpi slt, %arg1, %lt3A_89 : i32
      %convert_element_type3A_91 = arith.extui %lt3A_90 : i1 to i32
      %cond3A_92 = arith.constant 0 : i32
      %cond3A_93 = arith.cmpi ne, %convert_element_type3A_91, %cond3A_92 : i32
      scf.if %cond3A_93 {
        "tpu.region"() ({
          %run_scoped3A = tpu.sem_alloc : memref<!tpu.dma_semaphore, #tpu.memory_space<semaphore_mem>>
          %dma_start3A = arith.constant 0 : i32
          %dma_start3A_99 = tpu.memref_slice %arg7[%mul3A_0, %dma_start3A] : memref<10000x128xf32, #tpu.memory_space<hbm>> -> memref<632x128xf32, #tpu.memory_space<hbm>>
          %dma_start3A_100 = arith.constant 0 : i32
          %dma_start3A_101 = tpu.memref_slice %arg10[%mul3A_0, %dma_start3A_100] : memref<10000x128xf32, #tpu.memory_space<vmem_shared>> -> memref<632x128xf32, #tpu.memory_space<vmem_shared>>
          tpu.enqueue_dma source(%dma_start3A_101 : memref<632x128xf32, #tpu.memory_space<vmem_shared>>) target(%dma_start3A_99 : memref<632x128xf32, #tpu.memory_space<hbm>>) target_semaphore(%run_scoped3A : memref<!tpu.dma_semaphore, #tpu.memory_space<semaphore_mem>>)
          %dma_wait3A = arith.constant 0 : i32
          %dma_wait3A_102 = tpu.memref_slice %arg7[%mul3A_0, %dma_wait3A] : memref<10000x128xf32, #tpu.memory_space<hbm>> -> memref<632x128xf32, #tpu.memory_space<hbm>>
          %dma_wait3A_103 = arith.constant 0 : i32
          %dma_wait3A_104 = tpu.memref_slice %arg10[%mul3A_0, %dma_wait3A_103] : memref<10000x128xf32, #tpu.memory_space<vmem_shared>> -> memref<632x128xf32, #tpu.memory_space<vmem_shared>>
          tpu.wait_dma2 semaphore(%run_scoped3A : memref<!tpu.dma_semaphore, #tpu.memory_space<semaphore_mem>>) src(%dma_wait3A_104 : memref<632x128xf32, #tpu.memory_space<vmem_shared>>) dst(%dma_wait3A_102 : memref<632x128xf32, #tpu.memory_space<hbm>>)
          tpu.yield
        }) : () -> ()
      } else {
      }
      %eq3A_94 = arith.constant 15 : i32
      %eq3A_95 = arith.cmpi eq, %arg1, %eq3A_94 : i32
      %convert_element_type3A_96 = arith.extui %eq3A_95 : i1 to i32
      %cond3A_97 = arith.constant 0 : i32
      %cond3A_98 = arith.cmpi ne, %convert_element_type3A_96, %cond3A_97 : i32
      scf.if %cond3A_98 {
        "tpu.region"() ({
          %run_scoped3A = tpu.sem_alloc : memref<!tpu.dma_semaphore, #tpu.memory_space<semaphore_mem>>
          %dma_start3A = arith.constant 0 : i32
          %dma_start3A_99 = tpu.memref_slice %arg7[%mul3A_0, %dma_start3A] : memref<10000x128xf32, #tpu.memory_space<hbm>> -> memref<520x128xf32, #tpu.memory_space<hbm>>
          %dma_start3A_100 = arith.constant 0 : i32
          %dma_start3A_101 = tpu.memref_slice %arg10[%mul3A_0, %dma_start3A_100] : memref<10000x128xf32, #tpu.memory_space<vmem_shared>> -> memref<520x128xf32, #tpu.memory_space<vmem_shared>>
          tpu.enqueue_dma source(%dma_start3A_101 : memref<520x128xf32, #tpu.memory_space<vmem_shared>>) target(%dma_start3A_99 : memref<520x128xf32, #tpu.memory_space<hbm>>) target_semaphore(%run_scoped3A : memref<!tpu.dma_semaphore, #tpu.memory_space<semaphore_mem>>)
          %dma_wait3A = arith.constant 0 : i32
          %dma_wait3A_102 = tpu.memref_slice %arg7[%mul3A_0, %dma_wait3A] : memref<10000x128xf32, #tpu.memory_space<hbm>> -> memref<520x128xf32, #tpu.memory_space<hbm>>
          %dma_wait3A_103 = arith.constant 0 : i32
          %dma_wait3A_104 = tpu.memref_slice %arg10[%mul3A_0, %dma_wait3A_103] : memref<10000x128xf32, #tpu.memory_space<vmem_shared>> -> memref<520x128xf32, #tpu.memory_space<vmem_shared>>
          tpu.wait_dma2 semaphore(%run_scoped3A : memref<!tpu.dma_semaphore, #tpu.memory_space<semaphore_mem>>) src(%dma_wait3A_104 : memref<520x128xf32, #tpu.memory_space<vmem_shared>>) dst(%dma_wait3A_102 : memref<520x128xf32, #tpu.memory_space<hbm>>)
          tpu.yield
        }) : () -> ()
      } else {
      }
    } else {
    }
    %scan3A_46 = arith.constant 0 : i32
    %scan3A_47 = arith.constant 79 : i32
    %scan3A_48 = arith.addi %scan3A_46, %scan3A_47 : i32
    %scan3A_49 = arith.constant 1 : i32
    scf.for %scan3A_89 = %scan3A_46 to %scan3A_48 step %scan3A_49  : i32 {
      %mul3A_90 = arith.constant 1 : i32
      %mul3A_91 = arith.muli %scan3A_89, %mul3A_90 : i32
      %add3A_92 = arith.constant 0 : i32
      %add3A_93 = arith.addi %add3A_92, %mul3A_91 : i32
      %lt3A_94 = arith.cmpi slt, %add3A_93, %select_n3A : i32
      %convert_element_type3A_95 = arith.extui %lt3A_94 : i1 to i32
      %cond3A_96 = arith.constant 0 : i32
      %cond3A_97 = arith.cmpi ne, %convert_element_type3A_95, %cond3A_96 : i32
      scf.if %cond3A_97 {
        %mul3A_98 = arith.constant 8 : i32
        %mul3A_99 = arith.muli %add3A_93, %mul3A_98 : i32
        %add3A_100 = arith.addi %mul3A_0, %mul3A_99 : i32
        "tpu.region"() ({
          %run_scoped3A = tpu.sem_alloc : memref<!tpu.dma_semaphore, #tpu.memory_space<semaphore_mem>>
          %dma_start3A = arith.constant 0 : i32
          %dma_start3A_101 = tpu.memref_slice %arg10[%add3A_100, %dma_start3A] : memref<10000x128xf32, #tpu.memory_space<vmem_shared>> -> memref<8x128xf32, #tpu.memory_space<vmem_shared>>
          %dma_start3A_102 = arith.constant 0 : i32
          %dma_start3A_103 = tpu.memref_slice %arg10[%add3A_100, %dma_start3A_102] : memref<10000x128xf32, #tpu.memory_space<vmem_shared>> -> memref<8x128xf32, #tpu.memory_space<vmem_shared>>
          tpu.enqueue_dma source(%arg11 : memref<8x128xf32, #tpu.memory_space<vmem>>) target(%dma_start3A_103 : memref<8x128xf32, #tpu.memory_space<vmem_shared>>) target_semaphore(%run_scoped3A : memref<!tpu.dma_semaphore, #tpu.memory_space<semaphore_mem>>)
          %dma_wait3A = arith.constant 0 : i32
          %dma_wait3A_104 = tpu.memref_slice %arg10[%add3A_100, %dma_wait3A] : memref<10000x128xf32, #tpu.memory_space<vmem_shared>> -> memref<8x128xf32, #tpu.memory_space<vmem_shared>>
          %dma_wait3A_105 = arith.constant 0 : i32
          %dma_wait3A_106 = tpu.memref_slice %arg10[%add3A_100, %dma_wait3A_105] : memref<10000x128xf32, #tpu.memory_space<vmem_shared>> -> memref<8x128xf32, #tpu.memory_space<vmem_shared>>
          tpu.wait_dma2 semaphore(%run_scoped3A : memref<!tpu.dma_semaphore, #tpu.memory_space<semaphore_mem>>) src(%arg11 : memref<8x128xf32, #tpu.memory_space<vmem>>) dst(%dma_wait3A_106 : memref<8x128xf32, #tpu.memory_space<vmem_shared>>)
          tpu.yield
        }) : () -> ()
      } else {
      }
    }
    %scan3A_50 = arith.constant 79 : i32
    %barrier3A_51 = arith.constant 0 : index
    tpu.barrier barrier_id(%barrier3A_51)
    %add3A_52 = arith.constant 0 : i32
    %add3A_53 = arith.addi %add3A_52, %arg1 : i32
    %lt3A_54 = arith.constant 625 : i32
    %lt3A_55 = arith.cmpi slt, %add3A_53, %lt3A_54 : i32
    %convert_element_type3A_56 = arith.extui %lt3A_55 : i1 to i32
    %cond3A_57 = arith.constant 0 : i32
    %cond3A_58 = arith.cmpi ne, %convert_element_type3A_56, %cond3A_57 : i32
    scf.if %cond3A_58 {
      %mul3A_89 = arith.constant 625 : i32
      %mul3A_90 = arith.muli %arg0, %mul3A_89 : i32
      %add3A_91 = arith.constant 0 : i32
      %add3A_92 = arith.addi %mul3A_90, %add3A_91 : i32
      %add3A_93 = arith.addi %add3A_92, %arg1 : i32
      %mul3A_94 = arith.constant 128 : i32
      %mul3A_95 = arith.muli %add3A_93, %mul3A_94 : i32
      %dma_start3A = tpu.memref_slice %arg5[%mul3A_95] : memref<160000xi32, #tpu.memory_space<hbm>> -> memref<128xi32, #tpu.memory_space<hbm>>
      %dma_start3A_96 = tpu.memref_slice %arg5[%mul3A_95] : memref<160000xi32, #tpu.memory_space<hbm>> -> memref<128xi32, #tpu.memory_space<hbm>>
      tpu.enqueue_dma source(%dma_start3A_96 : memref<128xi32, #tpu.memory_space<hbm>>) target(%arg14 : memref<128xi32, #tpu.memory_space<vmem>>) target_semaphore(%arg16 : memref<!tpu.dma_semaphore, #tpu.memory_space<semaphore_mem>>)
      %dma_start3A_97 = arith.constant 0 : i32
      %dma_start3A_98 = tpu.memref_slice %arg4[%mul3A_95, %dma_start3A_97] : memref<160000x128xf32, #tpu.memory_space<hbm>> -> memref<128x128xf32, #tpu.memory_space<hbm>>
      %dma_start3A_99 = arith.constant 0 : i32
      %dma_start3A_100 = tpu.memref_slice %arg4[%mul3A_95, %dma_start3A_99] : memref<160000x128xf32, #tpu.memory_space<hbm>> -> memref<128x128xf32, #tpu.memory_space<hbm>>
      tpu.enqueue_dma source(%dma_start3A_100 : memref<128x128xf32, #tpu.memory_space<hbm>>) target(%arg12 : memref<128x128xf32, #tpu.memory_space<vmem>>) target_semaphore(%arg17 : memref<!tpu.dma_semaphore, #tpu.memory_space<semaphore_mem>>)
    } else {
    }
    %scan3A_59 = arith.constant 0 : i32
    %scan3A_60 = arith.constant 20 : i32
    %scan3A_61 = arith.addi %scan3A_59, %scan3A_60 : i32
    %scan3A_62 = arith.constant 1 : i32
    scf.for %scan3A_89 = %scan3A_59 to %scan3A_61 step %scan3A_62  : i32 {
      %mul3A_90 = arith.constant 1 : i32
      %mul3A_91 = arith.muli %scan3A_89, %mul3A_90 : i32
      %add3A_92 = arith.constant 0 : i32
      %add3A_93 = arith.addi %add3A_92, %mul3A_91 : i32
      %mul3A_94 = arith.constant 2 : i32
      %mul3A_95 = arith.muli %mul3A_94, %add3A_93 : i32
      %mul3A_96 = arith.constant 2 : i32
      %mul3A_97 = arith.muli %mul3A_96, %add3A_93 : i32
      %add3A_98 = arith.constant 1 : i32
      %add3A_99 = arith.addi %mul3A_97, %add3A_98 : i32
      %mul3A_100 = arith.constant 2 : i32
      %mul3A_101 = arith.muli %mul3A_100, %add3A_93 : i32
      %add3A_102 = arith.constant 2 : i32
      %add3A_103 = arith.addi %mul3A_101, %add3A_102 : i32
      %mul3A_104 = arith.constant 16 : i32
      %mul3A_105 = arith.muli %add3A_99, %mul3A_104 : i32
      %add3A_106 = arith.addi %mul3A_105, %arg1 : i32
      %lt3A_107 = arith.constant 625 : i32
      %lt3A_108 = arith.cmpi slt, %add3A_106, %lt3A_107 : i32
      %ge3A = arith.constant 3 : i32
      %ge3A_109 = arith.cmpi sge, %add3A_99, %ge3A : i32
      %and3A = arith.andi %lt3A_108, %ge3A_109 : i1
      %convert_element_type3A_110 = arith.extui %and3A : i1 to i32
      %cond3A_111 = arith.constant 0 : i32
      %cond3A_112 = arith.cmpi ne, %convert_element_type3A_110, %cond3A_111 : i32
      scf.if %cond3A_112 {
        %dma_wait3A = arith.constant 0 : i32
        %dma_wait3A_145 = arith.constant 0 : i32
        %dma_wait3A_146 = tpu.memref_slice %arg10[%dma_wait3A, %dma_wait3A_145] : memref<10000x128xf32, #tpu.memory_space<vmem_shared>> -> memref<10000x128xf32, #tpu.memory_space<vmem_shared>>
        tpu.wait_indirect_dma semaphore(%arg21 : memref<!tpu.dma_semaphore, #tpu.memory_space<semaphore_mem>>) src(%arg13 : memref<128x128xf32, #tpu.memory_space<vmem>>) dst(%dma_wait3A_146 : memref<10000x128xf32, #tpu.memory_space<vmem_shared>>)
      } else {
      }
      %mul3A_113 = arith.constant 16 : i32
      %mul3A_114 = arith.muli %add3A_99, %mul3A_113 : i32
      %add3A_115 = arith.addi %mul3A_114, %arg1 : i32
      %lt3A_116 = arith.constant 625 : i32
      %lt3A_117 = arith.cmpi slt, %add3A_115, %lt3A_116 : i32
      %convert_element_type3A_118 = arith.extui %lt3A_117 : i1 to i32
      %cond3A_119 = arith.constant 0 : i32
      %cond3A_120 = arith.cmpi ne, %convert_element_type3A_118, %cond3A_119 : i32
      scf.if %cond3A_120 {
        %mul3A_145 = arith.constant 625 : i32
        %mul3A_146 = arith.muli %arg0, %mul3A_145 : i32
        %mul3A_147 = arith.constant 16 : i32
        %mul3A_148 = arith.muli %add3A_99, %mul3A_147 : i32
        %add3A_149 = arith.addi %mul3A_146, %mul3A_148 : i32
        %add3A_150 = arith.addi %add3A_149, %arg1 : i32
        %mul3A_151 = arith.constant 128 : i32
        %mul3A_152 = arith.muli %add3A_150, %mul3A_151 : i32
        %dma_start3A = tpu.memref_slice %arg5[%mul3A_152] : memref<160000xi32, #tpu.memory_space<hbm>> -> memref<128xi32, #tpu.memory_space<hbm>>
        %dma_start3A_153 = tpu.memref_slice %arg5[%mul3A_152] : memref<160000xi32, #tpu.memory_space<hbm>> -> memref<128xi32, #tpu.memory_space<hbm>>
        tpu.enqueue_dma source(%dma_start3A_153 : memref<128xi32, #tpu.memory_space<hbm>>) target(%arg15 : memref<128xi32, #tpu.memory_space<vmem>>) target_semaphore(%arg18 : memref<!tpu.dma_semaphore, #tpu.memory_space<semaphore_mem>>)
        %dma_start3A_154 = arith.constant 0 : i32
        %dma_start3A_155 = tpu.memref_slice %arg4[%mul3A_152, %dma_start3A_154] : memref<160000x128xf32, #tpu.memory_space<hbm>> -> memref<128x128xf32, #tpu.memory_space<hbm>>
        %dma_start3A_156 = arith.constant 0 : i32
        %dma_start3A_157 = tpu.memref_slice %arg4[%mul3A_152, %dma_start3A_156] : memref<160000x128xf32, #tpu.memory_space<hbm>> -> memref<128x128xf32, #tpu.memory_space<hbm>>
        tpu.enqueue_dma source(%dma_start3A_157 : memref<128x128xf32, #tpu.memory_space<hbm>>) target(%arg13 : memref<128x128xf32, #tpu.memory_space<vmem>>) target_semaphore(%arg19 : memref<!tpu.dma_semaphore, #tpu.memory_space<semaphore_mem>>)
      } else {
      }
      %mul3A_121 = arith.constant 16 : i32
      %mul3A_122 = arith.muli %mul3A_95, %mul3A_121 : i32
      %add3A_123 = arith.addi %mul3A_122, %arg1 : i32
      %lt3A_124 = arith.constant 625 : i32
      %lt3A_125 = arith.cmpi slt, %add3A_123, %lt3A_124 : i32
      %convert_element_type3A_126 = arith.extui %lt3A_125 : i1 to i32
      %cond3A_127 = arith.constant 0 : i32
      %cond3A_128 = arith.cmpi ne, %convert_element_type3A_126, %cond3A_127 : i32
      scf.if %cond3A_128 {
        %dma_wait3A = arith.constant 0 : i32
        %dma_wait3A_145 = tpu.memref_slice %arg5[%dma_wait3A] : memref<160000xi32, #tpu.memory_space<hbm>> -> memref<128xi32, #tpu.memory_space<hbm>>
        %dma_wait3A_146 = arith.constant 0 : i32
        %dma_wait3A_147 = tpu.memref_slice %arg5[%dma_wait3A_146] : memref<160000xi32, #tpu.memory_space<hbm>> -> memref<128xi32, #tpu.memory_space<hbm>>
        tpu.wait_dma2 semaphore(%arg16 : memref<!tpu.dma_semaphore, #tpu.memory_space<semaphore_mem>>) src(%dma_wait3A_147 : memref<128xi32, #tpu.memory_space<hbm>>) dst(%arg14 : memref<128xi32, #tpu.memory_space<vmem>>)
        %dma_wait3A_148 = arith.constant 0 : i32
        %dma_wait3A_149 = arith.constant 0 : i32
        %dma_wait3A_150 = tpu.memref_slice %arg2[%dma_wait3A_148, %dma_wait3A_149] : memref<160000x128xf32, #tpu.memory_space<hbm>> -> memref<128x128xf32, #tpu.memory_space<hbm>>
        %dma_wait3A_151 = arith.constant 0 : i32
        %dma_wait3A_152 = arith.constant 0 : i32
        %dma_wait3A_153 = tpu.memref_slice %arg2[%dma_wait3A_151, %dma_wait3A_152] : memref<160000x128xf32, #tpu.memory_space<hbm>> -> memref<128x128xf32, #tpu.memory_space<hbm>>
        tpu.wait_dma2 semaphore(%arg17 : memref<!tpu.dma_semaphore, #tpu.memory_space<semaphore_mem>>) src(%dma_wait3A_153 : memref<128x128xf32, #tpu.memory_space<hbm>>) dst(%arg12 : memref<128x128xf32, #tpu.memory_space<vmem>>)
        %dma_start3A = arith.constant 0 : i32
        %dma_start3A_154 = arith.constant 0 : i32
        %dma_start3A_155 = tpu.memref_slice %arg10[%dma_start3A, %dma_start3A_154] : memref<10000x128xf32, #tpu.memory_space<vmem_shared>> -> memref<10000x128xf32, #tpu.memory_space<vmem_shared>>
        tpu.enqueue_indirect_dma source(%arg12 : memref<128x128xf32, #tpu.memory_space<vmem>>) target(%dma_start3A_155 : memref<10000x128xf32, #tpu.memory_space<vmem_shared>>) offsets(%arg14 : memref<128xi32, #tpu.memory_space<vmem>>) semaphore(%arg20 : memref<!tpu.dma_semaphore, #tpu.memory_space<semaphore_mem>>) {add = true}
      } else {
      }
      %mul3A_129 = arith.constant 16 : i32
      %mul3A_130 = arith.muli %add3A_103, %mul3A_129 : i32
      %add3A_131 = arith.addi %mul3A_130, %arg1 : i32
      %lt3A_132 = arith.constant 625 : i32
      %lt3A_133 = arith.cmpi slt, %add3A_131, %lt3A_132 : i32
      %convert_element_type3A_134 = arith.extui %lt3A_133 : i1 to i32
      %cond3A_135 = arith.constant 0 : i32
      %cond3A_136 = arith.cmpi ne, %convert_element_type3A_134, %cond3A_135 : i32
      scf.if %cond3A_136 {
        %dma_wait3A = arith.constant 0 : i32
        %dma_wait3A_145 = arith.constant 0 : i32
        %dma_wait3A_146 = tpu.memref_slice %arg10[%dma_wait3A, %dma_wait3A_145] : memref<10000x128xf32, #tpu.memory_space<vmem_shared>> -> memref<10000x128xf32, #tpu.memory_space<vmem_shared>>
        tpu.wait_indirect_dma semaphore(%arg20 : memref<!tpu.dma_semaphore, #tpu.memory_space<semaphore_mem>>) src(%arg12 : memref<128x128xf32, #tpu.memory_space<vmem>>) dst(%dma_wait3A_146 : memref<10000x128xf32, #tpu.memory_space<vmem_shared>>)
        %mul3A_147 = arith.constant 625 : i32
        %mul3A_148 = arith.muli %arg0, %mul3A_147 : i32
        %mul3A_149 = arith.constant 16 : i32
        %mul3A_150 = arith.muli %add3A_103, %mul3A_149 : i32
        %add3A_151 = arith.addi %mul3A_148, %mul3A_150 : i32
        %add3A_152 = arith.addi %add3A_151, %arg1 : i32
        %mul3A_153 = arith.constant 128 : i32
        %mul3A_154 = arith.muli %add3A_152, %mul3A_153 : i32
        %dma_start3A = tpu.memref_slice %arg5[%mul3A_154] : memref<160000xi32, #tpu.memory_space<hbm>> -> memref<128xi32, #tpu.memory_space<hbm>>
        %dma_start3A_155 = tpu.memref_slice %arg5[%mul3A_154] : memref<160000xi32, #tpu.memory_space<hbm>> -> memref<128xi32, #tpu.memory_space<hbm>>
        tpu.enqueue_dma source(%dma_start3A_155 : memref<128xi32, #tpu.memory_space<hbm>>) target(%arg14 : memref<128xi32, #tpu.memory_space<vmem>>) target_semaphore(%arg16 : memref<!tpu.dma_semaphore, #tpu.memory_space<semaphore_mem>>)
        %dma_start3A_156 = arith.constant 0 : i32
        %dma_start3A_157 = tpu.memref_slice %arg4[%mul3A_154, %dma_start3A_156] : memref<160000x128xf32, #tpu.memory_space<hbm>> -> memref<128x128xf32, #tpu.memory_space<hbm>>
        %dma_start3A_158 = arith.constant 0 : i32
        %dma_start3A_159 = tpu.memref_slice %arg4[%mul3A_154, %dma_start3A_158] : memref<160000x128xf32, #tpu.memory_space<hbm>> -> memref<128x128xf32, #tpu.memory_space<hbm>>
        tpu.enqueue_dma source(%dma_start3A_159 : memref<128x128xf32, #tpu.memory_space<hbm>>) target(%arg12 : memref<128x128xf32, #tpu.memory_space<vmem>>) target_semaphore(%arg17 : memref<!tpu.dma_semaphore, #tpu.memory_space<semaphore_mem>>)
      } else {
      }
      %mul3A_137 = arith.constant 16 : i32
      %mul3A_138 = arith.muli %add3A_99, %mul3A_137 : i32
      %add3A_139 = arith.addi %mul3A_138, %arg1 : i32
      %lt3A_140 = arith.constant 625 : i32
      %lt3A_141 = arith.cmpi slt, %add3A_139, %lt3A_140 : i32
      %convert_element_type3A_142 = arith.extui %lt3A_141 : i1 to i32
      %cond3A_143 = arith.constant 0 : i32
      %cond3A_144 = arith.cmpi ne, %convert_element_type3A_142, %cond3A_143 : i32
      scf.if %cond3A_144 {
        %dma_wait3A = arith.constant 0 : i32
        %dma_wait3A_145 = tpu.memref_slice %arg5[%dma_wait3A] : memref<160000xi32, #tpu.memory_space<hbm>> -> memref<128xi32, #tpu.memory_space<hbm>>
        %dma_wait3A_146 = arith.constant 0 : i32
        %dma_wait3A_147 = tpu.memref_slice %arg5[%dma_wait3A_146] : memref<160000xi32, #tpu.memory_space<hbm>> -> memref<128xi32, #tpu.memory_space<hbm>>
        tpu.wait_dma2 semaphore(%arg18 : memref<!tpu.dma_semaphore, #tpu.memory_space<semaphore_mem>>) src(%dma_wait3A_147 : memref<128xi32, #tpu.memory_space<hbm>>) dst(%arg15 : memref<128xi32, #tpu.memory_space<vmem>>)
        %dma_wait3A_148 = arith.constant 0 : i32
        %dma_wait3A_149 = arith.constant 0 : i32
        %dma_wait3A_150 = tpu.memref_slice %arg2[%dma_wait3A_148, %dma_wait3A_149] : memref<160000x128xf32, #tpu.memory_space<hbm>> -> memref<128x128xf32, #tpu.memory_space<hbm>>
        %dma_wait3A_151 = arith.constant 0 : i32
        %dma_wait3A_152 = arith.constant 0 : i32
        %dma_wait3A_153 = tpu.memref_slice %arg2[%dma_wait3A_151, %dma_wait3A_152] : memref<160000x128xf32, #tpu.memory_space<hbm>> -> memref<128x128xf32, #tpu.memory_space<hbm>>
        tpu.wait_dma2 semaphore(%arg19 : memref<!tpu.dma_semaphore, #tpu.memory_space<semaphore_mem>>) src(%dma_wait3A_153 : memref<128x128xf32, #tpu.memory_space<hbm>>) dst(%arg13 : memref<128x128xf32, #tpu.memory_space<vmem>>)
        %dma_start3A = arith.constant 0 : i32
        %dma_start3A_154 = arith.constant 0 : i32
        %dma_start3A_155 = tpu.memref_slice %arg10[%dma_start3A, %dma_start3A_154] : memref<10000x128xf32, #tpu.memory_space<vmem_shared>> -> memref<10000x128xf32, #tpu.memory_space<vmem_shared>>
        tpu.enqueue_indirect_dma source(%arg13 : memref<128x128xf32, #tpu.memory_space<vmem>>) target(%dma_start3A_155 : memref<10000x128xf32, #tpu.memory_space<vmem_shared>>) offsets(%arg15 : memref<128xi32, #tpu.memory_space<vmem>>) semaphore(%arg21 : memref<!tpu.dma_semaphore, #tpu.memory_space<semaphore_mem>>) {add = true}
      } else {
      }
    }
    %scan3A_63 = arith.constant 20 : i32
    %add3A_64 = arith.constant 0 : i32
    %add3A_65 = arith.addi %add3A_64, %arg1 : i32
    %lt3A_66 = arith.constant 625 : i32
    %lt3A_67 = arith.cmpi slt, %add3A_65, %lt3A_66 : i32
    %convert_element_type3A_68 = arith.extui %lt3A_67 : i1 to i32
    %cond3A_69 = arith.constant 0 : i32
    %cond3A_70 = arith.cmpi ne, %convert_element_type3A_68, %cond3A_69 : i32
    scf.if %cond3A_70 {
      %dma_wait3A = arith.constant 0 : i32
      %dma_wait3A_89 = arith.constant 0 : i32
      %dma_wait3A_90 = tpu.memref_slice %arg10[%dma_wait3A, %dma_wait3A_89] : memref<10000x128xf32, #tpu.memory_space<vmem_shared>> -> memref<10000x128xf32, #tpu.memory_space<vmem_shared>>
      tpu.wait_indirect_dma semaphore(%arg20 : memref<!tpu.dma_semaphore, #tpu.memory_space<semaphore_mem>>) src(%arg12 : memref<128x128xf32, #tpu.memory_space<vmem>>) dst(%dma_wait3A_90 : memref<10000x128xf32, #tpu.memory_space<vmem_shared>>)
    } else {
    }
    %add3A_71 = arith.constant 16 : i32
    %add3A_72 = arith.addi %add3A_71, %arg1 : i32
    %lt3A_73 = arith.constant 625 : i32
    %lt3A_74 = arith.cmpi slt, %add3A_72, %lt3A_73 : i32
    %convert_element_type3A_75 = arith.extui %lt3A_74 : i1 to i32
    %cond3A_76 = arith.constant 0 : i32
    %cond3A_77 = arith.cmpi ne, %convert_element_type3A_75, %cond3A_76 : i32
    scf.if %cond3A_77 {
      %dma_wait3A = arith.constant 0 : i32
      %dma_wait3A_89 = arith.constant 0 : i32
      %dma_wait3A_90 = tpu.memref_slice %arg10[%dma_wait3A, %dma_wait3A_89] : memref<10000x128xf32, #tpu.memory_space<vmem_shared>> -> memref<10000x128xf32, #tpu.memory_space<vmem_shared>>
      tpu.wait_indirect_dma semaphore(%arg21 : memref<!tpu.dma_semaphore, #tpu.memory_space<semaphore_mem>>) src(%arg13 : memref<128x128xf32, #tpu.memory_space<vmem>>) dst(%dma_wait3A_90 : memref<10000x128xf32, #tpu.memory_space<vmem_shared>>)
    } else {
    }
    %barrier3A_78 = arith.constant 0 : index
    tpu.barrier barrier_id(%barrier3A_78)
    %eq3A_79 = arith.constant 0 : i32
    %eq3A_80 = arith.cmpi eq, %arg0, %eq3A_79 : i32
    %convert_element_type3A_81 = arith.extui %eq3A_80 : i1 to i32
    %cond3A_82 = arith.constant 0 : i32
    %cond3A_83 = arith.cmpi ne, %convert_element_type3A_81, %cond3A_82 : i32
    scf.if %cond3A_83 {
      %lt3A_89 = arith.constant 15 : i32
      %lt3A_90 = arith.cmpi slt, %arg1, %lt3A_89 : i32
      %convert_element_type3A_91 = arith.extui %lt3A_90 : i1 to i32
      %cond3A_92 = arith.constant 0 : i32
      %cond3A_93 = arith.cmpi ne, %convert_element_type3A_91, %cond3A_92 : i32
      scf.if %cond3A_93 {
        "tpu.region"() ({
          %run_scoped3A = tpu.sem_alloc : memref<!tpu.dma_semaphore, #tpu.memory_space<semaphore_mem>>
          %dma_start3A = arith.constant 0 : i32
          %dma_start3A_99 = tpu.memref_slice %arg8[%mul3A_0, %dma_start3A] : memref<10000x128xf32, #tpu.memory_space<hbm>> -> memref<632x128xf32, #tpu.memory_space<hbm>>
          %dma_start3A_100 = arith.constant 0 : i32
          %dma_start3A_101 = tpu.memref_slice %arg10[%mul3A_0, %dma_start3A_100] : memref<10000x128xf32, #tpu.memory_space<vmem_shared>> -> memref<632x128xf32, #tpu.memory_space<vmem_shared>>
          tpu.enqueue_dma source(%dma_start3A_101 : memref<632x128xf32, #tpu.memory_space<vmem_shared>>) target(%dma_start3A_99 : memref<632x128xf32, #tpu.memory_space<hbm>>) target_semaphore(%run_scoped3A : memref<!tpu.dma_semaphore, #tpu.memory_space<semaphore_mem>>)
          %dma_wait3A = arith.constant 0 : i32
          %dma_wait3A_102 = tpu.memref_slice %arg8[%mul3A_0, %dma_wait3A] : memref<10000x128xf32, #tpu.memory_space<hbm>> -> memref<632x128xf32, #tpu.memory_space<hbm>>
          %dma_wait3A_103 = arith.constant 0 : i32
          %dma_wait3A_104 = tpu.memref_slice %arg10[%mul3A_0, %dma_wait3A_103] : memref<10000x128xf32, #tpu.memory_space<vmem_shared>> -> memref<632x128xf32, #tpu.memory_space<vmem_shared>>
          tpu.wait_dma2 semaphore(%run_scoped3A : memref<!tpu.dma_semaphore, #tpu.memory_space<semaphore_mem>>) src(%dma_wait3A_104 : memref<632x128xf32, #tpu.memory_space<vmem_shared>>) dst(%dma_wait3A_102 : memref<632x128xf32, #tpu.memory_space<hbm>>)
          tpu.yield
        }) : () -> ()
      } else {
      }
      %eq3A_94 = arith.constant 15 : i32
      %eq3A_95 = arith.cmpi eq, %arg1, %eq3A_94 : i32
      %convert_element_type3A_96 = arith.extui %eq3A_95 : i1 to i32
      %cond3A_97 = arith.constant 0 : i32
      %cond3A_98 = arith.cmpi ne, %convert_element_type3A_96, %cond3A_97 : i32
      scf.if %cond3A_98 {
        "tpu.region"() ({
          %run_scoped3A = tpu.sem_alloc : memref<!tpu.dma_semaphore, #tpu.memory_space<semaphore_mem>>
          %dma_start3A = arith.constant 0 : i32
          %dma_start3A_99 = tpu.memref_slice %arg8[%mul3A_0, %dma_start3A] : memref<10000x128xf32, #tpu.memory_space<hbm>> -> memref<520x128xf32, #tpu.memory_space<hbm>>
          %dma_start3A_100 = arith.constant 0 : i32
          %dma_start3A_101 = tpu.memref_slice %arg10[%mul3A_0, %dma_start3A_100] : memref<10000x128xf32, #tpu.memory_space<vmem_shared>> -> memref<520x128xf32, #tpu.memory_space<vmem_shared>>
          tpu.enqueue_dma source(%dma_start3A_101 : memref<520x128xf32, #tpu.memory_space<vmem_shared>>) target(%dma_start3A_99 : memref<520x128xf32, #tpu.memory_space<hbm>>) target_semaphore(%run_scoped3A : memref<!tpu.dma_semaphore, #tpu.memory_space<semaphore_mem>>)
          %dma_wait3A = arith.constant 0 : i32
          %dma_wait3A_102 = tpu.memref_slice %arg8[%mul3A_0, %dma_wait3A] : memref<10000x128xf32, #tpu.memory_space<hbm>> -> memref<520x128xf32, #tpu.memory_space<hbm>>
          %dma_wait3A_103 = arith.constant 0 : i32
          %dma_wait3A_104 = tpu.memref_slice %arg10[%mul3A_0, %dma_wait3A_103] : memref<10000x128xf32, #tpu.memory_space<vmem_shared>> -> memref<520x128xf32, #tpu.memory_space<vmem_shared>>
          tpu.wait_dma2 semaphore(%run_scoped3A : memref<!tpu.dma_semaphore, #tpu.memory_space<semaphore_mem>>) src(%dma_wait3A_104 : memref<520x128xf32, #tpu.memory_space<vmem_shared>>) dst(%dma_wait3A_102 : memref<520x128xf32, #tpu.memory_space<hbm>>)
          tpu.yield
        }) : () -> ()
      } else {
      }
    } else {
    }
    %eq3A_84 = arith.constant 1 : i32
    %eq3A_85 = arith.cmpi eq, %arg0, %eq3A_84 : i32
    %convert_element_type3A_86 = arith.extui %eq3A_85 : i1 to i32
    %cond3A_87 = arith.constant 0 : i32
    %cond3A_88 = arith.cmpi ne, %convert_element_type3A_86, %cond3A_87 : i32
    scf.if %cond3A_88 {
      %lt3A_89 = arith.constant 15 : i32
      %lt3A_90 = arith.cmpi slt, %arg1, %lt3A_89 : i32
      %convert_element_type3A_91 = arith.extui %lt3A_90 : i1 to i32
      %cond3A_92 = arith.constant 0 : i32
      %cond3A_93 = arith.cmpi ne, %convert_element_type3A_91, %cond3A_92 : i32
      scf.if %cond3A_93 {
        "tpu.region"() ({
          %run_scoped3A = tpu.sem_alloc : memref<!tpu.dma_semaphore, #tpu.memory_space<semaphore_mem>>
          %dma_start3A = arith.constant 0 : i32
          %dma_start3A_99 = tpu.memref_slice %arg9[%mul3A_0, %dma_start3A] : memref<10000x128xf32, #tpu.memory_space<hbm>> -> memref<632x128xf32, #tpu.memory_space<hbm>>
          %dma_start3A_100 = arith.constant 0 : i32
          %dma_start3A_101 = tpu.memref_slice %arg10[%mul3A_0, %dma_start3A_100] : memref<10000x128xf32, #tpu.memory_space<vmem_shared>> -> memref<632x128xf32, #tpu.memory_space<vmem_shared>>
          tpu.enqueue_dma source(%dma_start3A_101 : memref<632x128xf32, #tpu.memory_space<vmem_shared>>) target(%dma_start3A_99 : memref<632x128xf32, #tpu.memory_space<hbm>>) target_semaphore(%run_scoped3A : memref<!tpu.dma_semaphore, #tpu.memory_space<semaphore_mem>>)
          %dma_wait3A = arith.constant 0 : i32
          %dma_wait3A_102 = tpu.memref_slice %arg9[%mul3A_0, %dma_wait3A] : memref<10000x128xf32, #tpu.memory_space<hbm>> -> memref<632x128xf32, #tpu.memory_space<hbm>>
          %dma_wait3A_103 = arith.constant 0 : i32
          %dma_wait3A_104 = tpu.memref_slice %arg10[%mul3A_0, %dma_wait3A_103] : memref<10000x128xf32, #tpu.memory_space<vmem_shared>> -> memref<632x128xf32, #tpu.memory_space<vmem_shared>>
          tpu.wait_dma2 semaphore(%run_scoped3A : memref<!tpu.dma_semaphore, #tpu.memory_space<semaphore_mem>>) src(%dma_wait3A_104 : memref<632x128xf32, #tpu.memory_space<vmem_shared>>) dst(%dma_wait3A_102 : memref<632x128xf32, #tpu.memory_space<hbm>>)
          tpu.yield
        }) : () -> ()
      } else {
      }
      %eq3A_94 = arith.constant 15 : i32
      %eq3A_95 = arith.cmpi eq, %arg1, %eq3A_94 : i32
      %convert_element_type3A_96 = arith.extui %eq3A_95 : i1 to i32
      %cond3A_97 = arith.constant 0 : i32
      %cond3A_98 = arith.cmpi ne, %convert_element_type3A_96, %cond3A_97 : i32
      scf.if %cond3A_98 {
        "tpu.region"() ({
          %run_scoped3A = tpu.sem_alloc : memref<!tpu.dma_semaphore, #tpu.memory_space<semaphore_mem>>
          %dma_start3A = arith.constant 0 : i32
          %dma_start3A_99 = tpu.memref_slice %arg9[%mul3A_0, %dma_start3A] : memref<10000x128xf32, #tpu.memory_space<hbm>> -> memref<520x128xf32, #tpu.memory_space<hbm>>
          %dma_start3A_100 = arith.constant 0 : i32
          %dma_start3A_101 = tpu.memref_slice %arg10[%mul3A_0, %dma_start3A_100] : memref<10000x128xf32, #tpu.memory_space<vmem_shared>> -> memref<520x128xf32, #tpu.memory_space<vmem_shared>>
          tpu.enqueue_dma source(%dma_start3A_101 : memref<520x128xf32, #tpu.memory_space<vmem_shared>>) target(%dma_start3A_99 : memref<520x128xf32, #tpu.memory_space<hbm>>) target_semaphore(%run_scoped3A : memref<!tpu.dma_semaphore, #tpu.memory_space<semaphore_mem>>)
          %dma_wait3A = arith.constant 0 : i32
          %dma_wait3A_102 = tpu.memref_slice %arg9[%mul3A_0, %dma_wait3A] : memref<10000x128xf32, #tpu.memory_space<hbm>> -> memref<520x128xf32, #tpu.memory_space<hbm>>
          %dma_wait3A_103 = arith.constant 0 : i32
          %dma_wait3A_104 = tpu.memref_slice %arg10[%mul3A_0, %dma_wait3A_103] : memref<10000x128xf32, #tpu.memory_space<vmem_shared>> -> memref<520x128xf32, #tpu.memory_space<vmem_shared>>
          tpu.wait_dma2 semaphore(%run_scoped3A : memref<!tpu.dma_semaphore, #tpu.memory_space<semaphore_mem>>) src(%dma_wait3A_104 : memref<520x128xf32, #tpu.memory_space<vmem_shared>>) dst(%dma_wait3A_102 : memref<520x128xf32, #tpu.memory_space<hbm>>)
          tpu.yield
        }) : () -> ()
      } else {
      }
    } else {
    }
    return
  }
}

#map = affine_map<(d0, d1) -> (0, 0)>
#map1 = affine_map<(d0, d1) -> (0)>
module attributes {stable_mosaic.version = 14 : i64} {
  func.func @k(%arg0: i32, %arg1: i32, %arg2: memref<10000x128xf32, #tpu.memory_space<hbm>>, %arg3: memref<10000x128xf32, #tpu.memory_space<hbm>>, %arg4: memref<40000xf32, #tpu.memory_space<hbm>>, %arg5: memref<160000xi32, #tpu.memory_space<hbm>>, %arg6: memref<160000xi32, #tpu.memory_space<hbm>>, %arg7: memref<160000x128xf32, #tpu.memory_space<hbm>>, %arg8: memref<160000x128xf32, #tpu.memory_space<hbm>>, %arg9: memref<8x160000xf32, #tpu.memory_space<hbm>>, %arg10: memref<128xi32, #tpu.memory_space<vmem>>, %arg11: memref<128xi32, #tpu.memory_space<vmem>>, %arg12: memref<128x128xf32, #tpu.memory_space<vmem>>, %arg13: memref<128x128xf32, #tpu.memory_space<vmem>>, %arg14: memref<40000xf32, #tpu.memory_space<vmem>>, %arg15: memref<8x128xf32, #tpu.memory_space<vmem>>, %arg16: memref<!tpu.dma_semaphore, #tpu.memory_space<semaphore_mem>>, %arg17: memref<!tpu.dma_semaphore, #tpu.memory_space<semaphore_mem>>, %arg18: memref<!tpu.dma_semaphore, #tpu.memory_space<semaphore_mem>>, %arg19: memref<!tpu.dma_semaphore, #tpu.memory_space<semaphore_mem>>, %arg20: memref<!tpu.dma_semaphore, #tpu.memory_space<semaphore_mem>>, %arg21: memref<!tpu.dma_semaphore, #tpu.memory_space<semaphore_mem>>, %arg22: memref<!tpu.dma_semaphore, #tpu.memory_space<semaphore_mem>>) attributes {dimension_semantics = [#tpu.dimension_semantics<core_parallel>, #tpu.dimension_semantics<subcore_parallel>], iteration_bounds = array<i64: 2, 16>, scalar_prefetch = 0 : i64, scratch_operands = 13 : i64, tpu.core_type = #tpu.core_type<sc_vector_subcore>, window_params = [{transform_indices = #map}, {transform_indices = #map}, {transform_indices = #map1}, {transform_indices = #map1}, {transform_indices = #map1}, {transform_indices = #map}, {transform_indices = #map}, {transform_indices = #map}]} {
    %mul3A = arith.constant 2 : i32
    %mul3A_0 = arith.muli %arg1, %mul3A : i32
    %add3A = arith.addi %mul3A_0, %arg0 : i32
    "tpu.region"() ({
      %run_scoped3A = tpu.sem_alloc : memref<!tpu.dma_semaphore, #tpu.memory_space<semaphore_mem>>
      tpu.enqueue_dma source(%arg4 : memref<40000xf32, #tpu.memory_space<hbm>>) target(%arg14 : memref<40000xf32, #tpu.memory_space<vmem>>) target_semaphore(%run_scoped3A : memref<!tpu.dma_semaphore, #tpu.memory_space<semaphore_mem>>)
      tpu.wait_dma2 semaphore(%run_scoped3A : memref<!tpu.dma_semaphore, #tpu.memory_space<semaphore_mem>>) src(%arg4 : memref<40000xf32, #tpu.memory_space<hbm>>) dst(%arg14 : memref<40000xf32, #tpu.memory_space<vmem>>)
      tpu.yield
    }) : () -> ()
    %broadcast_in_dim3A = arith.constant 0.000000e+00 : f32
    %broadcast_in_dim3A_1 = vector.broadcast %broadcast_in_dim3A : f32 to vector<16xf32>
    %scan3A = arith.constant 0 : i32
    %scan3A_2 = arith.constant 8 : i32
    %scan3A_3 = arith.addi %scan3A, %scan3A_2 : i32
    %scan3A_4 = arith.constant 1 : i32
    scf.for %scan3A_30 = %scan3A to %scan3A_3 step %scan3A_4  : i32 {
      %mul3A_31 = arith.constant 1 : i32
      %mul3A_32 = arith.muli %scan3A_30, %mul3A_31 : i32
      %add3A_33 = arith.constant 0 : i32
      %add3A_34 = arith.addi %add3A_33, %mul3A_32 : i32
      %mul3A_35 = arith.constant 16 : i32
      %mul3A_36 = arith.muli %add3A_34, %mul3A_35 : i32
      %swap3A = arith.constant 3 : i32
      %swap3A_37 = arith.index_cast %swap3A : i32 to index
      %swap3A_38 = arith.index_cast %mul3A_36 : i32 to index
      %swap3A_39 = tpu.vector_load %arg15[%swap3A_37, %swap3A_38] {strides = array<i32>} : memref<8x128xf32, #tpu.memory_space<vmem>>, vector<16xf32>,
      tpu.vector_store %arg15[%swap3A_37, %swap3A_38], %broadcast_in_dim3A_1 {strides = array<i32>} : memref<8x128xf32, #tpu.memory_space<vmem>>, vector<16xf32>,
      %mul3A_40 = arith.constant 16 : i32
      %mul3A_41 = arith.muli %add3A_34, %mul3A_40 : i32
      %swap3A_42 = arith.constant 4 : i32
      %swap3A_43 = arith.index_cast %swap3A_42 : i32 to index
      %swap3A_44 = arith.index_cast %mul3A_41 : i32 to index
      %swap3A_45 = tpu.vector_load %arg15[%swap3A_43, %swap3A_44] {strides = array<i32>} : memref<8x128xf32, #tpu.memory_space<vmem>>, vector<16xf32>,
      tpu.vector_store %arg15[%swap3A_43, %swap3A_44], %broadcast_in_dim3A_1 {strides = array<i32>} : memref<8x128xf32, #tpu.memory_space<vmem>>, vector<16xf32>,
      %mul3A_46 = arith.constant 16 : i32
      %mul3A_47 = arith.muli %add3A_34, %mul3A_46 : i32
      %swap3A_48 = arith.constant 5 : i32
      %swap3A_49 = arith.index_cast %swap3A_48 : i32 to index
      %swap3A_50 = arith.index_cast %mul3A_47 : i32 to index
      %swap3A_51 = tpu.vector_load %arg15[%swap3A_49, %swap3A_50] {strides = array<i32>} : memref<8x128xf32, #tpu.memory_space<vmem>>, vector<16xf32>,
      tpu.vector_store %arg15[%swap3A_49, %swap3A_50], %broadcast_in_dim3A_1 {strides = array<i32>} : memref<8x128xf32, #tpu.memory_space<vmem>>, vector<16xf32>,
      %mul3A_52 = arith.constant 16 : i32
      %mul3A_53 = arith.muli %add3A_34, %mul3A_52 : i32
      %swap3A_54 = arith.constant 6 : i32
      %swap3A_55 = arith.index_cast %swap3A_54 : i32 to index
      %swap3A_56 = arith.index_cast %mul3A_53 : i32 to index
      %swap3A_57 = tpu.vector_load %arg15[%swap3A_55, %swap3A_56] {strides = array<i32>} : memref<8x128xf32, #tpu.memory_space<vmem>>, vector<16xf32>,
      tpu.vector_store %arg15[%swap3A_55, %swap3A_56], %broadcast_in_dim3A_1 {strides = array<i32>} : memref<8x128xf32, #tpu.memory_space<vmem>>, vector<16xf32>,
      %mul3A_58 = arith.constant 16 : i32
      %mul3A_59 = arith.muli %add3A_34, %mul3A_58 : i32
      %swap3A_60 = arith.constant 7 : i32
      %swap3A_61 = arith.index_cast %swap3A_60 : i32 to index
      %swap3A_62 = arith.index_cast %mul3A_59 : i32 to index
      %swap3A_63 = tpu.vector_load %arg15[%swap3A_61, %swap3A_62] {strides = array<i32>} : memref<8x128xf32, #tpu.memory_space<vmem>>, vector<16xf32>,
      tpu.vector_store %arg15[%swap3A_61, %swap3A_62], %broadcast_in_dim3A_1 {strides = array<i32>} : memref<8x128xf32, #tpu.memory_space<vmem>>, vector<16xf32>,
    }
    %scan3A_5 = arith.constant 8 : i32
    %lt3A = arith.constant 1250 : i32
    %lt3A_6 = arith.cmpi slt, %add3A, %lt3A : i32
    %convert_element_type3A = arith.extui %lt3A_6 : i1 to i32
    %cond3A = arith.constant 0 : i32
    %cond3A_7 = arith.cmpi ne, %convert_element_type3A, %cond3A : i32
    scf.if %cond3A_7 {
      %mul3A_30 = arith.constant 128 : i32
      %mul3A_31 = arith.muli %add3A, %mul3A_30 : i32
      %dma_start3A = tpu.memref_slice %arg5[%mul3A_31] : memref<160000xi32, #tpu.memory_space<hbm>> -> memref<128xi32, #tpu.memory_space<hbm>>
      %dma_start3A_32 = tpu.memref_slice %arg5[%mul3A_31] : memref<160000xi32, #tpu.memory_space<hbm>> -> memref<128xi32, #tpu.memory_space<hbm>>
      tpu.enqueue_dma source(%dma_start3A_32 : memref<128xi32, #tpu.memory_space<hbm>>) target(%arg10 : memref<128xi32, #tpu.memory_space<vmem>>) target_semaphore(%arg18 : memref<!tpu.dma_semaphore, #tpu.memory_space<semaphore_mem>>)
      %mul3A_33 = arith.constant 128 : i32
      %mul3A_34 = arith.muli %add3A, %mul3A_33 : i32
      %dma_start3A_35 = tpu.memref_slice %arg6[%mul3A_34] : memref<160000xi32, #tpu.memory_space<hbm>> -> memref<128xi32, #tpu.memory_space<hbm>>
      %dma_start3A_36 = tpu.memref_slice %arg6[%mul3A_34] : memref<160000xi32, #tpu.memory_space<hbm>> -> memref<128xi32, #tpu.memory_space<hbm>>
      tpu.enqueue_dma source(%dma_start3A_36 : memref<128xi32, #tpu.memory_space<hbm>>) target(%arg11 : memref<128xi32, #tpu.memory_space<vmem>>) target_semaphore(%arg19 : memref<!tpu.dma_semaphore, #tpu.memory_space<semaphore_mem>>)
    } else {
    }
    %scan3A_8 = arith.constant 0 : i32
    %scan3A_9 = arith.constant 40 : i32
    %scan3A_10 = arith.addi %scan3A_8, %scan3A_9 : i32
    %scan3A_11 = arith.constant 1 : i32
    scf.for %scan3A_30 = %scan3A_8 to %scan3A_10 step %scan3A_11  : i32 {
      %mul3A_31 = arith.constant 1 : i32
      %mul3A_32 = arith.muli %scan3A_30, %mul3A_31 : i32
      %add3A_33 = arith.constant 0 : i32
      %add3A_34 = arith.addi %add3A_33, %mul3A_32 : i32
      %mul3A_35 = arith.constant 32 : i32
      %mul3A_36 = arith.muli %add3A_34, %mul3A_35 : i32
      %add3A_37 = arith.addi %add3A, %mul3A_36 : i32
      %lt3A_38 = arith.constant 1250 : i32
      %lt3A_39 = arith.cmpi slt, %add3A_37, %lt3A_38 : i32
      %convert_element_type3A_40 = arith.extui %lt3A_39 : i1 to i32
      %cond3A_41 = arith.constant 0 : i32
      %cond3A_42 = arith.cmpi ne, %convert_element_type3A_40, %cond3A_41 : i32
      scf.if %cond3A_42 {
        %mul3A_43 = arith.constant 128 : i32
        %mul3A_44 = arith.muli %add3A_37, %mul3A_43 : i32
        %dma_wait3A_45 = arith.constant 0 : i32
        %dma_wait3A_46 = tpu.memref_slice %arg5[%dma_wait3A_45] : memref<160000xi32, #tpu.memory_space<hbm>> -> memref<128xi32, #tpu.memory_space<hbm>>
        %dma_wait3A_47 = arith.constant 0 : i32
        %dma_wait3A_48 = tpu.memref_slice %arg5[%dma_wait3A_47] : memref<160000xi32, #tpu.memory_space<hbm>> -> memref<128xi32, #tpu.memory_space<hbm>>
        tpu.wait_dma2 semaphore(%arg18 : memref<!tpu.dma_semaphore, #tpu.memory_space<semaphore_mem>>) src(%dma_wait3A_48 : memref<128xi32, #tpu.memory_space<hbm>>) dst(%arg10 : memref<128xi32, #tpu.memory_space<vmem>>)
        %dma_wait3A_49 = arith.constant 0 : i32
        %dma_wait3A_50 = tpu.memref_slice %arg6[%dma_wait3A_49] : memref<160000xi32, #tpu.memory_space<hbm>> -> memref<128xi32, #tpu.memory_space<hbm>>
        %dma_wait3A_51 = arith.constant 0 : i32
        %dma_wait3A_52 = tpu.memref_slice %arg6[%dma_wait3A_51] : memref<160000xi32, #tpu.memory_space<hbm>> -> memref<128xi32, #tpu.memory_space<hbm>>
        tpu.wait_dma2 semaphore(%arg19 : memref<!tpu.dma_semaphore, #tpu.memory_space<semaphore_mem>>) src(%dma_wait3A_52 : memref<128xi32, #tpu.memory_space<hbm>>) dst(%arg11 : memref<128xi32, #tpu.memory_space<vmem>>)
        %gt3A = arith.constant 0 : i32
        %gt3A_53 = arith.cmpi sgt, %add3A_34, %gt3A : i32
        %convert_element_type3A_54 = arith.extui %gt3A_53 : i1 to i32
        %cond3A_55 = arith.constant 0 : i32
        %cond3A_56 = arith.cmpi ne, %convert_element_type3A_54, %cond3A_55 : i32
        scf.if %cond3A_56 {
          %dma_wait3A_97 = arith.constant 0 : i32
          %dma_wait3A_98 = arith.constant 0 : i32
          %dma_wait3A_99 = tpu.memref_slice %arg7[%dma_wait3A_97, %dma_wait3A_98] : memref<160000x128xf32, #tpu.memory_space<hbm>> -> memref<128x128xf32, #tpu.memory_space<hbm>>
          %dma_wait3A_100 = arith.constant 0 : i32
          %dma_wait3A_101 = arith.constant 0 : i32
          %dma_wait3A_102 = tpu.memref_slice %arg7[%dma_wait3A_100, %dma_wait3A_101] : memref<160000x128xf32, #tpu.memory_space<hbm>> -> memref<128x128xf32, #tpu.memory_space<hbm>>
          tpu.wait_dma2 semaphore(%arg20 : memref<!tpu.dma_semaphore, #tpu.memory_space<semaphore_mem>>) src(%arg12 : memref<128x128xf32, #tpu.memory_space<vmem>>) dst(%dma_wait3A_102 : memref<128x128xf32, #tpu.memory_space<hbm>>)
          %dma_wait3A_103 = arith.constant 0 : i32
          %dma_wait3A_104 = arith.constant 0 : i32
          %dma_wait3A_105 = tpu.memref_slice %arg8[%dma_wait3A_103, %dma_wait3A_104] : memref<160000x128xf32, #tpu.memory_space<hbm>> -> memref<128x128xf32, #tpu.memory_space<hbm>>
          %dma_wait3A_106 = arith.constant 0 : i32
          %dma_wait3A_107 = arith.constant 0 : i32
          %dma_wait3A_108 = tpu.memref_slice %arg8[%dma_wait3A_106, %dma_wait3A_107] : memref<160000x128xf32, #tpu.memory_space<hbm>> -> memref<128x128xf32, #tpu.memory_space<hbm>>
          tpu.wait_dma2 semaphore(%arg21 : memref<!tpu.dma_semaphore, #tpu.memory_space<semaphore_mem>>) src(%arg13 : memref<128x128xf32, #tpu.memory_space<vmem>>) dst(%dma_wait3A_108 : memref<128x128xf32, #tpu.memory_space<hbm>>)
        } else {
        }
        %dma_start3A = arith.constant 0 : i32
        %dma_start3A_57 = arith.constant 0 : i32
        %dma_start3A_58 = tpu.memref_slice %arg2[%dma_start3A, %dma_start3A_57] : memref<10000x128xf32, #tpu.memory_space<hbm>> -> memref<10000x128xf32, #tpu.memory_space<hbm>>
        tpu.enqueue_indirect_dma source(%dma_start3A_58 : memref<10000x128xf32, #tpu.memory_space<hbm>>) target(%arg12 : memref<128x128xf32, #tpu.memory_space<vmem>>) offsets(%arg10 : memref<128xi32, #tpu.memory_space<vmem>>) semaphore(%arg16 : memref<!tpu.dma_semaphore, #tpu.memory_space<semaphore_mem>>)
        %dma_start3A_59 = arith.constant 0 : i32
        %dma_start3A_60 = arith.constant 0 : i32
        %dma_start3A_61 = tpu.memref_slice %arg3[%dma_start3A_59, %dma_start3A_60] : memref<10000x128xf32, #tpu.memory_space<hbm>> -> memref<10000x128xf32, #tpu.memory_space<hbm>>
        tpu.enqueue_indirect_dma source(%dma_start3A_61 : memref<10000x128xf32, #tpu.memory_space<hbm>>) target(%arg13 : memref<128x128xf32, #tpu.memory_space<vmem>>) offsets(%arg11 : memref<128xi32, #tpu.memory_space<vmem>>) semaphore(%arg17 : memref<!tpu.dma_semaphore, #tpu.memory_space<semaphore_mem>>)
        %gt3A_62 = arith.constant 0 : i32
        %gt3A_63 = arith.cmpi sgt, %add3A_34, %gt3A_62 : i32
        %convert_element_type3A_64 = arith.extui %gt3A_63 : i1 to i32
        %cond3A_65 = arith.constant 0 : i32
        %cond3A_66 = arith.cmpi ne, %convert_element_type3A_64, %cond3A_65 : i32
        scf.if %cond3A_66 {
          %dma_wait3A_97 = arith.constant 0 : i32
          %dma_wait3A_98 = arith.constant 0 : i32
          %dma_wait3A_99 = tpu.memref_slice %arg9[%dma_wait3A_97, %dma_wait3A_98] : memref<8x160000xf32, #tpu.memory_space<hbm>> -> memref<8x128xf32, #tpu.memory_space<hbm>>
          %dma_wait3A_100 = arith.constant 0 : i32
          %dma_wait3A_101 = arith.constant 0 : i32
          %dma_wait3A_102 = tpu.memref_slice %arg9[%dma_wait3A_100, %dma_wait3A_101] : memref<8x160000xf32, #tpu.memory_space<hbm>> -> memref<8x128xf32, #tpu.memory_space<hbm>>
          tpu.wait_dma2 semaphore(%arg22 : memref<!tpu.dma_semaphore, #tpu.memory_space<semaphore_mem>>) src(%arg15 : memref<8x128xf32, #tpu.memory_space<vmem>>) dst(%dma_wait3A_102 : memref<8x128xf32, #tpu.memory_space<hbm>>)
        } else {
        }
        %scan3A_67 = arith.constant 0 : i32
        %scan3A_68 = arith.constant 8 : i32
        %scan3A_69 = arith.addi %scan3A_67, %scan3A_68 : i32
        %scan3A_70 = arith.constant 1 : i32
        scf.for %scan3A_97 = %scan3A_67 to %scan3A_69 step %scan3A_70  : i32 {
          %mul3A_98 = arith.constant 1 : i32
          %mul3A_99 = arith.muli %scan3A_97, %mul3A_98 : i32
          %add3A_100 = arith.constant 0 : i32
          %add3A_101 = arith.addi %add3A_100, %mul3A_99 : i32
          %mul3A_102 = arith.constant 16 : i32
          %mul3A_103 = arith.muli %add3A_101, %mul3A_102 : i32
          %get3A = arith.index_cast %mul3A_103 : i32 to index
          %get3A_104 = tpu.vector_load %arg10[%get3A] {strides = array<i32>} : memref<128xi32, #tpu.memory_space<vmem>>, vector<16xi32>,
          %mul3A_105 = arith.constant 4 : i32
          %mul3A_106 = vector.broadcast %mul3A_105 : i32 to vector<16xi32>
          %mul3A_107 = arith.muli %get3A_104, %mul3A_106 : vector<16xi32>
          %mul3A_108 = arith.constant 16 : i32
          %mul3A_109 = arith.muli %add3A_101, %mul3A_108 : i32
          %get3A_110 = arith.index_cast %mul3A_109 : i32 to index
          %get3A_111 = tpu.vector_load %arg11[%get3A_110] {strides = array<i32>} : memref<128xi32, #tpu.memory_space<vmem>>, vector<16xi32>,
          %mul3A_112 = arith.constant 4 : i32
          %mul3A_113 = vector.broadcast %mul3A_112 : i32 to vector<16xi32>
          %mul3A_114 = arith.muli %get3A_111, %mul3A_113 : vector<16xi32>
          %add3A_115 = arith.constant 0 : i32
          %add3A_116 = vector.broadcast %add3A_115 : i32 to vector<16xi32>
          %add3A_117 = arith.addi %mul3A_107, %add3A_116 : vector<16xi32>
          %gather3A = tpu.vector_load_idx %arg14[%add3A_117] : memref<40000xf32, #tpu.memory_space<vmem>>[vector<16xi32>], vector<16xf32>,
          %add3A_118 = arith.constant 0 : i32
          %add3A_119 = vector.broadcast %add3A_118 : i32 to vector<16xi32>
          %add3A_120 = arith.addi %mul3A_114, %add3A_119 : vector<16xi32>
          %gather3A_121 = tpu.vector_load_idx %arg14[%add3A_120] : memref<40000xf32, #tpu.memory_space<vmem>>[vector<16xi32>], vector<16xf32>,
          %sub3A = arith.subf %gather3A, %gather3A_121 : vector<16xf32>
          %mul3A_122 = arith.constant 16 : i32
          %mul3A_123 = arith.muli %add3A_101, %mul3A_122 : i32
          %swap3A = arith.constant 0 : i32
          %swap3A_124 = arith.index_cast %swap3A : i32 to index
          %swap3A_125 = arith.index_cast %mul3A_123 : i32 to index
          %swap3A_126 = tpu.vector_load %arg15[%swap3A_124, %swap3A_125] {strides = array<i32>} : memref<8x128xf32, #tpu.memory_space<vmem>>, vector<16xf32>,
          tpu.vector_store %arg15[%swap3A_124, %swap3A_125], %sub3A {strides = array<i32>} : memref<8x128xf32, #tpu.memory_space<vmem>>, vector<16xf32>,
          %add3A_127 = arith.constant 1 : i32
          %add3A_128 = vector.broadcast %add3A_127 : i32 to vector<16xi32>
          %add3A_129 = arith.addi %mul3A_107, %add3A_128 : vector<16xi32>
          %gather3A_130 = tpu.vector_load_idx %arg14[%add3A_129] : memref<40000xf32, #tpu.memory_space<vmem>>[vector<16xi32>], vector<16xf32>,
          %add3A_131 = arith.constant 1 : i32
          %add3A_132 = vector.broadcast %add3A_131 : i32 to vector<16xi32>
          %add3A_133 = arith.addi %mul3A_114, %add3A_132 : vector<16xi32>
          %gather3A_134 = tpu.vector_load_idx %arg14[%add3A_133] : memref<40000xf32, #tpu.memory_space<vmem>>[vector<16xi32>], vector<16xf32>,
          %sub3A_135 = arith.subf %gather3A_130, %gather3A_134 : vector<16xf32>
          %mul3A_136 = arith.constant 16 : i32
          %mul3A_137 = arith.muli %add3A_101, %mul3A_136 : i32
          %swap3A_138 = arith.constant 1 : i32
          %swap3A_139 = arith.index_cast %swap3A_138 : i32 to index
          %swap3A_140 = arith.index_cast %mul3A_137 : i32 to index
          %swap3A_141 = tpu.vector_load %arg15[%swap3A_139, %swap3A_140] {strides = array<i32>} : memref<8x128xf32, #tpu.memory_space<vmem>>, vector<16xf32>,
          tpu.vector_store %arg15[%swap3A_139, %swap3A_140], %sub3A_135 {strides = array<i32>} : memref<8x128xf32, #tpu.memory_space<vmem>>, vector<16xf32>,
          %add3A_142 = arith.constant 2 : i32
          %add3A_143 = vector.broadcast %add3A_142 : i32 to vector<16xi32>
          %add3A_144 = arith.addi %mul3A_107, %add3A_143 : vector<16xi32>
          %gather3A_145 = tpu.vector_load_idx %arg14[%add3A_144] : memref<40000xf32, #tpu.memory_space<vmem>>[vector<16xi32>], vector<16xf32>,
          %add3A_146 = arith.constant 2 : i32
          %add3A_147 = vector.broadcast %add3A_146 : i32 to vector<16xi32>
          %add3A_148 = arith.addi %mul3A_114, %add3A_147 : vector<16xi32>
          %gather3A_149 = tpu.vector_load_idx %arg14[%add3A_148] : memref<40000xf32, #tpu.memory_space<vmem>>[vector<16xi32>], vector<16xf32>,
          %sub3A_150 = arith.subf %gather3A_145, %gather3A_149 : vector<16xf32>
          %mul3A_151 = arith.constant 16 : i32
          %mul3A_152 = arith.muli %add3A_101, %mul3A_151 : i32
          %swap3A_153 = arith.constant 2 : i32
          %swap3A_154 = arith.index_cast %swap3A_153 : i32 to index
          %swap3A_155 = arith.index_cast %mul3A_152 : i32 to index
          %swap3A_156 = tpu.vector_load %arg15[%swap3A_154, %swap3A_155] {strides = array<i32>} : memref<8x128xf32, #tpu.memory_space<vmem>>, vector<16xf32>,
          tpu.vector_store %arg15[%swap3A_154, %swap3A_155], %sub3A_150 {strides = array<i32>} : memref<8x128xf32, #tpu.memory_space<vmem>>, vector<16xf32>,
        }
        %scan3A_71 = arith.constant 8 : i32
        %dma_start3A_72 = arith.constant 0 : i32
        %dma_start3A_73 = tpu.memref_slice %arg9[%dma_start3A_72, %mul3A_44] : memref<8x160000xf32, #tpu.memory_space<hbm>> -> memref<8x128xf32, #tpu.memory_space<hbm>>
        %dma_start3A_74 = arith.constant 0 : i32
        %dma_start3A_75 = tpu.memref_slice %arg9[%dma_start3A_74, %mul3A_44] : memref<8x160000xf32, #tpu.memory_space<hbm>> -> memref<8x128xf32, #tpu.memory_space<hbm>>
        tpu.enqueue_dma source(%arg15 : memref<8x128xf32, #tpu.memory_space<vmem>>) target(%dma_start3A_75 : memref<8x128xf32, #tpu.memory_space<hbm>>) target_semaphore(%arg22 : memref<!tpu.dma_semaphore, #tpu.memory_space<semaphore_mem>>)
        %dma_wait3A_76 = arith.constant 0 : i32
        %dma_wait3A_77 = arith.constant 0 : i32
        %dma_wait3A_78 = tpu.memref_slice %arg2[%dma_wait3A_76, %dma_wait3A_77] : memref<10000x128xf32, #tpu.memory_space<hbm>> -> memref<10000x128xf32, #tpu.memory_space<hbm>>
        tpu.wait_indirect_dma semaphore(%arg16 : memref<!tpu.dma_semaphore, #tpu.memory_space<semaphore_mem>>) src(%dma_wait3A_78 : memref<10000x128xf32, #tpu.memory_space<hbm>>) dst(%arg12 : memref<128x128xf32, #tpu.memory_space<vmem>>)
        %dma_wait3A_79 = arith.constant 0 : i32
        %dma_wait3A_80 = arith.constant 0 : i32
        %dma_wait3A_81 = tpu.memref_slice %arg3[%dma_wait3A_79, %dma_wait3A_80] : memref<10000x128xf32, #tpu.memory_space<hbm>> -> memref<10000x128xf32, #tpu.memory_space<hbm>>
        tpu.wait_indirect_dma semaphore(%arg17 : memref<!tpu.dma_semaphore, #tpu.memory_space<semaphore_mem>>) src(%dma_wait3A_81 : memref<10000x128xf32, #tpu.memory_space<hbm>>) dst(%arg13 : memref<128x128xf32, #tpu.memory_space<vmem>>)
        %add3A_82 = arith.constant 32 : i32
        %add3A_83 = arith.addi %add3A_37, %add3A_82 : i32
        %lt3A_84 = arith.constant 1250 : i32
        %lt3A_85 = arith.cmpi slt, %add3A_83, %lt3A_84 : i32
        %convert_element_type3A_86 = arith.extui %lt3A_85 : i1 to i32
        %cond3A_87 = arith.constant 0 : i32
        %cond3A_88 = arith.cmpi ne, %convert_element_type3A_86, %cond3A_87 : i32
        scf.if %cond3A_88 {
          %add3A_97 = arith.constant 32 : i32
          %add3A_98 = arith.addi %add3A_37, %add3A_97 : i32
          %mul3A_99 = arith.constant 128 : i32
          %mul3A_100 = arith.muli %add3A_98, %mul3A_99 : i32
          %dma_start3A_101 = tpu.memref_slice %arg5[%mul3A_100] : memref<160000xi32, #tpu.memory_space<hbm>> -> memref<128xi32, #tpu.memory_space<hbm>>
          %dma_start3A_102 = tpu.memref_slice %arg5[%mul3A_100] : memref<160000xi32, #tpu.memory_space<hbm>> -> memref<128xi32, #tpu.memory_space<hbm>>
          tpu.enqueue_dma source(%dma_start3A_102 : memref<128xi32, #tpu.memory_space<hbm>>) target(%arg10 : memref<128xi32, #tpu.memory_space<vmem>>) target_semaphore(%arg18 : memref<!tpu.dma_semaphore, #tpu.memory_space<semaphore_mem>>)
          %add3A_103 = arith.constant 32 : i32
          %add3A_104 = arith.addi %add3A_37, %add3A_103 : i32
          %mul3A_105 = arith.constant 128 : i32
          %mul3A_106 = arith.muli %add3A_104, %mul3A_105 : i32
          %dma_start3A_107 = tpu.memref_slice %arg6[%mul3A_106] : memref<160000xi32, #tpu.memory_space<hbm>> -> memref<128xi32, #tpu.memory_space<hbm>>
          %dma_start3A_108 = tpu.memref_slice %arg6[%mul3A_106] : memref<160000xi32, #tpu.memory_space<hbm>> -> memref<128xi32, #tpu.memory_space<hbm>>
          tpu.enqueue_dma source(%dma_start3A_108 : memref<128xi32, #tpu.memory_space<hbm>>) target(%arg11 : memref<128xi32, #tpu.memory_space<vmem>>) target_semaphore(%arg19 : memref<!tpu.dma_semaphore, #tpu.memory_space<semaphore_mem>>)
        } else {
        }
        %dma_start3A_89 = arith.constant 0 : i32
        %dma_start3A_90 = tpu.memref_slice %arg7[%mul3A_44, %dma_start3A_89] : memref<160000x128xf32, #tpu.memory_space<hbm>> -> memref<128x128xf32, #tpu.memory_space<hbm>>
        %dma_start3A_91 = arith.constant 0 : i32
        %dma_start3A_92 = tpu.memref_slice %arg7[%mul3A_44, %dma_start3A_91] : memref<160000x128xf32, #tpu.memory_space<hbm>> -> memref<128x128xf32, #tpu.memory_space<hbm>>
        tpu.enqueue_dma source(%arg12 : memref<128x128xf32, #tpu.memory_space<vmem>>) target(%dma_start3A_92 : memref<128x128xf32, #tpu.memory_space<hbm>>) target_semaphore(%arg20 : memref<!tpu.dma_semaphore, #tpu.memory_space<semaphore_mem>>)
        %dma_start3A_93 = arith.constant 0 : i32
        %dma_start3A_94 = tpu.memref_slice %arg8[%mul3A_44, %dma_start3A_93] : memref<160000x128xf32, #tpu.memory_space<hbm>> -> memref<128x128xf32, #tpu.memory_space<hbm>>
        %dma_start3A_95 = arith.constant 0 : i32
        %dma_start3A_96 = tpu.memref_slice %arg8[%mul3A_44, %dma_start3A_95] : memref<160000x128xf32, #tpu.memory_space<hbm>> -> memref<128x128xf32, #tpu.memory_space<hbm>>
        tpu.enqueue_dma source(%arg13 : memref<128x128xf32, #tpu.memory_space<vmem>>) target(%dma_start3A_96 : memref<128x128xf32, #tpu.memory_space<hbm>>) target_semaphore(%arg21 : memref<!tpu.dma_semaphore, #tpu.memory_space<semaphore_mem>>)
      } else {
      }
    }
    %scan3A_12 = arith.constant 40 : i32
    %dma_wait3A = arith.constant 0 : i32
    %dma_wait3A_13 = arith.constant 0 : i32
    %dma_wait3A_14 = tpu.memref_slice %arg7[%dma_wait3A, %dma_wait3A_13] : memref<160000x128xf32, #tpu.memory_space<hbm>> -> memref<128x128xf32, #tpu.memory_space<hbm>>
    %dma_wait3A_15 = arith.constant 0 : i32
    %dma_wait3A_16 = arith.constant 0 : i32
    %dma_wait3A_17 = tpu.memref_slice %arg7[%dma_wait3A_15, %dma_wait3A_16] : memref<160000x128xf32, #tpu.memory_space<hbm>> -> memref<128x128xf32, #tpu.memory_space<hbm>>
    tpu.wait_dma2 semaphore(%arg20 : memref<!tpu.dma_semaphore, #tpu.memory_space<semaphore_mem>>) src(%arg12 : memref<128x128xf32, #tpu.memory_space<vmem>>) dst(%dma_wait3A_17 : memref<128x128xf32, #tpu.memory_space<hbm>>)
    %dma_wait3A_18 = arith.constant 0 : i32
    %dma_wait3A_19 = arith.constant 0 : i32
    %dma_wait3A_20 = tpu.memref_slice %arg8[%dma_wait3A_18, %dma_wait3A_19] : memref<160000x128xf32, #tpu.memory_space<hbm>> -> memref<128x128xf32, #tpu.memory_space<hbm>>
    %dma_wait3A_21 = arith.constant 0 : i32
    %dma_wait3A_22 = arith.constant 0 : i32
    %dma_wait3A_23 = tpu.memref_slice %arg8[%dma_wait3A_21, %dma_wait3A_22] : memref<160000x128xf32, #tpu.memory_space<hbm>> -> memref<128x128xf32, #tpu.memory_space<hbm>>
    tpu.wait_dma2 semaphore(%arg21 : memref<!tpu.dma_semaphore, #tpu.memory_space<semaphore_mem>>) src(%arg13 : memref<128x128xf32, #tpu.memory_space<vmem>>) dst(%dma_wait3A_23 : memref<128x128xf32, #tpu.memory_space<hbm>>)
    %dma_wait3A_24 = arith.constant 0 : i32
    %dma_wait3A_25 = arith.constant 0 : i32
    %dma_wait3A_26 = tpu.memref_slice %arg9[%dma_wait3A_24, %dma_wait3A_25] : memref<8x160000xf32, #tpu.memory_space<hbm>> -> memref<8x128xf32, #tpu.memory_space<hbm>>
    %dma_wait3A_27 = arith.constant 0 : i32
    %dma_wait3A_28 = arith.constant 0 : i32
    %dma_wait3A_29 = tpu.memref_slice %arg9[%dma_wait3A_27, %dma_wait3A_28] : memref<8x160000xf32, #tpu.memory_space<hbm>> -> memref<8x128xf32, #tpu.memory_space<hbm>>
    tpu.wait_dma2 semaphore(%arg22 : memref<!tpu.dma_semaphore, #tpu.memory_space<semaphore_mem>>) src(%arg15 : memref<8x128xf32, #tpu.memory_space<vmem>>) dst(%dma_wait3A_29 : memref<8x128xf32, #tpu.memory_space<hbm>>)
    return
  }
}

module attributes {stable_mosaic.version = 14 : i64} {
  func.func @_t1b_body(%arg0: i32, %arg1: memref<2000x1xi32, #tpu.memory_space<vmem>>, %arg2: memref<2000x16xf32, #tpu.memory_space<vmem>>, %arg3: memref<2000x16xf32, #tpu.memory_space<vmem>>, %arg4: memref<256x1xf32, #tpu.memory_space<vmem>>, %arg5: memref<256x1xf32, #tpu.memory_space<vmem>>, %arg6: memref<1x256xf32, #tpu.memory_space<vmem>>, %arg7: memref<16x256xf32, #tpu.memory_space<vmem>>, %arg8: memref<1x256xf32, #tpu.memory_space<vmem>>, %arg9: memref<256x256xf32, #tpu.memory_space<vmem>>, %arg10: memref<256x256xf32, #tpu.memory_space<vmem>>, %arg11: memref<256x16xf32, #tpu.memory_space<vmem>>, %arg12: memref<256x8xf32, #tpu.memory_space<vmem>>, %arg13: memref<2000x128xf32, #tpu.memory_space<vmem>>, %arg14: memref<2000x128xf32, #tpu.memory_space<vmem>>, %arg15: memref<2000x4xf32, #tpu.memory_space<vmem>>, %arg16: memref<2000x256xf32, #tpu.memory_space<vmem>>, %arg17: memref<2000x16xf32, #tpu.memory_space<vmem>>) attributes {dimension_semantics = [#tpu.dimension_semantics<arbitrary>], iteration_bounds = array<i64: 5>, scalar_prefetch = 0 : i64, scratch_operands = 0 : i64, tpu.core_type = #tpu.core_type<tc>, window_params = [{transform_indices = @transform_0, window_bounds = array<i64: 2000, 1>}, {transform_indices = @transform_1, window_bounds = array<i64: 2000, 16>}, {transform_indices = @transform_2, window_bounds = array<i64: 2000, 16>}, {pipeline_mode = #tpu.pipeline_mode<synchronous>, transform_indices = @transform_3, window_bounds = array<i64: 256, 1>}, {pipeline_mode = #tpu.pipeline_mode<synchronous>, transform_indices = @transform_4, window_bounds = array<i64: 256, 1>}, {pipeline_mode = #tpu.pipeline_mode<synchronous>, transform_indices = @transform_5, window_bounds = array<i64: 1, 256>}, {pipeline_mode = #tpu.pipeline_mode<synchronous>, transform_indices = @transform_6, window_bounds = array<i64: 16, 256>}, {pipeline_mode = #tpu.pipeline_mode<synchronous>, transform_indices = @transform_7, window_bounds = array<i64: 1, 256>}, {pipeline_mode = #tpu.pipeline_mode<synchronous>, transform_indices = @transform_8, window_bounds = array<i64: 256, 256>}, {pipeline_mode = #tpu.pipeline_mode<synchronous>, transform_indices = @transform_9, window_bounds = array<i64: 256, 256>}, {pipeline_mode = #tpu.pipeline_mode<synchronous>, transform_indices = @transform_10, window_bounds = array<i64: 256, 16>}, {pipeline_mode = #tpu.pipeline_mode<synchronous>, transform_indices = @transform_11, window_bounds = array<i64: 256, 8>}, {transform_indices = @transform_12, window_bounds = array<i64: 2000, 128>}, {transform_indices = @transform_13, window_bounds = array<i64: 2000, 128>}, {transform_indices = @transform_14, window_bounds = array<i64: 2000, 4>}, {transform_indices = @transform_15, window_bounds = array<i64: 2000, 256>}, {transform_indices = @transform_16, window_bounds = array<i64: 2000, 16>}]} {
    %get3A = arith.constant 0 : index
    %get3A_0 = arith.constant 0 : index
    %get3A_1 = vector.load %arg1[%get3A, %get3A_0] : memref<2000x1xi32, #tpu.memory_space<vmem>>, vector<2000x1xi32>
    %iota3A = tpu.iota {dimensions = array<i32: 1>} : vector<2000x256xi32>
    %eq3A = vector.broadcast %get3A_1 : vector<2000x1xi32> to vector<2000x256xi32>
    %eq3A_2 = arith.cmpi eq, %eq3A, %iota3A : vector<2000x256xi32>
    %convert_element_type3A = arith.extui %eq3A_2 : vector<2000x256xi1> to vector<2000x256xi32>
    %convert_element_type3A_3 = arith.sitofp %convert_element_type3A : vector<2000x256xi32> to vector<2000x256xf32>
    %get3A_4 = arith.constant 0 : index
    %get3A_5 = arith.constant 0 : index
    %get3A_6 = vector.load %arg12[%get3A_4, %get3A_5] : memref<256x8xf32, #tpu.memory_space<vmem>>, vector<256x8xf32>
    %slice3A = vector.extract_strided_slice %get3A_6 {offsets = [0, 1], sizes = [256, 1], strides = [1, 1]} : vector<256x8xf32> to vector<256x1xf32>
    %dot_general3A = arith.constant dense<0.000000e+00> : vector<2000x1xf32>
    %dot_general3A_7 = tpu.matmul %convert_element_type3A_3, %slice3A, %dot_general3A {dimension_numbers = #tpu.dot_dimension_numbers<[1], [0], [0], [1], [0, 0, 1, 1], [], []>, transpose_lhs_hint = false} : vector<2000x256xf32>, vector<256x1xf32>, vector<2000x1xf32> -> vector<2000x1xf32>
    %slice3A_8 = vector.extract_strided_slice %get3A_6 {offsets = [0, 2], sizes = [256, 1], strides = [1, 1]} : vector<256x8xf32> to vector<256x1xf32>
    %dot_general3A_9 = arith.constant dense<0.000000e+00> : vector<2000x1xf32>
    %dot_general3A_10 = tpu.matmul %convert_element_type3A_3, %slice3A_8, %dot_general3A_9 {dimension_numbers = #tpu.dot_dimension_numbers<[1], [0], [0], [1], [0, 0, 1, 1], [], []>, transpose_lhs_hint = false} : vector<2000x256xf32>, vector<256x1xf32>, vector<2000x1xf32> -> vector<2000x1xf32>
    %get3A_11 = arith.constant 0 : index
    %get3A_12 = arith.constant 0 : index
    %get3A_13 = vector.load %arg4[%get3A_11, %get3A_12] : memref<256x1xf32, #tpu.memory_space<vmem>>, vector<256x1xf32>
    %dot_general3A_14 = arith.constant dense<0.000000e+00> : vector<2000x1xf32>
    %dot_general3A_15 = tpu.matmul %convert_element_type3A_3, %get3A_13, %dot_general3A_14 {dimension_numbers = #tpu.dot_dimension_numbers<[1], [0], [0], [1], [0, 0, 1, 1], [], []>, transpose_lhs_hint = false} : vector<2000x256xf32>, vector<256x1xf32>, vector<2000x1xf32> -> vector<2000x1xf32>
    %iota3A_16 = tpu.iota {dimensions = array<i32: 1>} : vector<1x16xi32>
    %lt3A = arith.constant 3 : i32
    %lt3A_17 = vector.broadcast %lt3A : i32 to vector<1x16xi32>
    %lt3A_18 = arith.cmpi slt, %iota3A_16, %lt3A_17 : vector<1x16xi32>
    %convert_element_type3A_19 = arith.extui %lt3A_18 : vector<1x16xi1> to vector<1x16xi32>
    %convert_element_type3A_20 = arith.sitofp %convert_element_type3A_19 : vector<1x16xi32> to vector<1x16xf32>
    %get3A_21 = arith.constant 0 : index
    %get3A_22 = arith.constant 0 : index
    %get3A_23 = vector.load %arg11[%get3A_21, %get3A_22] : memref<256x16xf32, #tpu.memory_space<vmem>>, vector<256x16xf32>
    %dot_general3A_24 = arith.constant dense<0.000000e+00> : vector<2000x16xf32>
    %dot_general3A_25 = tpu.matmul %convert_element_type3A_3, %get3A_23, %dot_general3A_24 {dimension_numbers = #tpu.dot_dimension_numbers<[1], [0], [0], [1], [0, 0, 1, 1], [], []>, transpose_lhs_hint = false} : vector<2000x256xf32>, vector<256x16xf32>, vector<2000x16xf32> -> vector<2000x16xf32>
    %mul3A = vector.broadcast %convert_element_type3A_20 : vector<1x16xf32> to vector<2000x16xf32>
    %mul3A_26 = arith.mulf %dot_general3A_25, %mul3A : vector<2000x16xf32>
    %get3A_27 = arith.constant 0 : index
    %get3A_28 = arith.constant 0 : index
    %get3A_29 = vector.load %arg3[%get3A_27, %get3A_28] : memref<2000x16xf32, #tpu.memory_space<vmem>>, vector<2000x16xf32>
    %sub3A = arith.subf %get3A_29, %mul3A_26 : vector<2000x16xf32>
    %get3A_30 = arith.constant 0 : index
    %get3A_31 = arith.constant 0 : index
    %get3A_32 = vector.load %arg2[%get3A_30, %get3A_31] : memref<2000x16xf32, #tpu.memory_space<vmem>>, vector<2000x16xf32>
    %mul3A_33 = vector.broadcast %dot_general3A_7 : vector<2000x1xf32> to vector<2000x16xf32>
    %mul3A_34 = arith.mulf %mul3A_33, %get3A_32 : vector<2000x16xf32>
    %mul3A_35 = vector.broadcast %dot_general3A_10 : vector<2000x1xf32> to vector<2000x16xf32>
    %mul3A_36 = arith.mulf %mul3A_35, %sub3A : vector<2000x16xf32>
    %add3A = arith.addf %mul3A_34, %mul3A_36 : vector<2000x16xf32>
    %get3A_37 = arith.constant 0 : index
    %get3A_38 = arith.constant 0 : index
    %get3A_39 = vector.load %arg5[%get3A_37, %get3A_38] : memref<256x1xf32, #tpu.memory_space<vmem>>, vector<256x1xf32>
    %get3A_40 = arith.constant 0 : index
    %get3A_41 = arith.constant 0 : index
    %get3A_42 = vector.load %arg6[%get3A_40, %get3A_41] : memref<1x256xf32, #tpu.memory_space<vmem>>, vector<1x256xf32>
    %dot_general3A_43 = arith.constant dense<0.000000e+00> : vector<256x256xf32>
    %dot_general3A_44 = tpu.matmul %get3A_39, %get3A_42, %dot_general3A_43 {dimension_numbers = #tpu.dot_dimension_numbers<[1], [0], [0], [1], [0, 0, 1, 1], [], []>, transpose_lhs_hint = false} : vector<256x1xf32>, vector<1x256xf32>, vector<256x256xf32> -> vector<256x256xf32>
    %dot_general3A_45 = arith.constant dense<0.000000e+00> : vector<2000x256xf32>
    %dot_general3A_46 = tpu.matmul %convert_element_type3A_3, %dot_general3A_44, %dot_general3A_45 {dimension_numbers = #tpu.dot_dimension_numbers<[1], [0], [0], [1], [0, 0, 1, 1], [], []>, transpose_lhs_hint = false} : vector<2000x256xf32>, vector<256x256xf32>, vector<2000x256xf32> -> vector<2000x256xf32>
    %get3A_47 = arith.constant 0 : index
    %get3A_48 = arith.constant 0 : index
    %get3A_49 = vector.load %arg7[%get3A_47, %get3A_48] : memref<16x256xf32, #tpu.memory_space<vmem>>, vector<16x256xf32>
    %dot_general3A_50 = arith.constant dense<0.000000e+00> : vector<2000x256xf32>
    %dot_general3A_51 = tpu.matmul %add3A, %get3A_49, %dot_general3A_50 {dimension_numbers = #tpu.dot_dimension_numbers<[1], [0], [0], [1], [0, 0, 1, 1], [], []>, transpose_lhs_hint = false} : vector<2000x16xf32>, vector<16x256xf32>, vector<2000x256xf32> -> vector<2000x256xf32>
    %get3A_52 = arith.constant 0 : index
    %get3A_53 = arith.constant 0 : index
    %get3A_54 = vector.load %arg8[%get3A_52, %get3A_53] : memref<1x256xf32, #tpu.memory_space<vmem>>, vector<1x256xf32>
    %dot_general3A_55 = arith.constant dense<0.000000e+00> : vector<2000x256xf32>
    %dot_general3A_56 = tpu.matmul %dot_general3A_15, %get3A_54, %dot_general3A_55 {dimension_numbers = #tpu.dot_dimension_numbers<[1], [0], [0], [1], [0, 0, 1, 1], [], []>, transpose_lhs_hint = false} : vector<2000x1xf32>, vector<1x256xf32>, vector<2000x256xf32> -> vector<2000x256xf32>
    %add3A_57 = arith.addf %dot_general3A_51, %dot_general3A_56 : vector<2000x256xf32>
    %add3A_58 = arith.addf %add3A_57, %dot_general3A_46 : vector<2000x256xf32>
    %logistic3A = arith.negf %add3A_58 : vector<2000x256xf32>
    %logistic3A_59 = math.exp %logistic3A : vector<2000x256xf32>
    %logistic3A_60 = arith.constant 1.000000e+00 : f32
    %logistic3A_61 = vector.broadcast %logistic3A_60 : f32 to vector<2000x256xf32>
    %logistic3A_62 = arith.addf %logistic3A_61, %logistic3A_59 : vector<2000x256xf32>
    %logistic3A_63 = arith.divf %logistic3A_61, %logistic3A_62 : vector<2000x256xf32>
    %mul3A_64 = arith.mulf %add3A_58, %logistic3A_63 : vector<2000x256xf32>
    %iota3A_65 = tpu.iota {dimensions = array<i32: 1>} : vector<1x4xi32>
    %lt3A_66 = arith.constant 3 : i32
    %lt3A_67 = vector.broadcast %lt3A_66 : i32 to vector<1x4xi32>
    %lt3A_68 = arith.cmpi slt, %iota3A_65, %lt3A_67 : vector<1x4xi32>
    %convert_element_type3A_69 = arith.extui %lt3A_68 : vector<1x4xi1> to vector<1x4xi32>
    %convert_element_type3A_70 = arith.sitofp %convert_element_type3A_69 : vector<1x4xi32> to vector<1x4xf32>
    %convert_element_type3A_71 = arith.truncf %mul3A_64 : vector<2000x256xf32> to vector<2000x256xbf16>
    %get3A_72 = arith.constant 0 : index
    %get3A_73 = arith.constant 0 : index
    %get3A_74 = vector.load %arg9[%get3A_72, %get3A_73] : memref<256x256xf32, #tpu.memory_space<vmem>>, vector<256x256xf32>
    %convert_element_type3A_75 = arith.truncf %get3A_74 : vector<256x256xf32> to vector<256x256xbf16>
    %dot_general3A_76 = arith.constant dense<0.000000e+00> : vector<2000x256xf32>
    %dot_general3A_77 = tpu.matmul %convert_element_type3A_71, %convert_element_type3A_75, %dot_general3A_76 {dimension_numbers = #tpu.dot_dimension_numbers<[1], [0], [0], [1], [0, 0, 1, 1], [], []>, transpose_lhs_hint = false} : vector<2000x256xbf16>, vector<256x256xbf16>, vector<2000x256xf32> -> vector<2000x256xf32>
    %get3A_78 = arith.constant 0 : index
    %get3A_79 = arith.constant 0 : index
    %get3A_80 = vector.load %arg10[%get3A_78, %get3A_79] : memref<256x256xf32, #tpu.memory_space<vmem>>, vector<256x256xf32>
    %convert_element_type3A_81 = arith.truncf %get3A_80 : vector<256x256xf32> to vector<256x256xbf16>
    %dot_general3A_82 = arith.constant dense<0.000000e+00> : vector<2000x256xf32>
    %dot_general3A_83 = tpu.matmul %convert_element_type3A_71, %convert_element_type3A_81, %dot_general3A_82 {dimension_numbers = #tpu.dot_dimension_numbers<[1], [0], [0], [1], [0, 0, 1, 1], [], []>, transpose_lhs_hint = false} : vector<2000x256xbf16>, vector<256x256xbf16>, vector<2000x256xf32> -> vector<2000x256xf32>
    %bitcast_convert_type3A = tpu.bitcast %dot_general3A_77 : vector<2000x256xf32> -> vector<2000x256xi32>
    %add3A_84 = arith.constant 32768 : i32
    %add3A_85 = vector.broadcast %add3A_84 : i32 to vector<2000x256xi32>
    %add3A_86 = arith.addi %bitcast_convert_type3A, %add3A_85 : vector<2000x256xi32>
    %slice3A_87 = vector.extract_strided_slice %add3A_86 {offsets = [0, 0], sizes = [2000, 128], strides = [1, 1]} : vector<2000x256xi32> to vector<2000x128xi32>
    %shift_right_logical3A = arith.constant 16 : i32
    %shift_right_logical3A_88 = vector.broadcast %shift_right_logical3A : i32 to vector<2000x128xi32>
    %shift_right_logical3A_89 = arith.shrui %slice3A_87, %shift_right_logical3A_88 : vector<2000x128xi32>
    %slice3A_90 = vector.extract_strided_slice %add3A_86 {offsets = [0, 128], sizes = [2000, 128], strides = [1, 1]} : vector<2000x256xi32> to vector<2000x128xi32>
    %and3A = arith.constant -65536 : i32
    %and3A_91 = vector.broadcast %and3A : i32 to vector<2000x128xi32>
    %and3A_92 = arith.andi %slice3A_90, %and3A_91 : vector<2000x128xi32>
    %or3A = arith.ori %and3A_92, %shift_right_logical3A_89 : vector<2000x128xi32>
    %bitcast_convert_type3A_93 = tpu.bitcast %or3A : vector<2000x128xi32> -> vector<2000x128xf32>
    %swap3A = arith.constant 0 : index
    %swap3A_94 = arith.constant 0 : index
    %swap3A_95 = vector.load %arg13[%swap3A, %swap3A_94] : memref<2000x128xf32, #tpu.memory_space<vmem>>, vector<2000x128xf32>
    tpu.vector_store %arg13[%swap3A, %swap3A_94], %bitcast_convert_type3A_93 {strides = array<i32>} : memref<2000x128xf32, #tpu.memory_space<vmem>>, vector<2000x128xf32>,
    %bitcast_convert_type3A_96 = tpu.bitcast %dot_general3A_83 : vector<2000x256xf32> -> vector<2000x256xi32>
    %add3A_97 = arith.constant 32768 : i32
    %add3A_98 = vector.broadcast %add3A_97 : i32 to vector<2000x256xi32>
    %add3A_99 = arith.addi %bitcast_convert_type3A_96, %add3A_98 : vector<2000x256xi32>
    %slice3A_100 = vector.extract_strided_slice %add3A_99 {offsets = [0, 0], sizes = [2000, 128], strides = [1, 1]} : vector<2000x256xi32> to vector<2000x128xi32>
    %shift_right_logical3A_101 = arith.constant 16 : i32
    %shift_right_logical3A_102 = vector.broadcast %shift_right_logical3A_101 : i32 to vector<2000x128xi32>
    %shift_right_logical3A_103 = arith.shrui %slice3A_100, %shift_right_logical3A_102 : vector<2000x128xi32>
    %slice3A_104 = vector.extract_strided_slice %add3A_99 {offsets = [0, 128], sizes = [2000, 128], strides = [1, 1]} : vector<2000x256xi32> to vector<2000x128xi32>
    %and3A_105 = arith.constant -65536 : i32
    %and3A_106 = vector.broadcast %and3A_105 : i32 to vector<2000x128xi32>
    %and3A_107 = arith.andi %slice3A_104, %and3A_106 : vector<2000x128xi32>
    %or3A_108 = arith.ori %and3A_107, %shift_right_logical3A_103 : vector<2000x128xi32>
    %bitcast_convert_type3A_109 = tpu.bitcast %or3A_108 : vector<2000x128xi32> -> vector<2000x128xf32>
    %swap3A_110 = arith.constant 0 : index
    %swap3A_111 = arith.constant 0 : index
    %swap3A_112 = vector.load %arg14[%swap3A_110, %swap3A_111] : memref<2000x128xf32, #tpu.memory_space<vmem>>, vector<2000x128xf32>
    tpu.vector_store %arg14[%swap3A_110, %swap3A_111], %bitcast_convert_type3A_109 {strides = array<i32>} : memref<2000x128xf32, #tpu.memory_space<vmem>>, vector<2000x128xf32>,
    %slice3A_113 = vector.extract_strided_slice %add3A {offsets = [0, 0], sizes = [2000, 4], strides = [1, 1]} : vector<2000x16xf32> to vector<2000x4xf32>
    %mul3A_114 = vector.broadcast %convert_element_type3A_70 : vector<1x4xf32> to vector<2000x4xf32>
    %mul3A_115 = arith.mulf %slice3A_113, %mul3A_114 : vector<2000x4xf32>
    %swap3A_116 = arith.constant 0 : index
    %swap3A_117 = arith.constant 0 : index
    %swap3A_118 = vector.load %arg15[%swap3A_116, %swap3A_117] : memref<2000x4xf32, #tpu.memory_space<vmem>>, vector<2000x4xf32>
    tpu.vector_store %arg15[%swap3A_116, %swap3A_117], %mul3A_115 {strides = array<i32>} : memref<2000x4xf32, #tpu.memory_space<vmem>>, vector<2000x4xf32>,
    %swap3A_119 = arith.constant 0 : index
    %swap3A_120 = arith.constant 0 : index
    %swap3A_121 = vector.load %arg16[%swap3A_119, %swap3A_120] : memref<2000x256xf32, #tpu.memory_space<vmem>>, vector<2000x256xf32>
    tpu.vector_store %arg16[%swap3A_119, %swap3A_120], %mul3A_64 {strides = array<i32>} : memref<2000x256xf32, #tpu.memory_space<vmem>>, vector<2000x256xf32>,
    %swap3A_122 = arith.constant 0 : index
    %swap3A_123 = arith.constant 0 : index
    %swap3A_124 = vector.load %arg17[%swap3A_122, %swap3A_123] : memref<2000x16xf32, #tpu.memory_space<vmem>>, vector<2000x16xf32>
    tpu.vector_store %arg17[%swap3A_122, %swap3A_123], %sub3A {strides = array<i32>} : memref<2000x16xf32, #tpu.memory_space<vmem>>, vector<2000x16xf32>,
    return
  }
  func.func @transform_0(%arg0: i32) -> (i32, i32) {
    %c0_i32 = arith.constant 0 : i32
    %c0_i32_0 = arith.constant 0 : i32
    return %arg0, %c0_i32 : i32, i32
  }
  func.func @transform_1(%arg0: i32) -> (i32, i32) {
    %c0_i32 = arith.constant 0 : i32
    %c0_i32_0 = arith.constant 0 : i32
    return %arg0, %c0_i32 : i32, i32
  }
  func.func @transform_2(%arg0: i32) -> (i32, i32) {
    %c0_i32 = arith.constant 0 : i32
    %c0_i32_0 = arith.constant 0 : i32
    return %arg0, %c0_i32 : i32, i32
  }
  func.func @transform_3(%arg0: i32) -> (i32, i32) {
    %c0_i32 = arith.constant 0 : i32
    %c0_i32_0 = arith.constant 0 : i32
    %c0_i32_1 = arith.constant 0 : i32
    return %c0_i32, %c0_i32_0 : i32, i32
  }
  func.func @transform_4(%arg0: i32) -> (i32, i32) {
    %c0_i32 = arith.constant 0 : i32
    %c0_i32_0 = arith.constant 0 : i32
    %c0_i32_1 = arith.constant 0 : i32
    return %c0_i32, %c0_i32_0 : i32, i32
  }
  func.func @transform_5(%arg0: i32) -> (i32, i32) {
    %c0_i32 = arith.constant 0 : i32
    %c0_i32_0 = arith.constant 0 : i32
    %c0_i32_1 = arith.constant 0 : i32
    return %c0_i32, %c0_i32_0 : i32, i32
  }
  func.func @transform_6(%arg0: i32) -> (i32, i32) {
    %c0_i32 = arith.constant 0 : i32
    %c0_i32_0 = arith.constant 0 : i32
    %c0_i32_1 = arith.constant 0 : i32
    return %c0_i32, %c0_i32_0 : i32, i32
  }
  func.func @transform_7(%arg0: i32) -> (i32, i32) {
    %c0_i32 = arith.constant 0 : i32
    %c0_i32_0 = arith.constant 0 : i32
    %c0_i32_1 = arith.constant 0 : i32
    return %c0_i32, %c0_i32_0 : i32, i32
  }
  func.func @transform_8(%arg0: i32) -> (i32, i32) {
    %c0_i32 = arith.constant 0 : i32
    %c0_i32_0 = arith.constant 0 : i32
    %c0_i32_1 = arith.constant 0 : i32
    return %c0_i32, %c0_i32_0 : i32, i32
  }
  func.func @transform_9(%arg0: i32) -> (i32, i32) {
    %c0_i32 = arith.constant 0 : i32
    %c0_i32_0 = arith.constant 0 : i32
    %c0_i32_1 = arith.constant 0 : i32
    return %c0_i32, %c0_i32_0 : i32, i32
  }
  func.func @transform_10(%arg0: i32) -> (i32, i32) {
    %c0_i32 = arith.constant 0 : i32
    %c0_i32_0 = arith.constant 0 : i32
    %c0_i32_1 = arith.constant 0 : i32
    return %c0_i32, %c0_i32_0 : i32, i32
  }
  func.func @transform_11(%arg0: i32) -> (i32, i32) {
    %c0_i32 = arith.constant 0 : i32
    %c0_i32_0 = arith.constant 0 : i32
    %c0_i32_1 = arith.constant 0 : i32
    return %c0_i32, %c0_i32_0 : i32, i32
  }
  func.func @transform_12(%arg0: i32) -> (i32, i32) {
    %c0_i32 = arith.constant 0 : i32
    %c0_i32_0 = arith.constant 0 : i32
    return %arg0, %c0_i32 : i32, i32
  }
  func.func @transform_13(%arg0: i32) -> (i32, i32) {
    %c0_i32 = arith.constant 0 : i32
    %c0_i32_0 = arith.constant 0 : i32
    return %arg0, %c0_i32 : i32, i32
  }
  func.func @transform_14(%arg0: i32) -> (i32, i32) {
    %c0_i32 = arith.constant 0 : i32
    %c0_i32_0 = arith.constant 0 : i32
    return %arg0, %c0_i32 : i32, i32
  }
  func.func @transform_15(%arg0: i32) -> (i32, i32) {
    %c0_i32 = arith.constant 0 : i32
    %c0_i32_0 = arith.constant 0 : i32
    return %arg0, %c0_i32 : i32, i32
  }
  func.func @transform_16(%arg0: i32) -> (i32, i32) {
    %c0_i32 = arith.constant 0 : i32
    %c0_i32_0 = arith.constant 0 : i32
    return %arg0, %c0_i32 : i32, i32
  }
}

module attributes {stable_mosaic.version = 14 : i64} {
  func.func @_t1a_body(%arg0: memref<10000x1xi32, #tpu.memory_space<vmem>>, %arg1: memref<10000x16xf32, #tpu.memory_space<vmem>>, %arg2: memref<256x1xf32, #tpu.memory_space<vmem>>, %arg3: memref<256x16xf32, #tpu.memory_space<vmem>>, %arg4: memref<256x8xf32, #tpu.memory_space<vmem>>) attributes {dimension_semantics = [], scalar_prefetch = 0 : i64, scratch_operands = 0 : i64, tpu.core_type = #tpu.core_type<tc>} {
    %get3A = arith.constant 0 : index
    %get3A_0 = arith.constant 0 : index
    %get3A_1 = vector.load %arg0[%get3A, %get3A_0] : memref<10000x1xi32, #tpu.memory_space<vmem>>, vector<10000x1xi32>
    %iota3A = tpu.iota {dimensions = array<i32: 1>} : vector<10000x256xi32>
    %eq3A = vector.broadcast %get3A_1 : vector<10000x1xi32> to vector<10000x256xi32>
    %eq3A_2 = arith.cmpi eq, %eq3A, %iota3A : vector<10000x256xi32>
    %convert_element_type3A = arith.extui %eq3A_2 : vector<10000x256xi1> to vector<10000x256xi32>
    %convert_element_type3A_3 = arith.sitofp %convert_element_type3A : vector<10000x256xi32> to vector<10000x256xf32>
    %broadcast_in_dim3A = arith.constant 1.000000e+00 : f32
    %broadcast_in_dim3A_4 = vector.broadcast %broadcast_in_dim3A : f32 to vector<10000x1xf32>
    %dot_general3A = arith.constant dense<0.000000e+00> : vector<256x1xf32>
    %dot_general3A_5 = tpu.matmul %convert_element_type3A_3, %broadcast_in_dim3A_4, %dot_general3A {dimension_numbers = #tpu.dot_dimension_numbers<[0], [0], [1], [1], [0, 1, 1, 1], [], []>, transpose_lhs_hint = false} : vector<10000x256xf32>, vector<10000x1xf32>, vector<256x1xf32> -> vector<256x1xf32>
    %max3A = arith.constant 1.000000e+00 : f32
    %max3A_6 = vector.broadcast %max3A : f32 to vector<256x1xf32>
    %max3A_7 = arith.maximumf %dot_general3A_5, %max3A_6 : vector<256x1xf32>
    %get3A_8 = arith.constant 0 : index
    %get3A_9 = arith.constant 0 : index
    %get3A_10 = vector.load %arg1[%get3A_8, %get3A_9] : memref<10000x16xf32, #tpu.memory_space<vmem>>, vector<10000x16xf32>
    %dot_general3A_11 = arith.constant dense<0.000000e+00> : vector<256x16xf32>
    %dot_general3A_12 = tpu.matmul %convert_element_type3A_3, %get3A_10, %dot_general3A_11 {dimension_numbers = #tpu.dot_dimension_numbers<[0], [0], [1], [1], [0, 1, 1, 1], [], []>, transpose_lhs_hint = false} : vector<10000x256xf32>, vector<10000x16xf32>, vector<256x16xf32> -> vector<256x16xf32>
    %div3A = vector.broadcast %max3A_7 : vector<256x1xf32> to vector<256x16xf32>
    %div3A_13 = arith.divf %dot_general3A_12, %div3A : vector<256x16xf32>
    %swap3A = arith.constant 0 : index
    %swap3A_14 = arith.constant 0 : index
    %swap3A_15 = vector.load %arg3[%swap3A, %swap3A_14] : memref<256x16xf32, #tpu.memory_space<vmem>>, vector<256x16xf32>
    tpu.vector_store %arg3[%swap3A, %swap3A_14], %div3A_13 {strides = array<i32>} : memref<256x16xf32, #tpu.memory_space<vmem>>, vector<256x16xf32>,
    %get3A_16 = arith.constant 0 : index
    %get3A_17 = arith.constant 0 : index
    %get3A_18 = vector.load %arg2[%get3A_16, %get3A_17] : memref<256x1xf32, #tpu.memory_space<vmem>>, vector<256x1xf32>
    %mul3A = arith.constant 1.300000e+01 : f32
    %mul3A_19 = vector.broadcast %mul3A : f32 to vector<256x1xf32>
    %mul3A_20 = arith.mulf %mul3A_19, %get3A_18 : vector<256x1xf32>
    %add3A = arith.constant -7.000000e+00 : f32
    %add3A_21 = vector.broadcast %add3A : f32 to vector<256x1xf32>
    %add3A_22 = arith.addf %add3A_21, %mul3A_20 : vector<256x1xf32>
    %sub3A = arith.constant 1.000000e-03 : f32
    %sub3A_23 = vector.broadcast %sub3A : f32 to vector<256x1xf32>
    %sub3A_24 = arith.subf %get3A_18, %sub3A_23 : vector<256x1xf32>
    %mul3A_25 = arith.constant 1.300000e+01 : f32
    %mul3A_26 = vector.broadcast %mul3A_25 : f32 to vector<256x1xf32>
    %mul3A_27 = arith.mulf %mul3A_26, %sub3A_24 : vector<256x1xf32>
    %add3A_28 = arith.constant -7.000000e+00 : f32
    %add3A_29 = vector.broadcast %add3A_28 : f32 to vector<256x1xf32>
    %add3A_30 = arith.addf %add3A_29, %mul3A_27 : vector<256x1xf32>
    %neg3A = arith.constant 0.000000e+00 : f32
    %neg3A_31 = vector.broadcast %neg3A : f32 to vector<256x1xf32>
    %neg3A_32 = arith.subf %neg3A_31, %add3A_22 : vector<256x1xf32>
    %logistic3A = arith.negf %neg3A_32 : vector<256x1xf32>
    %logistic3A_33 = math.exp %logistic3A : vector<256x1xf32>
    %logistic3A_34 = arith.constant 1.000000e+00 : f32
    %logistic3A_35 = vector.broadcast %logistic3A_34 : f32 to vector<256x1xf32>
    %logistic3A_36 = arith.addf %logistic3A_35, %logistic3A_33 : vector<256x1xf32>
    %logistic3A_37 = arith.divf %logistic3A_35, %logistic3A_36 : vector<256x1xf32>
    %sqrt3A = math.sqrt %logistic3A_37 : vector<256x1xf32>
    %logistic3A_38 = arith.negf %add3A_22 : vector<256x1xf32>
    %logistic3A_39 = math.exp %logistic3A_38 : vector<256x1xf32>
    %logistic3A_40 = arith.constant 1.000000e+00 : f32
    %logistic3A_41 = vector.broadcast %logistic3A_40 : f32 to vector<256x1xf32>
    %logistic3A_42 = arith.addf %logistic3A_41, %logistic3A_39 : vector<256x1xf32>
    %logistic3A_43 = arith.divf %logistic3A_41, %logistic3A_42 : vector<256x1xf32>
    %sqrt3A_44 = math.sqrt %logistic3A_43 : vector<256x1xf32>
    %sub3A_45 = arith.subf %add3A_22, %add3A_30 : vector<256x1xf32>
    %exp3A = math.exp %sub3A_45 : vector<256x1xf32>
    %sub3A_46 = arith.constant 1.000000e+00 : f32
    %sub3A_47 = vector.broadcast %sub3A_46 : f32 to vector<256x1xf32>
    %sub3A_48 = arith.subf %sub3A_47, %exp3A : vector<256x1xf32>
    %broadcast_in_dim3A_49 = arith.constant 0.000000e+00 : f32
    %broadcast_in_dim3A_50 = vector.broadcast %broadcast_in_dim3A_49 : f32 to vector<256x4xf32>
    %concatenate3A = tpu.concatenate %max3A_7, %sqrt3A, %sqrt3A_44, %sub3A_48, %broadcast_in_dim3A_50 in 1 : vector<256x1xf32>, vector<256x1xf32>, vector<256x1xf32>, vector<256x1xf32>, vector<256x4xf32> -> vector<256x8xf32>
    %swap3A_51 = arith.constant 0 : index
    %swap3A_52 = arith.constant 0 : index
    %swap3A_53 = vector.load %arg4[%swap3A_51, %swap3A_52] : memref<256x8xf32, #tpu.memory_space<vmem>>, vector<256x8xf32>
    tpu.vector_store %arg4[%swap3A_51, %swap3A_52], %concatenate3A {strides = array<i32>} : memref<256x8xf32, #tpu.memory_space<vmem>>, vector<256x8xf32>,
    return
  }
}

module attributes {stable_mosaic.version = 14 : i64} {
  func.func @_t2_body(%arg0: i32, %arg1: memref<1280x128xf32, #tpu.memory_space<vmem>>, %arg2: memref<1280x128xf32, #tpu.memory_space<vmem>>, %arg3: memref<8x1280xf32, #tpu.memory_space<vmem>>, %arg4: memref<1x256xf32, #tpu.memory_space<vmem>>, %arg5: memref<256x256xf32, #tpu.memory_space<vmem>>, %arg6: memref<256x1xf32, #tpu.memory_space<vmem>>, %arg7: memref<1280x128xf32, #tpu.memory_space<vmem>>, %arg8: memref<1280x128xf32, #tpu.memory_space<vmem>>, %arg9: memref<1280x128xf32, #tpu.memory_space<vmem>>) attributes {dimension_semantics = [#tpu.dimension_semantics<arbitrary>], iteration_bounds = array<i64: 125>, scalar_prefetch = 0 : i64, scratch_operands = 0 : i64, tpu.core_type = #tpu.core_type<tc>, window_params = [{transform_indices = @transform_0, window_bounds = array<i64: 1280, 128>}, {transform_indices = @transform_1, window_bounds = array<i64: 1280, 128>}, {transform_indices = @transform_2, window_bounds = array<i64: 8, 1280>}, {pipeline_mode = #tpu.pipeline_mode<synchronous>, transform_indices = @transform_3, window_bounds = array<i64: 1, 256>}, {pipeline_mode = #tpu.pipeline_mode<synchronous>, transform_indices = @transform_4, window_bounds = array<i64: 256, 256>}, {pipeline_mode = #tpu.pipeline_mode<synchronous>, transform_indices = @transform_5, window_bounds = array<i64: 256, 1>}, {transform_indices = @transform_6, window_bounds = array<i64: 1280, 128>}, {transform_indices = @transform_7, window_bounds = array<i64: 1280, 128>}, {transform_indices = @transform_8, window_bounds = array<i64: 1280, 128>}]} {
    %get3A = arith.constant 0 : index
    %get3A_0 = arith.constant 0 : index
    %get3A_1 = vector.load %arg1[%get3A, %get3A_0] : memref<1280x128xf32, #tpu.memory_space<vmem>>, vector<1280x128xf32>
    %bitcast_convert_type3A = tpu.bitcast %get3A_1 : vector<1280x128xf32> -> vector<1280x128xi32>
    %shift_left3A = arith.constant 16 : i32
    %shift_left3A_2 = vector.broadcast %shift_left3A : i32 to vector<1280x128xi32>
    %shift_left3A_3 = arith.shli %bitcast_convert_type3A, %shift_left3A_2 : vector<1280x128xi32>
    %bitcast_convert_type3A_4 = tpu.bitcast %shift_left3A_3 : vector<1280x128xi32> -> vector<1280x128xf32>
    %and3A = arith.constant -65536 : i32
    %and3A_5 = vector.broadcast %and3A : i32 to vector<1280x128xi32>
    %and3A_6 = arith.andi %bitcast_convert_type3A, %and3A_5 : vector<1280x128xi32>
    %bitcast_convert_type3A_7 = tpu.bitcast %and3A_6 : vector<1280x128xi32> -> vector<1280x128xf32>
    %concatenate3A = tpu.concatenate %bitcast_convert_type3A_4, %bitcast_convert_type3A_7 in 1 : vector<1280x128xf32>, vector<1280x128xf32> -> vector<1280x256xf32>
    %get3A_8 = arith.constant 0 : index
    %get3A_9 = arith.constant 0 : index
    %get3A_10 = vector.load %arg2[%get3A_8, %get3A_9] : memref<1280x128xf32, #tpu.memory_space<vmem>>, vector<1280x128xf32>
    %bitcast_convert_type3A_11 = tpu.bitcast %get3A_10 : vector<1280x128xf32> -> vector<1280x128xi32>
    %shift_left3A_12 = arith.constant 16 : i32
    %shift_left3A_13 = vector.broadcast %shift_left3A_12 : i32 to vector<1280x128xi32>
    %shift_left3A_14 = arith.shli %bitcast_convert_type3A_11, %shift_left3A_13 : vector<1280x128xi32>
    %bitcast_convert_type3A_15 = tpu.bitcast %shift_left3A_14 : vector<1280x128xi32> -> vector<1280x128xf32>
    %and3A_16 = arith.constant -65536 : i32
    %and3A_17 = vector.broadcast %and3A_16 : i32 to vector<1280x128xi32>
    %and3A_18 = arith.andi %bitcast_convert_type3A_11, %and3A_17 : vector<1280x128xi32>
    %bitcast_convert_type3A_19 = tpu.bitcast %and3A_18 : vector<1280x128xi32> -> vector<1280x128xf32>
    %concatenate3A_20 = tpu.concatenate %bitcast_convert_type3A_15, %bitcast_convert_type3A_19 in 1 : vector<1280x128xf32>, vector<1280x128xf32> -> vector<1280x256xf32>
    %iota3A = tpu.iota {dimensions = array<i32: 0>} : vector<8x8xi32>
    %iota3A_21 = tpu.iota {dimensions = array<i32: 1>} : vector<8x8xi32>
    %eq3A = arith.cmpi eq, %iota3A, %iota3A_21 : vector<8x8xi32>
    %convert_element_type3A = arith.extui %eq3A : vector<8x8xi1> to vector<8x8xi32>
    %convert_element_type3A_22 = arith.sitofp %convert_element_type3A : vector<8x8xi32> to vector<8x8xf32>
    %get3A_23 = arith.constant 0 : index
    %get3A_24 = arith.constant 0 : index
    %get3A_25 = vector.load %arg3[%get3A_23, %get3A_24] : memref<8x1280xf32, #tpu.memory_space<vmem>>, vector<8x1280xf32>
    %dot_general3A = arith.constant dense<0.000000e+00> : vector<1280x8xf32>
    %dot_general3A_26 = tpu.matmul %get3A_25, %convert_element_type3A_22, %dot_general3A {dimension_numbers = #tpu.dot_dimension_numbers<[0], [0], [1], [1], [0, 1, 1, 1], [], []>, transpose_lhs_hint = false} : vector<8x1280xf32>, vector<8x8xf32>, vector<1280x8xf32> -> vector<1280x8xf32>
    %mul3A = arith.mulf %dot_general3A_26, %dot_general3A_26 : vector<1280x8xf32>
    %reduce_sum3A = arith.constant dense<0.000000e+00> : vector<1280xf32>
    %reduce_sum3A_27 = vector.multi_reduction <add>, %mul3A, %reduce_sum3A [1] : vector<1280x8xf32> to vector<1280xf32>
    %broadcast_in_dim3A = vector.shape_cast %reduce_sum3A_27 : vector<1280xf32> to vector<1280x1xf32>
    %add3A = arith.addf %concatenate3A, %concatenate3A_20 : vector<1280x256xf32>
    %get3A_28 = arith.constant 0 : index
    %get3A_29 = arith.constant 0 : index
    %get3A_30 = vector.load %arg4[%get3A_28, %get3A_29] : memref<1x256xf32, #tpu.memory_space<vmem>>, vector<1x256xf32>
    %dot_general3A_31 = arith.constant dense<0.000000e+00> : vector<1280x256xf32>
    %dot_general3A_32 = tpu.matmul %broadcast_in_dim3A, %get3A_30, %dot_general3A_31 {dimension_numbers = #tpu.dot_dimension_numbers<[1], [0], [0], [1], [0, 0, 1, 1], [], []>, transpose_lhs_hint = false} : vector<1280x1xf32>, vector<1x256xf32>, vector<1280x256xf32> -> vector<1280x256xf32>
    %add3A_33 = arith.addf %add3A, %dot_general3A_32 : vector<1280x256xf32>
    %logistic3A = arith.negf %add3A_33 : vector<1280x256xf32>
    %logistic3A_34 = math.exp %logistic3A : vector<1280x256xf32>
    %logistic3A_35 = arith.constant 1.000000e+00 : f32
    %logistic3A_36 = vector.broadcast %logistic3A_35 : f32 to vector<1280x256xf32>
    %logistic3A_37 = arith.addf %logistic3A_36, %logistic3A_34 : vector<1280x256xf32>
    %logistic3A_38 = arith.divf %logistic3A_36, %logistic3A_37 : vector<1280x256xf32>
    %mul3A_39 = arith.mulf %add3A_33, %logistic3A_38 : vector<1280x256xf32>
    %convert_element_type3A_40 = arith.truncf %mul3A_39 : vector<1280x256xf32> to vector<1280x256xbf16>
    %get3A_41 = arith.constant 0 : index
    %get3A_42 = arith.constant 0 : index
    %get3A_43 = vector.load %arg5[%get3A_41, %get3A_42] : memref<256x256xf32, #tpu.memory_space<vmem>>, vector<256x256xf32>
    %convert_element_type3A_44 = arith.truncf %get3A_43 : vector<256x256xf32> to vector<256x256xbf16>
    %dot_general3A_45 = arith.constant dense<0.000000e+00> : vector<1280x256xf32>
    %dot_general3A_46 = tpu.matmul %convert_element_type3A_40, %convert_element_type3A_44, %dot_general3A_45 {dimension_numbers = #tpu.dot_dimension_numbers<[1], [0], [0], [1], [0, 0, 1, 1], [], []>, transpose_lhs_hint = false} : vector<1280x256xbf16>, vector<256x256xbf16>, vector<1280x256xf32> -> vector<1280x256xf32>
    %logistic3A_47 = arith.negf %dot_general3A_46 : vector<1280x256xf32>
    %logistic3A_48 = math.exp %logistic3A_47 : vector<1280x256xf32>
    %logistic3A_49 = arith.constant 1.000000e+00 : f32
    %logistic3A_50 = vector.broadcast %logistic3A_49 : f32 to vector<1280x256xf32>
    %logistic3A_51 = arith.addf %logistic3A_50, %logistic3A_48 : vector<1280x256xf32>
    %logistic3A_52 = arith.divf %logistic3A_50, %logistic3A_51 : vector<1280x256xf32>
    %mul3A_53 = arith.mulf %dot_general3A_46, %logistic3A_52 : vector<1280x256xf32>
    %get3A_54 = arith.constant 0 : index
    %get3A_55 = arith.constant 0 : index
    %get3A_56 = vector.load %arg6[%get3A_54, %get3A_55] : memref<256x1xf32, #tpu.memory_space<vmem>>, vector<256x1xf32>
    %dot_general3A_57 = arith.constant dense<0.000000e+00> : vector<1280x1xf32>
    %dot_general3A_58 = tpu.matmul %mul3A_53, %get3A_56, %dot_general3A_57 {dimension_numbers = #tpu.dot_dimension_numbers<[1], [0], [0], [1], [0, 0, 1, 1], [], []>, transpose_lhs_hint = false} : vector<1280x256xf32>, vector<256x1xf32>, vector<1280x1xf32> -> vector<1280x1xf32>
    %slice3A = vector.extract_strided_slice %mul3A_53 {offsets = [0, 0], sizes = [1280, 128], strides = [1, 1]} : vector<1280x256xf32> to vector<1280x128xf32>
    %swap3A = arith.constant 0 : index
    %swap3A_59 = arith.constant 0 : index
    %swap3A_60 = vector.load %arg7[%swap3A, %swap3A_59] : memref<1280x128xf32, #tpu.memory_space<vmem>>, vector<1280x128xf32>
    tpu.vector_store %arg7[%swap3A, %swap3A_59], %slice3A {strides = array<i32>} : memref<1280x128xf32, #tpu.memory_space<vmem>>, vector<1280x128xf32>,
    %slice3A_61 = vector.extract_strided_slice %mul3A_53 {offsets = [0, 128], sizes = [1280, 128], strides = [1, 1]} : vector<1280x256xf32> to vector<1280x128xf32>
    %swap3A_62 = arith.constant 0 : index
    %swap3A_63 = arith.constant 0 : index
    %swap3A_64 = vector.load %arg8[%swap3A_62, %swap3A_63] : memref<1280x128xf32, #tpu.memory_space<vmem>>, vector<1280x128xf32>
    tpu.vector_store %arg8[%swap3A_62, %swap3A_63], %slice3A_61 {strides = array<i32>} : memref<1280x128xf32, #tpu.memory_space<vmem>>, vector<1280x128xf32>,
    %iota3A_65 = tpu.iota {dimensions = array<i32: 0>} : vector<8x128xi32>
    %iota3A_66 = tpu.iota {dimensions = array<i32: 1>} : vector<8x128xi32>
    %eq3A_67 = arith.cmpi eq, %iota3A_65, %iota3A_66 : vector<8x128xi32>
    %convert_element_type3A_68 = arith.extui %eq3A_67 : vector<8x128xi1> to vector<8x128xi32>
    %convert_element_type3A_69 = arith.sitofp %convert_element_type3A_68 : vector<8x128xi32> to vector<8x128xf32>
    %mul3A_70 = vector.broadcast %dot_general3A_58 : vector<1280x1xf32> to vector<1280x8xf32>
    %mul3A_71 = arith.mulf %dot_general3A_26, %mul3A_70 : vector<1280x8xf32>
    %dot_general3A_72 = arith.constant dense<0.000000e+00> : vector<1280x128xf32>
    %dot_general3A_73 = tpu.matmul %mul3A_71, %convert_element_type3A_69, %dot_general3A_72 {dimension_numbers = #tpu.dot_dimension_numbers<[1], [0], [0], [1], [0, 0, 1, 1], [], []>, transpose_lhs_hint = false} : vector<1280x8xf32>, vector<8x128xf32>, vector<1280x128xf32> -> vector<1280x128xf32>
    %swap3A_74 = arith.constant 0 : index
    %swap3A_75 = arith.constant 0 : index
    %swap3A_76 = vector.load %arg9[%swap3A_74, %swap3A_75] : memref<1280x128xf32, #tpu.memory_space<vmem>>, vector<1280x128xf32>
    tpu.vector_store %arg9[%swap3A_74, %swap3A_75], %dot_general3A_73 {strides = array<i32>} : memref<1280x128xf32, #tpu.memory_space<vmem>>, vector<1280x128xf32>,
    return
  }
  func.func @transform_0(%arg0: i32) -> (i32, i32) {
    %c0_i32 = arith.constant 0 : i32
    %c0_i32_0 = arith.constant 0 : i32
    return %arg0, %c0_i32 : i32, i32
  }
  func.func @transform_1(%arg0: i32) -> (i32, i32) {
    %c0_i32 = arith.constant 0 : i32
    %c0_i32_0 = arith.constant 0 : i32
    return %arg0, %c0_i32 : i32, i32
  }
  func.func @transform_2(%arg0: i32) -> (i32, i32) {
    %c0_i32 = arith.constant 0 : i32
    %c0_i32_0 = arith.constant 0 : i32
    return %c0_i32, %arg0 : i32, i32
  }
  func.func @transform_3(%arg0: i32) -> (i32, i32) {
    %c0_i32 = arith.constant 0 : i32
    %c0_i32_0 = arith.constant 0 : i32
    %c0_i32_1 = arith.constant 0 : i32
    return %c0_i32, %c0_i32_0 : i32, i32
  }
  func.func @transform_4(%arg0: i32) -> (i32, i32) {
    %c0_i32 = arith.constant 0 : i32
    %c0_i32_0 = arith.constant 0 : i32
    %c0_i32_1 = arith.constant 0 : i32
    return %c0_i32, %c0_i32_0 : i32, i32
  }
  func.func @transform_5(%arg0: i32) -> (i32, i32) {
    %c0_i32 = arith.constant 0 : i32
    %c0_i32_0 = arith.constant 0 : i32
    %c0_i32_1 = arith.constant 0 : i32
    return %c0_i32, %c0_i32_0 : i32, i32
  }
  func.func @transform_6(%arg0: i32) -> (i32, i32) {
    %c0_i32 = arith.constant 0 : i32
    %c0_i32_0 = arith.constant 0 : i32
    return %arg0, %c0_i32 : i32, i32
  }
  func.func @transform_7(%arg0: i32) -> (i32, i32) {
    %c0_i32 = arith.constant 0 : i32
    %c0_i32_0 = arith.constant 0 : i32
    return %arg0, %c0_i32 : i32, i32
  }
  func.func @transform_8(%arg0: i32) -> (i32, i32) {
    %c0_i32 = arith.constant 0 : i32
    %c0_i32_0 = arith.constant 0 : i32
    return %arg0, %c0_i32 : i32, i32
  }
}

module attributes {stable_mosaic.version = 14 : i64} {
  func.func @_t3a_body(%arg0: memref<10000x1xi32, #tpu.memory_space<vmem>>, %arg1: memref<10000x128xf32, #tpu.memory_space<vmem>>, %arg2: memref<10000x128xf32, #tpu.memory_space<vmem>>, %arg3: memref<256x8xf32, #tpu.memory_space<vmem>>, %arg4: memref<256x16xf32, #tpu.memory_space<vmem>>) attributes {dimension_semantics = [], scalar_prefetch = 0 : i64, scratch_operands = 0 : i64, tpu.core_type = #tpu.core_type<tc>} {
    %get3A = arith.constant 0 : index
    %get3A_0 = arith.constant 0 : index
    %get3A_1 = vector.load %arg0[%get3A, %get3A_0] : memref<10000x1xi32, #tpu.memory_space<vmem>>, vector<10000x1xi32>
    %iota3A = tpu.iota {dimensions = array<i32: 1>} : vector<10000x256xi32>
    %eq3A = vector.broadcast %get3A_1 : vector<10000x1xi32> to vector<10000x256xi32>
    %eq3A_2 = arith.cmpi eq, %eq3A, %iota3A : vector<10000x256xi32>
    %convert_element_type3A = arith.extui %eq3A_2 : vector<10000x256xi1> to vector<10000x256xi32>
    %convert_element_type3A_3 = arith.sitofp %convert_element_type3A : vector<10000x256xi32> to vector<10000x256xf32>
    %get3A_4 = arith.constant 0 : index
    %get3A_5 = arith.constant 0 : index
    %get3A_6 = vector.load %arg1[%get3A_4, %get3A_5] : memref<10000x128xf32, #tpu.memory_space<vmem>>, vector<10000x16xf32>
    %get3A_7 = arith.constant 0 : index
    %get3A_8 = arith.constant 0 : index
    %get3A_9 = vector.load %arg2[%get3A_7, %get3A_8] : memref<10000x128xf32, #tpu.memory_space<vmem>>, vector<10000x16xf32>
    %add3A = arith.addf %get3A_6, %get3A_9 : vector<10000x16xf32>
    %dot_general3A = arith.constant dense<0.000000e+00> : vector<256x16xf32>
    %dot_general3A_10 = tpu.matmul %convert_element_type3A_3, %add3A, %dot_general3A {dimension_numbers = #tpu.dot_dimension_numbers<[0], [0], [1], [1], [0, 1, 1, 1], [], []>, transpose_lhs_hint = false} : vector<10000x256xf32>, vector<10000x16xf32>, vector<256x16xf32> -> vector<256x16xf32>
    %get3A_11 = arith.constant 0 : index
    %get3A_12 = arith.constant 0 : index
    %get3A_13 = vector.load %arg3[%get3A_11, %get3A_12] : memref<256x8xf32, #tpu.memory_space<vmem>>, vector<256x1xf32>
    %div3A = vector.broadcast %get3A_13 : vector<256x1xf32> to vector<256x16xf32>
    %div3A_14 = arith.divf %dot_general3A_10, %div3A : vector<256x16xf32>
    %swap3A = arith.constant 0 : index
    %swap3A_15 = arith.constant 0 : index
    %swap3A_16 = vector.load %arg4[%swap3A, %swap3A_15] : memref<256x16xf32, #tpu.memory_space<vmem>>, vector<256x16xf32>
    tpu.vector_store %arg4[%swap3A, %swap3A_15], %div3A_14 {strides = array<i32>} : memref<256x16xf32, #tpu.memory_space<vmem>>, vector<256x16xf32>,
    return
  }
}

module attributes {stable_mosaic.version = 14 : i64} {
  func.func @_t3b_body(%arg0: i32, %arg1: memref<2000x1xi32, #tpu.memory_space<vmem>>, %arg2: memref<2000x256xf32, #tpu.memory_space<vmem>>, %arg3: memref<2000x128xf32, #tpu.memory_space<vmem>>, %arg4: memref<2000x128xf32, #tpu.memory_space<vmem>>, %arg5: memref<2000x128xf32, #tpu.memory_space<vmem>>, %arg6: memref<2000x128xf32, #tpu.memory_space<vmem>>, %arg7: memref<2000x16xf32, #tpu.memory_space<vmem>>, %arg8: memref<256x16xf32, #tpu.memory_space<vmem>>, %arg9: memref<256x8xf32, #tpu.memory_space<vmem>>, %arg10: memref<256x256xf32, #tpu.memory_space<vmem>>, %arg11: memref<128x256xf32, #tpu.memory_space<vmem>>, %arg12: memref<128x256xf32, #tpu.memory_space<vmem>>, %arg13: memref<256x16xf32, #tpu.memory_space<vmem>>, %arg14: memref<256x1xf32, #tpu.memory_space<vmem>>) attributes {dimension_semantics = [#tpu.dimension_semantics<arbitrary>], iteration_bounds = array<i64: 5>, scalar_prefetch = 0 : i64, scratch_operands = 0 : i64, tpu.core_type = #tpu.core_type<tc>, window_params = [{transform_indices = @transform_0, window_bounds = array<i64: 2000, 1>}, {transform_indices = @transform_1, window_bounds = array<i64: 2000, 256>}, {transform_indices = @transform_2, window_bounds = array<i64: 2000, 128>}, {transform_indices = @transform_3, window_bounds = array<i64: 2000, 128>}, {transform_indices = @transform_4, window_bounds = array<i64: 2000, 128>}, {transform_indices = @transform_5, window_bounds = array<i64: 2000, 128>}, {transform_indices = @transform_6, window_bounds = array<i64: 2000, 16>}, {pipeline_mode = #tpu.pipeline_mode<synchronous>, transform_indices = @transform_7, window_bounds = array<i64: 256, 16>}, {pipeline_mode = #tpu.pipeline_mode<synchronous>, transform_indices = @transform_8, window_bounds = array<i64: 256, 8>}, {pipeline_mode = #tpu.pipeline_mode<synchronous>, transform_indices = @transform_9, window_bounds = array<i64: 256, 256>}, {pipeline_mode = #tpu.pipeline_mode<synchronous>, transform_indices = @transform_10, window_bounds = array<i64: 128, 256>}, {pipeline_mode = #tpu.pipeline_mode<synchronous>, transform_indices = @transform_11, window_bounds = array<i64: 128, 256>}, {pipeline_mode = #tpu.pipeline_mode<synchronous>, transform_indices = @transform_12, window_bounds = array<i64: 256, 16>}, {pipeline_mode = #tpu.pipeline_mode<synchronous>, transform_indices = @transform_13, window_bounds = array<i64: 256, 1>}]} {
    %get3A = arith.constant 0 : index
    %get3A_0 = arith.constant 0 : index
    %get3A_1 = vector.load %arg1[%get3A, %get3A_0] : memref<2000x1xi32, #tpu.memory_space<vmem>>, vector<2000x1xi32>
    %iota3A = tpu.iota {dimensions = array<i32: 1>} : vector<2000x256xi32>
    %eq3A = vector.broadcast %get3A_1 : vector<2000x1xi32> to vector<2000x256xi32>
    %eq3A_2 = arith.cmpi eq, %eq3A, %iota3A : vector<2000x256xi32>
    %convert_element_type3A = arith.extui %eq3A_2 : vector<2000x256xi1> to vector<2000x256xi32>
    %convert_element_type3A_3 = arith.sitofp %convert_element_type3A : vector<2000x256xi32> to vector<2000x256xf32>
    %get3A_4 = arith.constant 0 : index
    %get3A_5 = arith.constant 0 : index
    %get3A_6 = vector.load %arg2[%get3A_4, %get3A_5] : memref<2000x256xf32, #tpu.memory_space<vmem>>, vector<2000x256xf32>
    %convert_element_type3A_7 = arith.truncf %get3A_6 : vector<2000x256xf32> to vector<2000x256xbf16>
    %get3A_8 = arith.constant 0 : index
    %get3A_9 = arith.constant 0 : index
    %get3A_10 = vector.load %arg10[%get3A_8, %get3A_9] : memref<256x256xf32, #tpu.memory_space<vmem>>, vector<256x256xf32>
    %convert_element_type3A_11 = arith.truncf %get3A_10 : vector<256x256xf32> to vector<256x256xbf16>
    %dot_general3A = arith.constant dense<0.000000e+00> : vector<2000x256xf32>
    %dot_general3A_12 = tpu.matmul %convert_element_type3A_7, %convert_element_type3A_11, %dot_general3A {dimension_numbers = #tpu.dot_dimension_numbers<[1], [0], [0], [1], [0, 0, 1, 1], [], []>, transpose_lhs_hint = false} : vector<2000x256xbf16>, vector<256x256xbf16>, vector<2000x256xf32> -> vector<2000x256xf32>
    %get3A_13 = arith.constant 0 : index
    %get3A_14 = arith.constant 0 : index
    %get3A_15 = vector.load %arg3[%get3A_13, %get3A_14] : memref<2000x128xf32, #tpu.memory_space<vmem>>, vector<2000x128xf32>
    %convert_element_type3A_16 = arith.truncf %get3A_15 : vector<2000x128xf32> to vector<2000x128xbf16>
    %get3A_17 = arith.constant 0 : index
    %get3A_18 = arith.constant 0 : index
    %get3A_19 = vector.load %arg11[%get3A_17, %get3A_18] : memref<128x256xf32, #tpu.memory_space<vmem>>, vector<128x256xf32>
    %convert_element_type3A_20 = arith.truncf %get3A_19 : vector<128x256xf32> to vector<128x256xbf16>
    %dot_general3A_21 = arith.constant dense<0.000000e+00> : vector<2000x256xf32>
    %dot_general3A_22 = tpu.matmul %convert_element_type3A_16, %convert_element_type3A_20, %dot_general3A_21 {dimension_numbers = #tpu.dot_dimension_numbers<[1], [0], [0], [1], [0, 0, 1, 1], [], []>, transpose_lhs_hint = false} : vector<2000x128xbf16>, vector<128x256xbf16>, vector<2000x256xf32> -> vector<2000x256xf32>
    %add3A = arith.addf %dot_general3A_12, %dot_general3A_22 : vector<2000x256xf32>
    %get3A_23 = arith.constant 0 : index
    %get3A_24 = arith.constant 0 : index
    %get3A_25 = vector.load %arg4[%get3A_23, %get3A_24] : memref<2000x128xf32, #tpu.memory_space<vmem>>, vector<2000x128xf32>
    %convert_element_type3A_26 = arith.truncf %get3A_25 : vector<2000x128xf32> to vector<2000x128xbf16>
    %get3A_27 = arith.constant 0 : index
    %get3A_28 = arith.constant 0 : index
    %get3A_29 = vector.load %arg12[%get3A_27, %get3A_28] : memref<128x256xf32, #tpu.memory_space<vmem>>, vector<128x256xf32>
    %convert_element_type3A_30 = arith.truncf %get3A_29 : vector<128x256xf32> to vector<128x256xbf16>
    %dot_general3A_31 = arith.constant dense<0.000000e+00> : vector<2000x256xf32>
    %dot_general3A_32 = tpu.matmul %convert_element_type3A_26, %convert_element_type3A_30, %dot_general3A_31 {dimension_numbers = #tpu.dot_dimension_numbers<[1], [0], [0], [1], [0, 0, 1, 1], [], []>, transpose_lhs_hint = false} : vector<2000x128xbf16>, vector<128x256xbf16>, vector<2000x256xf32> -> vector<2000x256xf32>
    %add3A_33 = arith.addf %add3A, %dot_general3A_32 : vector<2000x256xf32>
    %logistic3A = arith.negf %add3A_33 : vector<2000x256xf32>
    %logistic3A_34 = math.exp %logistic3A : vector<2000x256xf32>
    %logistic3A_35 = arith.constant 1.000000e+00 : f32
    %logistic3A_36 = vector.broadcast %logistic3A_35 : f32 to vector<2000x256xf32>
    %logistic3A_37 = arith.addf %logistic3A_36, %logistic3A_34 : vector<2000x256xf32>
    %logistic3A_38 = arith.divf %logistic3A_36, %logistic3A_37 : vector<2000x256xf32>
    %mul3A = arith.mulf %add3A_33, %logistic3A_38 : vector<2000x256xf32>
    %get3A_39 = arith.constant 0 : index
    %get3A_40 = arith.constant 0 : index
    %get3A_41 = vector.load %arg5[%get3A_39, %get3A_40] : memref<2000x128xf32, #tpu.memory_space<vmem>>, vector<2000x16xf32>
    %get3A_42 = arith.constant 0 : index
    %get3A_43 = arith.constant 0 : index
    %get3A_44 = vector.load %arg6[%get3A_42, %get3A_43] : memref<2000x128xf32, #tpu.memory_space<vmem>>, vector<2000x16xf32>
    %add3A_45 = arith.addf %get3A_41, %get3A_44 : vector<2000x16xf32>
    %get3A_46 = arith.constant 0 : index
    %get3A_47 = arith.constant 0 : index
    %get3A_48 = vector.load %arg8[%get3A_46, %get3A_47] : memref<256x16xf32, #tpu.memory_space<vmem>>, vector<256x16xf32>
    %dot_general3A_49 = arith.constant dense<0.000000e+00> : vector<2000x16xf32>
    %dot_general3A_50 = tpu.matmul %convert_element_type3A_3, %get3A_48, %dot_general3A_49 {dimension_numbers = #tpu.dot_dimension_numbers<[1], [0], [0], [1], [0, 0, 1, 1], [], []>, transpose_lhs_hint = false} : vector<2000x256xf32>, vector<256x16xf32>, vector<2000x16xf32> -> vector<2000x16xf32>
    %sub3A = arith.subf %add3A_45, %dot_general3A_50 : vector<2000x16xf32>
    %get3A_51 = arith.constant 0 : index
    %get3A_52 = arith.constant 0 : index
    %get3A_53 = vector.load %arg13[%get3A_51, %get3A_52] : memref<256x16xf32, #tpu.memory_space<vmem>>, vector<256x16xf32>
    %dot_general3A_54 = arith.constant dense<0.000000e+00> : vector<2000x16xf32>
    %dot_general3A_55 = tpu.matmul %mul3A, %get3A_53, %dot_general3A_54 {dimension_numbers = #tpu.dot_dimension_numbers<[1], [0], [0], [1], [0, 0, 1, 1], [], []>, transpose_lhs_hint = false} : vector<2000x256xf32>, vector<256x16xf32>, vector<2000x16xf32> -> vector<2000x16xf32>
    %add3A_56 = arith.addf %sub3A, %dot_general3A_55 : vector<2000x16xf32>
    %get3A_57 = arith.constant 0 : index
    %get3A_58 = arith.constant 0 : index
    %get3A_59 = vector.load %arg7[%get3A_57, %get3A_58] : memref<2000x16xf32, #tpu.memory_space<vmem>>, vector<2000x16xf32>
    %sub3A_60 = arith.subf %get3A_59, %add3A_56 : vector<2000x16xf32>
    %mul3A_61 = arith.mulf %sub3A_60, %sub3A_60 : vector<2000x16xf32>
    %reduce_sum3A = arith.constant dense<0.000000e+00> : vector<2000xf32>
    %reduce_sum3A_62 = vector.multi_reduction <add>, %mul3A_61, %reduce_sum3A [1] : vector<2000x16xf32> to vector<2000xf32>
    %broadcast_in_dim3A = vector.shape_cast %reduce_sum3A_62 : vector<2000xf32> to vector<2000x1xf32>
    %dot_general3A_63 = arith.constant dense<0.000000e+00> : vector<256x1xf32>
    %dot_general3A_64 = tpu.matmul %convert_element_type3A_3, %broadcast_in_dim3A, %dot_general3A_63 {dimension_numbers = #tpu.dot_dimension_numbers<[0], [0], [1], [1], [0, 1, 1, 1], [], []>, transpose_lhs_hint = false} : vector<2000x256xf32>, vector<2000x1xf32>, vector<256x1xf32> -> vector<256x1xf32>
    %eq3A_65 = arith.constant 0 : i32
    %eq3A_66 = arith.cmpi eq, %arg0, %eq3A_65 : i32
    %convert_element_type3A_67 = arith.extui %eq3A_66 : i1 to i32
    %cond3A = arith.constant 0 : i32
    %cond3A_68 = arith.cmpi ne, %convert_element_type3A_67, %cond3A : i32
    scf.if %cond3A_68 {
      %swap3A = arith.constant 0 : index
      %swap3A_78 = arith.constant 0 : index
      %swap3A_79 = vector.load %arg14[%swap3A, %swap3A_78] : memref<256x1xf32, #tpu.memory_space<vmem>>, vector<256x1xf32>
      tpu.vector_store %arg14[%swap3A, %swap3A_78], %dot_general3A_64 {strides = array<i32>} : memref<256x1xf32, #tpu.memory_space<vmem>>, vector<256x1xf32>,
    } else {
    }
    %gt3A = arith.constant 0 : i32
    %gt3A_69 = arith.cmpi sgt, %arg0, %gt3A : i32
    %convert_element_type3A_70 = arith.extui %gt3A_69 : i1 to i32
    %cond3A_71 = arith.constant 0 : i32
    %cond3A_72 = arith.cmpi ne, %convert_element_type3A_70, %cond3A_71 : i32
    scf.if %cond3A_72 {
      %get3A_78 = arith.constant 0 : index
      %get3A_79 = arith.constant 0 : index
      %get3A_80 = vector.load %arg14[%get3A_78, %get3A_79] : memref<256x1xf32, #tpu.memory_space<vmem>>, vector<256x1xf32>
      %add3A_81 = arith.addf %get3A_80, %dot_general3A_64 : vector<256x1xf32>
      %swap3A = arith.constant 0 : index
      %swap3A_82 = arith.constant 0 : index
      %swap3A_83 = vector.load %arg14[%swap3A, %swap3A_82] : memref<256x1xf32, #tpu.memory_space<vmem>>, vector<256x1xf32>
      tpu.vector_store %arg14[%swap3A, %swap3A_82], %add3A_81 {strides = array<i32>} : memref<256x1xf32, #tpu.memory_space<vmem>>, vector<256x1xf32>,
    } else {
    }
    %eq3A_73 = arith.constant 4 : i32
    %eq3A_74 = arith.cmpi eq, %arg0, %eq3A_73 : i32
    %convert_element_type3A_75 = arith.extui %eq3A_74 : i1 to i32
    %cond3A_76 = arith.constant 0 : i32
    %cond3A_77 = arith.cmpi ne, %convert_element_type3A_75, %cond3A_76 : i32
    scf.if %cond3A_77 {
      %get3A_78 = arith.constant 0 : index
      %get3A_79 = arith.constant 0 : index
      %get3A_80 = vector.load %arg14[%get3A_78, %get3A_79] : memref<256x1xf32, #tpu.memory_space<vmem>>, vector<256x1xf32>
      %get3A_81 = arith.constant 0 : index
      %get3A_82 = arith.constant 3 : index
      %get3A_83 = vector.load %arg9[%get3A_81, %get3A_82] : memref<256x8xf32, #tpu.memory_space<vmem>>, vector<256x1xf32>
      %mul3A_84 = arith.mulf %get3A_80, %get3A_83 : vector<256x1xf32>
      %swap3A = arith.constant 0 : index
      %swap3A_85 = arith.constant 0 : index
      %swap3A_86 = vector.load %arg14[%swap3A, %swap3A_85] : memref<256x1xf32, #tpu.memory_space<vmem>>, vector<256x1xf32>
      tpu.vector_store %arg14[%swap3A, %swap3A_85], %mul3A_84 {strides = array<i32>} : memref<256x1xf32, #tpu.memory_space<vmem>>, vector<256x1xf32>,
    } else {
    }
    return
  }
  func.func @transform_0(%arg0: i32) -> (i32, i32) {
    %c0_i32 = arith.constant 0 : i32
    %c0_i32_0 = arith.constant 0 : i32
    return %arg0, %c0_i32 : i32, i32
  }
  func.func @transform_1(%arg0: i32) -> (i32, i32) {
    %c0_i32 = arith.constant 0 : i32
    %c0_i32_0 = arith.constant 0 : i32
    return %arg0, %c0_i32 : i32, i32
  }
  func.func @transform_2(%arg0: i32) -> (i32, i32) {
    %c0_i32 = arith.constant 0 : i32
    %c0_i32_0 = arith.constant 0 : i32
    return %arg0, %c0_i32 : i32, i32
  }
  func.func @transform_3(%arg0: i32) -> (i32, i32) {
    %c0_i32 = arith.constant 0 : i32
    %c0_i32_0 = arith.constant 0 : i32
    return %arg0, %c0_i32 : i32, i32
  }
  func.func @transform_4(%arg0: i32) -> (i32, i32) {
    %c0_i32 = arith.constant 0 : i32
    %c0_i32_0 = arith.constant 0 : i32
    return %arg0, %c0_i32 : i32, i32
  }
  func.func @transform_5(%arg0: i32) -> (i32, i32) {
    %c0_i32 = arith.constant 0 : i32
    %c0_i32_0 = arith.constant 0 : i32
    return %arg0, %c0_i32 : i32, i32
  }
  func.func @transform_6(%arg0: i32) -> (i32, i32) {
    %c0_i32 = arith.constant 0 : i32
    %c0_i32_0 = arith.constant 0 : i32
    return %arg0, %c0_i32 : i32, i32
  }
  func.func @transform_7(%arg0: i32) -> (i32, i32) {
    %c0_i32 = arith.constant 0 : i32
    %c0_i32_0 = arith.constant 0 : i32
    %c0_i32_1 = arith.constant 0 : i32
    return %c0_i32, %c0_i32_0 : i32, i32
  }
  func.func @transform_8(%arg0: i32) -> (i32, i32) {
    %c0_i32 = arith.constant 0 : i32
    %c0_i32_0 = arith.constant 0 : i32
    %c0_i32_1 = arith.constant 0 : i32
    return %c0_i32, %c0_i32_0 : i32, i32
  }
  func.func @transform_9(%arg0: i32) -> (i32, i32) {
    %c0_i32 = arith.constant 0 : i32
    %c0_i32_0 = arith.constant 0 : i32
    %c0_i32_1 = arith.constant 0 : i32
    return %c0_i32, %c0_i32_0 : i32, i32
  }
  func.func @transform_10(%arg0: i32) -> (i32, i32) {
    %c0_i32 = arith.constant 0 : i32
    %c0_i32_0 = arith.constant 0 : i32
    %c0_i32_1 = arith.constant 0 : i32
    return %c0_i32, %c0_i32_0 : i32, i32
  }
  func.func @transform_11(%arg0: i32) -> (i32, i32) {
    %c0_i32 = arith.constant 0 : i32
    %c0_i32_0 = arith.constant 0 : i32
    %c0_i32_1 = arith.constant 0 : i32
    return %c0_i32, %c0_i32_0 : i32, i32
  }
  func.func @transform_12(%arg0: i32) -> (i32, i32) {
    %c0_i32 = arith.constant 0 : i32
    %c0_i32_0 = arith.constant 0 : i32
    %c0_i32_1 = arith.constant 0 : i32
    return %c0_i32, %c0_i32_0 : i32, i32
  }
  func.func @transform_13(%arg0: i32) -> (i32, i32) {
    %c0_i32 = arith.constant 0 : i32
    %c0_i32_0 = arith.constant 0 : i32
    %c0_i32_1 = arith.constant 0 : i32
    return %c0_i32, %c0_i32_0 : i32, i32
  }
}

</mosaic_0001>

<sc_bundles>
// kernel: kernel.12.cloned.1.call-start
scs
__scs_entry_jumppad:
0x0: {  	(pc) =	sbr.rel $0x88, $3  }
0x1: {  	(tag) =	ssettag $0x0;
	lr =	simm.s32 $0x1  }
0x2: {  	[smem:$0x3F93] =	sst lr;
	_ =	strace $0xD0000000  }
0x3: {  	_ = 	snop  }
0x4: {  	_ = 	snop  }
0x5: {  	_ = 	snop  }
0x6: {  	_ = 	snop  }
0x7: {  	_ = 	snop  }
__scs_overlays_trampoline_lowered:
0x8: {  	[smem:$0x3FA2] =	sst s0  }
0x9: {  	[smem:$0x3FA3] =	sst s1  }
0xa: {  	[smem:$0x3FA4] =	sst s2  }
0xb: {  	[smem:$0x3FA5] =	sst s3  }
0xc: {  	[smem:$0x3FA6] =	sst s4  }
0xd: {  	[smem:$0x3FA7] =	sst s5  }
0xe: {  	[smem:$0x3FA8] =	sst s6  }
0xf: {  	[smem:$0x3FA9] =	sst s7  }
0x10: {  	[smem:$0x3FAA] =	sst s8  }
0x11: {  	[smem:$0x3FAB] =	sst s9;
	s0 =	simm.s32 @!p0 $0x0  }
0x12: {  	s1 =	sld [smem:$0x3F91];
	s0 =	simm.s32 @p0 $0x1  }
0x13: {  	[smem:$0x3FAC] =	sst s0;
	s0 =	simm.s32 @!p1 $0x0  }
0x14: {  	s2 =	sld [smem:$0x3F90];
	s0 =	simm.s32 @p1 $0x1  }
0x15: {  	[smem:$0x3FAD] =	sst s0;
	s0 =	simm.s32 @!p2 $0x0  }
0x16: {  	s3 =	sld [smem:$0x3FDB];
	s0 =	simm.s32 @p2 $0x1  }
0x17: {  	s4 =	simm.s32 $0x1BF5;
	[smem:$0x3FAF] =	sst s0  }
0x18: {  	s0 =	sld [smem:$0x3F92];
	_ =	swait.ge [sflag:s4], $0x0  }
0x19: {  	s7 =	sld [smem:$0x3F93]  }
0x1a: {  	s8 =	sadd.s32 $0xFFFFE003, lr  }
0x1b: {  	s9 =	sadd.s32 $0xFFFFFEF7, lr;
	s5 =	simm.s32 $0xFFFFFFFF;
	p2 =	slt.u32 s8, $0xFFFFF086  }
0x1c: {  	p1 =	slt.u32 s9, $0xF7A;
	s5 =	simm.s32 @!p2 $0x0  }
0x1d: {  	s5 =	simm.s32 @p1 $0x1;
	p0 =	seq.s32 s7, s2  }
0x1e: {  	s7 =	smul.u32 @!p0 $0xF7A, s2;
	p2 =	seq.s32 @!p0 s5, $0x0  }
0x1f: {  	s9 =	smul.u32 $0xF7A, s1;
	s8 =	simm.s32 @!p0 $0x1BF5;
	p2 =	por !p2, p0  }
0x20: {  	[sflag:s8] =	ssyncset.s32 @!p0 $0xFFFFF086;
	s6 =	sadd.s32 @!p0 s3, s7;
	s7 =	simm.s32 @!p0 $0x108  }
0x21: {  	s3 =	sadd.s32 s3, s9;
	s6 =	sadd.s32 @!p0 $0x88, s6;
	s7 =	simm.s32 @p2 $0x1082  }
0x22: {  	[simem:s7], [sflag:s8] =	dma.local @!p0 [hbm:s6], $0xF7A  }
0x23: {  	s9 =	sor.u32 $0xD0000000, s2;
	s6 =	simm.s32 $0x108;
	_ =	swait.ge @!p0 [sflag:s8], $0x0  }
0x24: {  	s3 =	sadd.s32 $0x88, s3;
	s6 =	simm.s32 @!p1 $0x1082;
	[sflag:s4] =	ssyncset.s32 $0xFFFFF086  }
0x25: {  	[simem:s6], [sflag:s4] =	dma.local [hbm:s3], $0xF7A  }
0x26: {  	[smem:$0x3F93] =	sst s1;
	(tag) =	ssettag s2;
	_ =	strace s9  }
0x27: {  	s1 =	sld [smem:$0x3FA3]  }
0x28: {  	s2 =	sld [smem:$0x3FA4]  }
0x29: {  	s4 =	sld [smem:$0x3FA6]  }
0x2a: {  	p0 =	seq.s32 s5, $0x0;
	s5 =	sld [smem:$0x3FA7]  }
0x2b: {  	s6 =	sld [smem:$0x3FA8]  }
0x2c: {  	s7 =	sld [smem:$0x3FA9]  }
0x2d: {  	s3 =	simm.s32 $0x108;
	s8 =	sld [smem:$0x3FAA]  }
0x2e: {  	s3 =	simm.s32 @!p0 $0x1082;
	s9 =	sld [smem:$0x3FAB]  }
0x2f: {  	lr =	sadd.s32 s0, s3;
	s0 =	sld [smem:$0x3FA2]  }
0x30: {  	s3 =	sld [smem:$0x3FA5]  }
0x31: {  	[smem:$0x3FAE] =	sst s10  }
0x32: {  	s10 =	sld [smem:$0x3FAC];
	_ =	sdelay $0x3  }
0x33: {  	p0 =	seq.s32 s10, $0x1;
	s10 =	sld [smem:$0x3FAE];
	_ =	sdelay $0x3  }
0x34: {  	[smem:$0x3FAE] =	sst s10  }
0x35: {  	s10 =	sld [smem:$0x3FAD];
	_ =	sdelay $0x3  }
0x36: {  	p1 =	seq.s32 s10, $0x1;
	s10 =	sld [smem:$0x3FAE];
	_ =	sdelay $0x3  }
0x37: {  	[smem:$0x3FAE] =	sst s10  }
0x38: {  	s10 =	sld [smem:$0x3FAF]  }
0x39: {  	_ = 	snop;
	(pc) =	sbr.ind lr, $3  }
0x3a: {  	_ = 	snop  }
0x3b: {  	_ = 	snop  }
0x3c: {  	p2 =	seq.s32 s10, $0x1;
	s10 =	sld [smem:$0x3FAE]  }
0x3d: {  	_ =	shalt  }
0x3e: {  	_ =	shalt  }
0x3f: {  	_ =	shalt  }
0x40: {  	_ =	shalt  }
0x41: {  	_ =	shalt  }
0x42: {  	_ =	shalt  }
0x43: {  	_ =	shalt  }
0x44: {  	_ =	shalt  }
0x45: {  	_ =	shalt  }
0x46: {  	_ =	shalt  }
0x47: {  	_ =	shalt  }
0x48: {  	_ =	shalt  }
0x49: {  	_ =	shalt  }
0x4a: {  	_ =	shalt  }
0x4b: {  	_ =	shalt  }
0x4c: {  	_ =	shalt  }
0x4d: {  	_ =	shalt  }
0x4e: {  	_ =	shalt  }
0x4f: {  	_ =	shalt  }
0x50: {  	_ =	shalt  }
0x51: {  	_ =	shalt  }
0x52: {  	_ =	shalt  }
0x53: {  	_ =	shalt  }
0x54: {  	_ =	shalt  }
0x55: {  	_ =	shalt  }
0x56: {  	_ =	shalt  }
0x57: {  	_ =	shalt  }
0x58: {  	_ =	shalt  }
0x59: {  	_ =	shalt  }
0x5a: {  	_ =	shalt  }
0x5b: {  	_ =	shalt  }
0x5c: {  	_ =	shalt  }
0x5d: {  	_ =	shalt  }
0x5e: {  	_ =	shalt  }
0x5f: {  	_ =	shalt  }
0x60: {  	_ =	shalt  }
0x61: {  	_ =	shalt  }
0x62: {  	_ =	shalt  }
0x63: {  	_ =	shalt  }
0x64: {  	_ =	shalt  }
0x65: {  	_ =	shalt  }
0x66: {  	_ =	shalt  }
0x67: {  	_ =	shalt  }
0x68: {  	_ =	shalt  }
0x69: {  	_ =	shalt  }
0x6a: {  	_ =	shalt  }
0x6b: {  	_ =	shalt  }
0x6c: {  	_ =	shalt  }
0x6d: {  	_ =	shalt  }
0x6e: {  	_ =	shalt  }
0x6f: {  	_ =	shalt  }
0x70: {  	_ =	shalt  }
0x71: {  	_ =	shalt  }
0x72: {  	_ =	shalt  }
0x73: {  	_ =	shalt  }
0x74: {  	_ =	shalt  }
0x75: {  	_ =	shalt  }
0x76: {  	_ =	shalt  }
0x77: {  	_ =	shalt  }
0x78: {  	_ =	shalt  }
0x79: {  	_ =	shalt  }
0x7a: {  	_ =	shalt  }
0x7b: {  	_ =	shalt  }
0x7c: {  	_ =	shalt  }
0x7d: {  	_ =	shalt  }
0x7e: {  	_ =	shalt  }
0x7f: {  	_ =	shalt  }
0x80: {  	_ =	shalt  }
0x81: {  	_ =	shalt  }
0x82: {  	_ =	shalt  }
0x83: {  	_ =	shalt  }
0x84: {  	_ =	shalt  }
0x85: {  	_ =	shalt  }
0x86: {  	_ =	shalt  }
0x87: {  	_ =	shalt  }
.Lfunc_end0:
.L_simem_size_0:
called_computation.1_lowered:
.L_overlay_start_0:
0x88: {  	s2 =	sld [smem:$0x3FD9]  }
0x89: {  	s3 =	sld [smem:$0x3FFE];
	_ =	sdelay $0x1  }
0x8a: {  	s1 =	srdreg.scid  }
0x8b: {  	s0 =	sand.u32 $0x1, s1  }
0x8c: {  	s16 =	sshll.u32 s0, $0xA;
	s2 =	sadd.s32 s3, s2  }
0x8d: {  	s2 =	sadd.s32 s2, s16  }
0x8e: {  	[smem:$0x3FBA] =	sst s2  }
0x8f: {  	_ = 	snop  }
0x90: {  	(tm) =	ssettm $0x1  }
0x91: {  	s17 =	sld [smem:$0x3FFB];
	_ =	sdelay $0x3  }
0x92: {  	_ =	strace s17  }
0x93: {  	s2 =	sld [smem:$0x3FFC];
	_ =	sdelay $0x3  }
0x94: {  	_ =	strace s2  }
0x95: {  	s2 =	sld [smem:$0x3FFD];
	_ =	sdelay $0x3  }
0x96: {  	_ =	strace s2  }
0x97: {  	_ =	strace $0x8FFFFFFF  }
0x98: {  	s18 =	sld [smem:$0x3FDB];
	_ =	sdelay $0x1  }
0x99: {  	s19 =	simm.s32 $_scs_section_size  }
0x9a: {  	s4 =	simm.s32 $_size__tile_overlayer_lowered;
	s5 =	simm.s32 $_tile_overlayer_lowered  }
0x9b: {  	s22 =	simm.s32 $0x1BFF;
	s21 =	sshll.u32 s5, $0x1;
	s2 =	sadd.s32 s19, s18  }
0x9c: {  	s6 =	simm.s32 $0x0;
	s20 =	sshll.u32 s4, $0x1;
	s4 =	sadd.s32 s21, s2  }
0x9d: {  	[timem:s6], [sflag:s22] =	dma.local [hbm:s4], s20  }
0x9e: {  	_ =	swait.ge [sflag:s22], s20  }
0x9f: {  	s3 =	ssub.s32 $0x0, s20;
	[sflag:s22] =	ssyncset.done $0x0  }
0xa0: {  	[sflag:s22] =	ssyncadd.s32 s3;
	_ =	sdelay $0x1  }
0xa1: {  	s23 =	simm.s32 $0x1B8B  }
0xa2: {  	_ =	swait.ge [sflag:s23], $0x1  }
0xa3: {  	[sflag:s23] =	ssyncset.done $0x0  }
0xa4: {  	s25 =	simm.s32 $0x1B8E;
	s24 =	sld [smem:$0x3FFE];
	[sflag:s23] =	ssyncadd.s32 $0xFFFFFFFF  }
0xa5: {  	s26 =	simm.s32 $execute0_lowered;
	[smem:$0x3FD2] =	sst s25  }
0xa6: {  	s4 =	sshll.u32 s26, $0x1;
	_ =	strace $0x80000049;
	[dreg:$0x1] =	wrdreg $0xFFFFFFFF  }
0xa7: {  	s28 =	simm.s32 $_size_execute0_lowered;
	s2 =	sadd.s32 s2, s4;
	[dreg:$0x0] =	wrdreg $0x0  }
0xa8: {  	s4 =	sshll.u32 s28, $0x1;
	[dreg:$0x2] =	wrdreg s2  }
0xa9: {  	[dreg:$0x3] =	wrdreg s4  }
0xaa: {  	[dreg:$0x4] =	wrdreg $0xC0  }
0xab: {  	_ =	task [dreg:s6], $0x5FFFF  }
0xac: {  	[dreg:$0x1] =	wrdreg $0xFFFFFFFF  }
0xad: {  	[dreg:$0x0] =	wrdreg $0x60  }
0xae: {  	[dreg:$0x2] =	wrdreg s24  }
0xaf: {  	[dreg:$0x3] =	wrdreg $0x0  }
0xb0: {  	[dreg:$0x4] =	wrdreg $0x9  }
0xb1: {  	_ =	task.clear_ibuf [dreg:s6], $0x5FFFF;
	_ =	strace $0x90000049  }
0xb2: {  	s29 =	simm.s32 $0x9;
	_ =	strace $0x8000004B  }
0xb3: {  	_ =	swait.ge [sflag:s29], $0x1  }
0xb4: {  	[sflag:s29] =	ssyncadd.s32 $0xFFFFFFFF  }
0xb5: {  	_ =	strace $0x9000004B  }
0xb6: {  	_ =	sfence  }
0xb7: {  	s30 =	sld [smem:$0x0];
	_ =	sdelay $0x2  }
0xb8: {  	s31 =	sshll.u32 s1, $0xD;
	s1 =	sshrl.u32 s1, $0x2  }
0xb9: {  	s3 =	sand.u32 $0x4000, s31;
	s1 =	sadd.s32 s1, s30  }
0xba: {  	s0 =	sor.u32 s3, s0;
	s1 =	sshll.u32 s1, $0x11  }
0xbb: {  	s0 =	sor.u32 s1, s0  }
0xbc: {  	s0 =	sadd.s32 $0x8F2B, s0  }
0xbd: {  	[sflag:s0] =	ssyncadd.remote.s32 $0x1  }
0xbe: {  	_ =	sfence.sel $0xFFFF  }
0xbf: {  	[dreg:$0x0] =	wrdreg $0xFFFFFFFF;
	(pc) =	sbr.abs _section_cstart, $3  }
0xc0: {  	[dreg:$0x1] =	wrdreg $0xFFFFFFFF  }
0xc1: {  	_ =	task.clear_ibuf [dreg:s6], $0x2FFFF;
	_ =	strace $0x9FFFFFFF  }
0xc2: {  	(tm) =	ssettm $0x7FFFFFFF  }
0xc3: {  	_ =	shalt  }
tec
execute0_lowered:
.L_overlay_start_1:
0x0: {  	(tag) =	ssettag $0x1  }
0x1: {  	s0 =	rddreg [dreg:$0x0]  }
0x2: {  	s1 =	rddreg [dreg:$0x1];
	s2 =	simm.s32 $0x0;
	s4 =	srdreg.scid  }
0x3: {  	s3 =	stileid.u32;
	[smem:$0x7FF] =	sst s2  }
0x4: {  	s6 =	sand.u32 $0x1, s4;
	s7 =	sadd.s32 $0xAE6A00, s0;
	s17 =	smul.u32 $0x2780, s3  }
0x5: {  	s8 =	sadd.s32 $0xF6800, s0;
	s10 =	smul.u32 $0x4F000, s3;
	p0 =	seq.s32 s3, $0xF  }
0x6: {  	s4 =	simm.s32 $0x41;
	s12 =	sshll.u32 s3, $0x4;
	s20 =	sor.u32 $0x20, s3  }
0x7: {  	s26 =	sor.u32 $0x10, s3;
	_ =	strace $0x8000004A;
	s5 =	ssub.s32 $0x2, s6  }
0x8: {  	s19 =	smul.u32 $0x271, s6;
	s4 =	simm.s32 @!p0 $0x4F;
	s16 =	sadd.s32 s8, s12  }
0x9: {  	p0 =	seq.s32 s6, $0x1;
	s28 =	sshll.u32 s26, $0x4;
	s29 =	sshll.u32 s20, $0x4  }
0xa: {  	s12 =	sshll.u32 s20, $0xB;
	s9 =	sshrl.u32 s5, $0x1;
	s11 =	sadd.s32 s17, s0  }
0xb: {  	s18 =	sshrl.u32 s10, $0x2;
	s31 =	sadd.s32 s8, s29;
	s17 =	smul.u32 $0x138800, s6  }
0xc: {  	[dreg:$0x3] =	wrdreg s16;
	s9 =	ssub.s32 s5, s9;
	s5 =	sadd.s32 s18, s1  }
0xd: {  	s10 =	sadd.s32 s3, s19;
	s19 =	sshll.u32 s26, $0xB;
	s20 =	sadd.s32 $0xFB800, s11  }
0xe: {  	[dreg:$0xb] =	wrdreg s31;
	s26 =	sadd.s32 $0x147A80, s0;
	s31 =	sadd.s32 $0x128400, s1  }
0xf: {  	s13 =	sshll.u32 s10, $0x4;
	s14 =	sshll.u32 s10, $0xB;
	[dreg:$0x11] =	wrdreg s20  }
0x10: {  	s22 =	sadd.s32 $0x10, s10;
	s15 =	sadd.s32 $0x20, s10;
	[dreg:$0x17] =	wrdreg s26  }
0x11: {  	s10 =	sadd.s32 $0x270, s10;
	[dreg:$0x1b] =	wrdreg s31;
	s13 =	sadd.s32 s8, s13  }
0x12: {  	s21 =	sadd.s32 s7, s14;
	s23 =	sshll.u32 s22, $0x4;
	s24 =	sshll.u32 s15, $0x4  }
0x13: {  	s25 =	sshll.u32 s15, $0xB;
	s15 =	sshll.u32 s10, $0x4;
	[dreg:$0x4] =	wrdreg s13  }
0x14: {  	s10 =	sshll.u32 s10, $0xB;
	[dreg:$0x5] =	wrdreg s21;
	s14 =	sadd.s32 s8, s23  }
0x15: {  	s18 =	sshll.u32 s3, $0xB;
	s10 =	sadd.s32 s7, s10;
	[dreg:$0x6] =	wrdreg s14  }
0x16: {  	s20 =	simm.s32 $0x0;
	s21 =	sadd.s32 $0x52E00, s11;
	[dreg:$0xd] =	wrdreg s10  }
0x17: {  	s13 =	sshll.u32 s22, $0xB;
	s22 =	sadd.s32 $0x122A00, s11;
	[dreg:$0x12] =	wrdreg s21  }
0x18: {  	s23 =	sadd.s32 $0x2BC00, s11;
	s11 =	simm.s32 $0x1BD00;
	[dreg:$0x13] =	wrdreg s22  }
0x19: {  	s13 =	sadd.s32 s7, s13;
	[dreg:$0x14] =	wrdreg s23;
	s10 =	simm.s32 $0x13C80  }
0x1a: {  	s14 =	simm.s32 $0x2;
	[dreg:$0x7] =	wrdreg s13;
	s13 =	sadd.s32 s8, s24  }
0x1b: {  	s24 =	sadd.s32 $0x120880, s0;
	[dreg:$0x8] =	wrdreg s13;
	s13 =	sadd.s32 s7, s25  }
0x1c: {  	s7 =	sadd.s32 s17, s7;
	[dreg:$0x15] =	wrdreg s24;
	s25 =	sadd.s32 $0x77E80, s0  }
0x1d: {  	s17 =	simm.s32 $0x3;
	[dreg:$0x9] =	wrdreg s13;
	s13 =	sadd.s32 s8, s28  }
0x1e: {  	s8 =	sadd.s32 s8, s15;
	s7 =	sadd.s32 s18, s7;
	[dreg:$0x16] =	wrdreg s25  }
0x1f: {  	s28 =	smax.u32 s9, $0x1;
	s9 =	simm.s32 $0x1BC80;
	[dreg:$0xa] =	wrdreg s13  }
0x20: {  	s15 =	simm.s32 $0x80;
	[dreg:$0xc] =	wrdreg s8;
	s8 =	simm.s32 $0x875A00  }
0x21: {  	[dreg:$0x19] =	wrdreg s28;
	s29 =	sadd.s32 $0x20000, s7;
	s7 =	sadd.s32 $0x400, s16  }
0x22: {  	s8 =	simm.s32 @!p0 $0x604A00;
	p0 =	sne.s32 s6, $0x0;
	s6 =	smul.u32 $0x2710, s6  }
0x23: {  	[dreg:$0x1a] =	wrdreg s29;
	s8 =	sadd.s32 s8, s0;
	s0 =	sadd.s32 $0x50C80, s0  }
0x24: {  	p1 =	seq.s32 @p0 s3, $0xF;
	s13 =	sadd.s32 s8, s19;
	s12 =	sadd.s32 s8, s12  }
0x25: {  	s8 =	sadd.s32 s8, s18;
	[dreg:$0x18] =	wrdreg s0;
	s30 =	sadd.s32 s6, s16  }
0x26: {  	p6 =	por !p1, !p0;
	p1 =	por p1, !p0;
	[dreg:$0xe] =	wrdreg s13  }
0x27: {  	s16 =	simm.s32 $0x5;
	s18 =	simm.s32 $0x4;
	[dreg:$0xf] =	wrdreg s12  }
0x28: {  	s6 =	simm.s32 $0x6;
	s0 =	simm.s32 @!p1 $0x0;
	[dreg:$0x10] =	wrdreg s8  }
0x29: {  	s8 =	sadd.s32 $0x20000, s8;
	s12 =	simm.s32 $0x17C80;
	s0 =	simm.s32 @p1 $0x1  }
0x2a: {  	p1 =	seq.s32 @!p0 s3, $0xF;
	[smem:$0x7FC] =	sst s0;
	s0 =	simm.s32 @!p6 $0x0  }
0x2b: {  	s13 =	simm.s32 $0x1;
	p3 =	por !p1, p0;
	s0 =	simm.s32 @p6 $0x1  }
0x2c: {  	v0 =	vimm.f32 $0.0e+00;
	p4 =	por p1, p0;
	p0 =	sne.s32 s3, $0x0;
	[smem:$0x7FD] =	sst s0  }
.LBB2_1:
0x2d: {  	[tilespmem:$0x13880] =	vst v0  }
0x2e: {  	[tilespmem:$0x13890] =	vst v0  }
0x2f: {  	[tilespmem:$0x138A0] =	vst v0  }
0x30: {  	[tilespmem:$0x138B0] =	vst v0  }
0x31: {  	[tilespmem:$0x138C0] =	vst v0  }
0x32: {  	[tilespmem:$0x138D0] =	vst v0  }
0x33: {  	[tilespmem:$0x138E0] =	vst v0  }
0x34: {  	[tilespmem:$0x138F0] =	vst v0  }
0x35: {  	[tilespmem:$0x13900] =	vst v0  }
0x36: {  	[tilespmem:$0x13910] =	vst v0  }
0x37: {  	[tilespmem:$0x13920] =	vst v0  }
0x38: {  	[tilespmem:$0x13930] =	vst v0  }
0x39: {  	[tilespmem:$0x13940] =	vst v0  }
0x3a: {  	[tilespmem:$0x13950] =	vst v0  }
0x3b: {  	[tilespmem:$0x13960] =	vst v0  }
0x3c: {  	[tilespmem:$0x13970] =	vst v0  }
0x3d: {  	[tilespmem:$0x13980] =	vst v0  }
0x3e: {  	[tilespmem:$0x13990] =	vst v0  }
0x3f: {  	[tilespmem:$0x139A0] =	vst v0  }
0x40: {  	[tilespmem:$0x139B0] =	vst v0  }
0x41: {  	[tilespmem:$0x139C0] =	vst v0  }
0x42: {  	[tilespmem:$0x139D0] =	vst v0  }
0x43: {  	[tilespmem:$0x139E0] =	vst v0  }
0x44: {  	[tilespmem:$0x139F0] =	vst v0  }
0x45: {  	[tilespmem:$0x13A00] =	vst v0  }
0x46: {  	[tilespmem:$0x13A10] =	vst v0  }
0x47: {  	[tilespmem:$0x13A20] =	vst v0  }
0x48: {  	[tilespmem:$0x13A30] =	vst v0  }
0x49: {  	[tilespmem:$0x13A40] =	vst v0  }
0x4a: {  	[tilespmem:$0x13A50] =	vst v0  }
0x4b: {  	[tilespmem:$0x13A60] =	vst v0  }
0x4c: {  	[tilespmem:$0x13A70] =	vst v0  }
0x4d: {  	[tilespmem:$0x13A80] =	vst v0  }
0x4e: {  	[tilespmem:$0x13A90] =	vst v0  }
0x4f: {  	[tilespmem:$0x13AA0] =	vst v0  }
0x50: {  	[tilespmem:$0x13AB0] =	vst v0  }
0x51: {  	[tilespmem:$0x13AC0] =	vst v0  }
0x52: {  	[tilespmem:$0x13AD0] =	vst v0  }
0x53: {  	[tilespmem:$0x13AE0] =	vst v0  }
0x54: {  	[tilespmem:$0x13AF0] =	vst v0  }
0x55: {  	[tilespmem:$0x13B00] =	vst v0  }
0x56: {  	[tilespmem:$0x13B10] =	vst v0  }
0x57: {  	[tilespmem:$0x13B20] =	vst v0  }
0x58: {  	[tilespmem:$0x13B30] =	vst v0  }
0x59: {  	[tilespmem:$0x13B40] =	vst v0  }
0x5a: {  	[tilespmem:$0x13B50] =	vst v0  }
0x5b: {  	[tilespmem:$0x13B60] =	vst v0  }
0x5c: {  	[tilespmem:$0x13B70] =	vst v0  }
0x5d: {  	[tilespmem:$0x13B80] =	vst v0  }
0x5e: {  	[tilespmem:$0x13B90] =	vst v0  }
0x5f: {  	[tilespmem:$0x13BA0] =	vst v0  }
0x60: {  	[tilespmem:$0x13BB0] =	vst v0  }
0x61: {  	[tilespmem:$0x13BC0] =	vst v0  }
0x62: {  	[tilespmem:$0x13BD0] =	vst v0  }
0x63: {  	[tilespmem:$0x13BE0] =	vst v0  }
0x64: {  	[tilespmem:$0x13BF0] =	vst v0  }
0x65: {  	[tilespmem:$0x13C00] =	vst v0  }
0x66: {  	[tilespmem:$0x13C10] =	vst v0  }
0x67: {  	[tilespmem:$0x13C20] =	vst v0  }
0x68: {  	[tilespmem:$0x13C30] =	vst v0  }
0x69: {  	[tilespmem:$0x13C40] =	vst v0  }
0x6a: {  	[tilespmem:$0x13C50] =	vst v0  }
0x6b: {  	[tilespmem:$0x13C60] =	vst v0;
	p1 =	sle.u32 s4, $0x0  }
0x6c: {  	[tilespmem:$0x13C70] =	vst v0;
	s19 =	simm.s32 @!p1 $0x13880;
	s23 =	simm.s32 @!p1 $0x7  }
0x6d: {  	[spmem:s5] =	stream.linear.scatter @!p1 [tilespmem:s19], [sflag:$0x7], $0x400, $0x38;
	[tilespmem:$0x1BD80] =	vst v63  }
0x6e: {  	_ =	swait.ge @!p1 [sflag:s23], $0x400  }
0x6f: {  	s21 =	simm.s32 $0x1;
	s22 =	smov.u32 s5;
	[sflag:s23] =	ssyncset.done @!p1 $0x0  }
.LBB2_2:
0x70: {  	s19 =	smov.u32 s21;
	s21 =	sadd.s32 $0x1, s21  }
0x71: {  	[sflag:s23] =	ssyncadd.s32 @!p1 $0xFFFFFC00;
	s22 =	sadd.s32 $0x400, s22;
	p2 =	sne.s32 s21, $0x4F  }
.Ltmp0:
0x72: {  	p1 =	sge.u32 s19, s4;
	(pc) =	sbr.rel @p2 .LBB2_2-.Ltmp0, $4  }
0x73: {  	s19 =	simm.s32 @!p1 $0x13880;
	s23 =	simm.s32 @!p1 $0x7  }
0x74: {  	[spmem:s22] =	stream.linear.scatter @!p1 [tilespmem:s19], [sflag:$0x7], $0x400, $0x38;
	[tilespmem:$0x1BD80] =	vst v63  }
0x75: {  	_ =	swait.ge @!p1 [sflag:s23], $0x400  }
0x76: {  	[sflag:s23] =	ssyncset.done @!p1 $0x0  }
0x77: {  	[sflag:s23] =	ssyncadd.s32 @!p1 $0xFFFFFC00  }
0x78: {  	[bflag:$0x0] =	sbarrier.arrive $0xFFFF  }
0x79: {  	s19 =	simm.s32 $0x0;
	s0 =	rddreg [dreg:$0x3]  }
0x7a: {  	[tilespmem:s9], [sflag:$0x1] =	stream.linear.gather [hbm4b:s0+s19], $0x80, $0x38;
	[tilespmem:$0x1BD80] =	vst v63  }
0x7b: {  	s22 =	rddreg [dreg:$0x10]  }
0x7c: {  	[tilespmem:s10], [sflag:$0x2] =	stream.linear.gather [hbm4b:s22+s19], $0x4000, $0x38;
	[tilespmem:$0x1BD80] =	vst v63  }
0x7d: {  	s23 =	rddreg [dreg:$0xa]  }
0x7e: {  	[tilespmem:s11], [sflag:$0x3] =	stream.linear.gather [hbm4b:s23+s19], $0x80, $0x38;
	[tilespmem:$0x1BD80] =	vst v63  }
0x7f: {  	s24 =	rddreg [dreg:$0xe]  }
0x80: {  	[tilespmem:s12], [sflag:$0x4] =	stream.linear.gather [hbm4b:s24+s19], $0x4000, $0x38;
	[tilespmem:$0x1BD80] =	vst v63  }
0x81: {  	_ =	swait.ge [sflag:s13], $0x80  }
0x82: {  	[sflag:s13] =	ssyncset.done $0x0  }
0x83: {  	[sflag:s13] =	ssyncadd.s32 $0xFFFFFF80  }
0x84: {  	_ =	swait.ge [sflag:s14], $0x4000  }
0x85: {  	[sflag:s14] =	ssyncset.done $0x0  }
0x86: {  	[sflag:s14] =	ssyncadd.s32 $0xFFFFC000  }
0x87: {  	[spmem:s1] =	stream.indirect.scatter.add.f32 [tilespmem:s10], [sflag:$0x5], $0x80, s9, s15, $0xb8;
	[tilespmem:$0x1BD80] =	vst v63  }
0x88: {  	_ =	swait.ge [sflag:s16], $0x4000  }
0x89: {  	[sflag:s16] =	ssyncset.done $0x0  }
0x8a: {  	s25 =	rddreg [dreg:$0xb];
	[sflag:s16] =	ssyncadd.s32 $0xFFFFC000  }
0x8b: {  	[tilespmem:s9], [sflag:$0x1] =	stream.linear.gather [hbm4b:s25+s19], $0x80, $0x38;
	[tilespmem:$0x1BD80] =	vst v63  }
0x8c: {  	s26 =	rddreg [dreg:$0xf]  }
0x8d: {  	[tilespmem:s10], [sflag:$0x2] =	stream.linear.gather [hbm4b:s26+s19], $0x4000, $0x38;
	[tilespmem:$0x1BD80] =	vst v63  }
0x8e: {  	_ =	swait.ge [sflag:s17], $0x80  }
0x8f: {  	[sflag:s17] =	ssyncset.done $0x0  }
0x90: {  	s31 =	sadd.s32 $0x0, s3;
	[sflag:s17] =	ssyncadd.s32 $0xFFFFFF80  }
0x91: {  	s21 =	sadd.s32 $0x30, s31;
	_ =	swait.ge [sflag:s18], $0x4000  }
0x92: {  	p1 =	sgt.u32 s21, $0x4E1;
	[sflag:s18] =	ssyncset.done $0x0  }
0x93: {  	s21 =	simm.s32 @!p1 $0x6;
	[sflag:s18] =	ssyncadd.s32 $0xFFFFC000  }
0x94: {  	[spmem:s1] =	stream.indirect.scatter.add.f32 [tilespmem:s12], [sflag:$0x6], $0x80, s11, s15, $0xb8;
	[tilespmem:$0x1BD80] =	vst v63  }
0x95: {  	_ =	swait.ge @!p1 [sflag:s21], $0x4000  }
0x96: {  	s22 =	sadd.s32 $0x20, s31;
	s23 =	simm.s32 @!p1 $0x1BD00;
	[sflag:s21] =	ssyncset.done @!p1 $0x0  }
0x97: {  	s25 =	simm.s32 @!p1 $0x0;
	[sflag:s21] =	ssyncadd.s32 @!p1 $0xFFFFC000;
	s21 =	sadd.s32 @!p1 $0xFFFFFF00, s7  }
0x98: {  	[tilespmem:s23], [sflag:$0x3] =	stream.linear.gather @!p1 [hbm4b:s21+s25], $0x80, $0x38;
	[tilespmem:$0x1BD80] =	vst v63  }
0x99: {  	p2 =	sgt.u32 s22, $0x4E1;
	s24 =	simm.s32 @!p1 $0x17C80;
	s21 =	sadd.s32 @!p1 $0xFFFF8000, s8  }
0x9a: {  	[tilespmem:s24], [sflag:$0x4] =	stream.linear.gather @!p1 [hbm4b:s21+s25], $0x4000, $0x38;
	[tilespmem:$0x1BD80] =	vst v63  }
0x9b: {  	s21 =	simm.s32 @!p2 $0x1  }
0x9c: {  	_ =	swait.ge @!p2 [sflag:s21], $0x80  }
0x9d: {  	[sflag:s21] =	ssyncset.done @!p2 $0x0  }
0x9e: {  	[sflag:s21] =	ssyncadd.s32 @!p2 $0xFFFFFF80;
	s21 =	simm.s32 @!p2 $0x2  }
0x9f: {  	s22 =	simm.s32 @!p2 $0x1BC80;
	s19 =	sadd.s32 $0x40, s31;
	_ =	swait.ge @!p2 [sflag:s21], $0x4000  }
0xa0: {  	p6 =	sgt.u32 s19, $0x4E1;
	s19 =	simm.s32 @!p2 $0x80;
	[sflag:s21] =	ssyncset.done @!p2 $0x0  }
0xa1: {  	s25 =	simm.s32 @!p2 $0x13C80;
	[sflag:s21] =	ssyncadd.s32 @!p2 $0xFFFFC000;
	s21 =	simm.s32 @!p6 $0x5  }
0xa2: {  	[spmem:s1] =	stream.indirect.scatter.add.f32 @!p2 [tilespmem:s25], [sflag:$0x5], $0x80, s22, s19, $0xb8;
	[tilespmem:$0x1BD80] =	vst v63  }
0xa3: {  	_ =	swait.ge @!p6 [sflag:s21], $0x4000  }
0xa4: {  	p5 =	por p1, p1;
	[sflag:s21] =	ssyncset.done @!p6 $0x0  }
0xa5: {  	s19 =	simm.s32 @!p6 $0x0;
	[sflag:s21] =	ssyncadd.s32 @!p6 $0xFFFFC000;
	s21 =	simm.s32 @!p6 $0x1BC80  }
0xa6: {  	[tilespmem:s21], [sflag:$0x1] =	stream.linear.gather @!p6 [hbm4b:s7+s19], $0x80, $0x38;
	[tilespmem:$0x1BD80] =	vst v63  }
0xa7: {  	s28 =	simm.s32 @!p5 $0x3;
	s21 =	simm.s32 @!p6 $0x13C80  }
0xa8: {  	[tilespmem:s21], [sflag:$0x2] =	stream.linear.gather @!p6 [hbm4b:s8+s19], $0x4000, $0x38;
	[tilespmem:$0x1BD80] =	vst v63  }
0xa9: {  	s29 =	simm.s32 @!p5 $0x4;
	_ =	swait.ge @!p5 [sflag:s28], $0x80  }
0xaa: {  	s26 =	sadd.s32 $0x20, s3;
	s25 =	simm.s32 $0x40;
	[sflag:s28] =	ssyncset.done @!p5 $0x0  }
0xab: {  	s22 =	sadd.s32 $0x200, s7;
	s21 =	sadd.s32 $0x10000, s8;
	[sflag:s28] =	ssyncadd.s32 @!p5 $0xFFFFFF80  }
0xac: {  	s19 =	sadd.s32 $0x30, s26;
	s28 =	sadd.s32 $0x20, s26;
	_ =	swait.ge @!p5 [sflag:s29], $0x4000  }
.LBB2_4:
0xad: {  	p1 =	sgt.u32 s19, $0x4E1;
	s19 =	sadd.s32 $0x40, s26;
	[sflag:s29] =	ssyncset.done @!p5 $0x0  }
0xae: {  	s26 =	simm.s32 @!p5 $0x80;
	s0 =	simm.s32 @!p1 $0x6;
	[sflag:s29] =	ssyncadd.s32 @!p5 $0xFFFFC000  }
0xaf: {  	[spmem:s1] =	stream.indirect.scatter.add.f32 @!p5 [tilespmem:s24], [sflag:$0x6], $0x80, s23, s26, $0xb8;
	[tilespmem:$0x1BD80] =	vst v63  }
0xb0: {  	s26 =	smov.u32 s25;
	s25 =	sadd.s32 $0x20, s25;
	_ =	swait.ge @!p1 [sflag:s0], $0x4000  }
0xb1: {  	s23 =	simm.s32 @!p1 $0x1BD00;
	p6 =	sne.s32 s25, $0x4E0;
	[sflag:s0] =	ssyncset.done @!p1 $0x0  }
0xb2: {  	s29 =	simm.s32 @!p1 $0x0;
	[sflag:s0] =	ssyncadd.s32 @!p1 $0xFFFFC000;
	s0 =	sadd.s32 @!p1 $0xFFFFFF00, s22  }
0xb3: {  	[tilespmem:s23], [sflag:$0x3] =	stream.linear.gather @!p1 [hbm4b:s0+s29], $0x80, $0x38;
	[tilespmem:$0x1BD80] =	vst v63  }
0xb4: {  	p2 =	sgt.u32 s28, $0x4E1;
	s24 =	simm.s32 @!p1 $0x17C80;
	s0 =	sadd.s32 @!p1 $0xFFFF8000, s21  }
0xb5: {  	[tilespmem:s24], [sflag:$0x4] =	stream.linear.gather @!p1 [hbm4b:s0+s29], $0x4000, $0x38;
	[tilespmem:$0x1BD80] =	vst v63  }
0xb6: {  	p5 =	por p1, p1;
	s0 =	simm.s32 @!p2 $0x1  }
0xb7: {  	_ =	swait.ge @!p2 [sflag:s0], $0x80  }
0xb8: {  	[sflag:s0] =	ssyncset.done @!p2 $0x0  }
0xb9: {  	[sflag:s0] =	ssyncadd.s32 @!p2 $0xFFFFFF80;
	s0 =	simm.s32 @!p2 $0x2  }
0xba: {  	s28 =	simm.s32 @!p2 $0x1BC80;
	_ =	swait.ge @!p2 [sflag:s0], $0x4000  }
0xbb: {  	s29 =	simm.s32 @!p2 $0x13C80;
	p1 =	sgt.u32 s19, $0x4E1;
	[sflag:s0] =	ssyncset.done @!p2 $0x0  }
0xbc: {  	s19 =	simm.s32 @!p1 $0x5;
	[sflag:s0] =	ssyncadd.s32 @!p2 $0xFFFFC000;
	s0 =	simm.s32 @!p2 $0x80  }
0xbd: {  	[spmem:s1] =	stream.indirect.scatter.add.f32 @!p2 [tilespmem:s29], [sflag:$0x5], $0x80, s28, s0, $0xb8;
	[tilespmem:$0x1BD80] =	vst v63  }
0xbe: {  	_ =	swait.ge @!p1 [sflag:s19], $0x4000  }
0xbf: {  	[sflag:s19] =	ssyncset.done @!p1 $0x0  }
0xc0: {  	s0 =	simm.s32 @!p1 $0x0;
	[sflag:s19] =	ssyncadd.s32 @!p1 $0xFFFFC000;
	s19 =	simm.s32 @!p1 $0x1BC80  }
0xc1: {  	[tilespmem:s19], [sflag:$0x1] =	stream.linear.gather @!p1 [hbm4b:s22+s0], $0x80, $0x38;
	[tilespmem:$0x1BD80] =	vst v63  }
0xc2: {  	s28 =	simm.s32 @!p5 $0x3;
	s19 =	simm.s32 @!p1 $0x13C80  }
0xc3: {  	[tilespmem:s19], [sflag:$0x2] =	stream.linear.gather @!p1 [hbm4b:s21+s0], $0x4000, $0x38;
	[tilespmem:$0x1BD80] =	vst v63  }
.Ltmp1:
0xc4: {  	_ = 	snop;
	(pc) =	sbr.rel @p6 .LBB2_4-.Ltmp1, $4  }
0xc5: {  	_ =	swait.ge @!p5 [sflag:s28], $0x80  }
0xc6: {  	s22 =	sadd.s32 $0x200, s22;
	s21 =	sadd.s32 $0x10000, s21;
	[sflag:s28] =	ssyncset.done @!p5 $0x0  }
0xc7: {  	s26 =	sadd.s32 s26, s3;
	s29 =	simm.s32 @!p5 $0x4;
	[sflag:s28] =	ssyncadd.s32 @!p5 $0xFFFFFF80  }
0xc8: {  	s19 =	sadd.s32 $0x30, s26;
	s28 =	sadd.s32 $0x20, s26;
	_ =	swait.ge @!p5 [sflag:s29], $0x4000  }
0xc9: {  	p6 =	sgt.u32 s19, $0x4E1;
	[sflag:s29] =	ssyncset.done @!p5 $0x0  }
0xca: {  	s19 =	simm.s32 @!p5 $0x80;
	s0 =	simm.s32 @!p6 $0x6;
	[sflag:s29] =	ssyncadd.s32 @!p5 $0xFFFFC000  }
0xcb: {  	[spmem:s1] =	stream.indirect.scatter.add.f32 @!p5 [tilespmem:s24], [sflag:$0x6], $0x80, s23, s19, $0xb8;
	[tilespmem:$0x1BD80] =	vst v63  }
0xcc: {  	_ =	swait.ge @!p6 [sflag:s0], $0x4000  }
0xcd: {  	s19 =	simm.s32 @!p6 $0x1BD00;
	[sflag:s0] =	ssyncset.done @!p6 $0x0  }
0xce: {  	s23 =	simm.s32 @!p6 $0x0;
	[sflag:s0] =	ssyncadd.s32 @!p6 $0xFFFFC000;
	s0 =	sadd.s32 @!p6 $0xFFFFFF00, s22  }
0xcf: {  	[tilespmem:s19], [sflag:$0x3] =	stream.linear.gather @!p6 [hbm4b:s0+s23], $0x80, $0x38;
	[tilespmem:$0x1BD80] =	vst v63  }
0xd0: {  	p1 =	sgt.u32 s28, $0x4E1;
	s24 =	simm.s32 @!p6 $0x17C80;
	s0 =	sadd.s32 @!p6 $0xFFFF8000, s21  }
0xd1: {  	[tilespmem:s24], [sflag:$0x4] =	stream.linear.gather @!p6 [hbm4b:s0+s23], $0x4000, $0x38;
	[tilespmem:$0x1BD80] =	vst v63  }
0xd2: {  	s0 =	simm.s32 @!p1 $0x1  }
0xd3: {  	_ =	swait.ge @!p1 [sflag:s0], $0x80  }
0xd4: {  	[sflag:s0] =	ssyncset.done @!p1 $0x0  }
0xd5: {  	[sflag:s0] =	ssyncadd.s32 @!p1 $0xFFFFFF80;
	s0 =	simm.s32 @!p1 $0x2  }
0xd6: {  	s31 =	sadd.s32 $0x40, s26;
	s25 =	simm.s32 @!p1 $0x1BC80;
	_ =	swait.ge @!p1 [sflag:s0], $0x4000  }
0xd7: {  	s26 =	simm.s32 @!p1 $0x13C80;
	p2 =	sgt.u32 s31, $0x4E1;
	[sflag:s0] =	ssyncset.done @!p1 $0x0  }
0xd8: {  	s23 =	simm.s32 @!p2 $0x5;
	[sflag:s0] =	ssyncadd.s32 @!p1 $0xFFFFC000;
	s0 =	simm.s32 @!p1 $0x80  }
0xd9: {  	[spmem:s1] =	stream.indirect.scatter.add.f32 @!p1 [tilespmem:s26], [sflag:$0x5], $0x80, s25, s0, $0xb8;
	[tilespmem:$0x1BD80] =	vst v63  }
0xda: {  	_ =	swait.ge @!p2 [sflag:s23], $0x4000  }
0xdb: {  	p1 =	por p6, p6;
	[sflag:s23] =	ssyncset.done @!p2 $0x0  }
0xdc: {  	s0 =	simm.s32 @!p2 $0x0;
	[sflag:s23] =	ssyncadd.s32 @!p2 $0xFFFFC000;
	s23 =	simm.s32 @!p2 $0x1BC80  }
0xdd: {  	[tilespmem:s23], [sflag:$0x1] =	stream.linear.gather @!p2 [hbm4b:s22+s0], $0x80, $0x38;
	[tilespmem:$0x1BD80] =	vst v63  }
0xde: {  	s22 =	simm.s32 @!p2 $0x13C80;
	s23 =	simm.s32 @!p1 $0x3  }
0xdf: {  	[tilespmem:s22], [sflag:$0x2] =	stream.linear.gather @!p2 [hbm4b:s21+s0], $0x4000, $0x38;
	[tilespmem:$0x1BD80] =	vst v63  }
0xe0: {  	_ =	swait.ge @!p1 [sflag:s23], $0x80  }
0xe1: {  	[sflag:s23] =	ssyncset.done @!p1 $0x0  }
0xe2: {  	s0 =	simm.s32 @!p1 $0x4;
	[sflag:s23] =	ssyncadd.s32 @!p1 $0xFFFFFF80  }
0xe3: {  	_ =	swait.ge @!p1 [sflag:s0], $0x4000  }
0xe4: {  	[sflag:s0] =	ssyncset.done @!p1 $0x0  }
0xe5: {  	[sflag:s0] =	ssyncadd.s32 @!p1 $0xFFFFC000;
	s0 =	simm.s32 @!p1 $0x80  }
0xe6: {  	[spmem:s1] =	stream.indirect.scatter.add.f32 @!p1 [tilespmem:s24], [sflag:$0x6], $0x80, s19, s0, $0xb8;
	[tilespmem:$0x1BD80] =	vst v63  }
0xe7: {  	_ =	swait.ge [sflag:s16], $0x4000  }
0xe8: {  	[sflag:s16] =	ssyncset.done $0x0  }
0xe9: {  	[sflag:s16] =	ssyncadd.s32 $0xFFFFC000  }
0xea: {  	_ =	swait.ge [sflag:s6], $0x4000  }
0xeb: {  	[sflag:s6] =	ssyncset.done $0x0  }
0xec: {  	[sflag:s6] =	ssyncadd.s32 $0xFFFFC000  }
0xed: {  	[bflag:$0x0] =	sbarrier.arrive $0xFFFF  }
0xee: {  	s26 =	sld [smem:$0x7FD];
	_ =	sdelay $0x2  }
0xef: {  	s24 =	rddreg [dreg:$0x1b];
	p6 =	seq.s32 s26, $0x1  }
0xf0: {  	s19 =	rddreg [dreg:$0x15];
	s21 =	sshrl.u32 @!p6 s24, $0x3;
	s0 =	simm.s32 @!p6 $0x1FC7  }
0xf1: {  	[hbm:s19], [sflag:s0] =	dma.local @!p6 [spmem:s21], $0x2080  }
0xf2: {  	s0 =	simm.s32 @!p6 $0x7  }
0xf3: {  	_ =	swait.ge @!p6 [sflag:s0], $0x2080  }
0xf4: {  	s31 =	sld [smem:$0x7FC];
	_ =	sdelay $0x2  }
0xf5: {  	[sflag:s0] =	ssyncset.done @!p6 $0x0;
	p1 =	seq.s32 s31, $0x1  }
0xf6: {  	[sflag:s0] =	ssyncadd.s32 @!p6 $0xFFFFDF80;
	s19 =	sshll.u32 @!p1 s3, $0x6  }
0xf7: {  	s0 =	rddreg [dreg:$0x11];
	s23 =	sshrl.u32 @!p1 s5, $0x3;
	s22 =	sor.u32 @!p1 $0x1C07, s19  }
0xf8: {  	[hbm:s0], [sflag:s22] =	dma.local @!p1 [spmem:s23], $0x2780  }
0xf9: {  	s0 =	simm.s32 @!p1 $0x7  }
0xfa: {  	_ =	swait.ge @!p1 [sflag:s0], $0x2780  }
0xfb: {  	s24 =	sshrl.u32 @!p3 s24, $0x3;
	[sflag:s0] =	ssyncset.done @!p1 $0x0  }
0xfc: {  	s19 =	rddreg [dreg:$0x16];
	[sflag:s0] =	ssyncadd.s32 @!p1 $0xFFFFD880;
	s0 =	simm.s32 @!p3 $0x1FC7  }
0xfd: {  	[hbm:s19], [sflag:s0] =	dma.local @!p3 [spmem:s24], $0x2080  }
0xfe: {  	s0 =	simm.s32 @!p3 $0x7  }
0xff: {  	_ =	swait.ge @!p3 [sflag:s0], $0x2080  }
0x100: {  	s26 =	sshrl.u32 @!p4 s5, $0x3;
	s19 =	sshll.u32 @!p4 s3, $0x6;
	[sflag:s0] =	ssyncset.done @!p3 $0x0  }
0x101: {  	s25 =	sor.u32 @!p4 $0x1C07, s19;
	[sflag:s0] =	ssyncadd.s32 @!p3 $0xFFFFDF80;
	s0 =	rddreg [dreg:$0x12]  }
0x102: {  	[hbm:s0], [sflag:s25] =	dma.local @!p4 [spmem:s26], $0x2780  }
0x103: {  	s0 =	simm.s32 @!p4 $0x7  }
0x104: {  	_ =	swait.ge @!p4 [sflag:s0], $0x2780  }
0x105: {  	p1 =	sle.u32 s4, $0x0;
	[sflag:s0] =	ssyncset.done @!p4 $0x0  }
0x106: {  	s19 =	simm.s32 @!p1 $0x7;
	[sflag:s0] =	ssyncadd.s32 @!p4 $0xFFFFD880;
	s0 =	simm.s32 @!p1 $0x13880  }
0x107: {  	[spmem:s5] =	stream.linear.scatter @!p1 [tilespmem:s0], [sflag:$0x7], $0x400, $0x38;
	[tilespmem:$0x1BD80] =	vst v63  }
0x108: {  	_ =	swait.ge @!p1 [sflag:s19], $0x400  }
0x109: {  	s28 =	simm.s32 $0x1;
	s29 =	smov.u32 s5;
	[sflag:s19] =	ssyncset.done @!p1 $0x0  }
.LBB2_6:
0x10a: {  	s0 =	smov.u32 s28;
	s28 =	sadd.s32 $0x1, s28  }
0x10b: {  	[sflag:s19] =	ssyncadd.s32 @!p1 $0xFFFFFC00;
	s29 =	sadd.s32 $0x400, s29;
	p2 =	sne.s32 s28, $0x4F  }
.Ltmp2:
0x10c: {  	p1 =	sge.u32 s0, s4;
	(pc) =	sbr.rel @p2 .LBB2_6-.Ltmp2, $4  }
0x10d: {  	s0 =	simm.s32 @!p1 $0x13880;
	s19 =	simm.s32 @!p1 $0x7  }
0x10e: {  	[spmem:s29] =	stream.linear.scatter @!p1 [tilespmem:s0], [sflag:$0x7], $0x400, $0x38;
	[tilespmem:$0x1BD80] =	vst v63  }
0x10f: {  	_ =	swait.ge @!p1 [sflag:s19], $0x400  }
0x110: {  	[sflag:s19] =	ssyncset.done @!p1 $0x0  }
0x111: {  	[sflag:s19] =	ssyncadd.s32 @!p1 $0xFFFFFC00  }
0x112: {  	[bflag:$0x0] =	sbarrier.arrive $0xFFFF  }
0x113: {  	s0 =	simm.s32 $0x0;
	s31 =	rddreg [dreg:$0x4]  }
0x114: {  	[tilespmem:s9], [sflag:$0x1] =	stream.linear.gather [hbm4b:s31+s0], $0x80, $0x38;
	[tilespmem:$0x1BD80] =	vst v63  }
0x115: {  	s31 =	rddreg [dreg:$0x5]  }
0x116: {  	[tilespmem:s10], [sflag:$0x2] =	stream.linear.gather [hbm4b:s31+s0], $0x4000, $0x38;
	[tilespmem:$0x1BD80] =	vst v63  }
0x117: {  	s31 =	rddreg [dreg:$0x6]  }
0x118: {  	[tilespmem:s11], [sflag:$0x3] =	stream.linear.gather [hbm4b:s31+s0], $0x80, $0x38;
	[tilespmem:$0x1BD80] =	vst v63  }
0x119: {  	s31 =	rddreg [dreg:$0x7]  }
0x11a: {  	[tilespmem:s12], [sflag:$0x4] =	stream.linear.gather [hbm4b:s31+s0], $0x4000, $0x38;
	[tilespmem:$0x1BD80] =	vst v63  }
0x11b: {  	_ =	swait.ge [sflag:s13], $0x80  }
0x11c: {  	[sflag:s13] =	ssyncset.done $0x0  }
0x11d: {  	[sflag:s13] =	ssyncadd.s32 $0xFFFFFF80  }
0x11e: {  	_ =	swait.ge [sflag:s14], $0x4000  }
0x11f: {  	[sflag:s14] =	ssyncset.done $0x0  }
0x120: {  	[sflag:s14] =	ssyncadd.s32 $0xFFFFC000  }
0x121: {  	[spmem:s1] =	stream.indirect.scatter.add.f32 [tilespmem:s10], [sflag:$0x5], $0x80, s9, s15, $0xb8;
	[tilespmem:$0x1BD80] =	vst v63  }
0x122: {  	_ =	swait.ge [sflag:s16], $0x4000  }
0x123: {  	[sflag:s16] =	ssyncset.done $0x0  }
0x124: {  	s31 =	rddreg [dreg:$0x8];
	[sflag:s16] =	ssyncadd.s32 $0xFFFFC000  }
0x125: {  	[tilespmem:s9], [sflag:$0x1] =	stream.linear.gather [hbm4b:s31+s0], $0x80, $0x38;
	[tilespmem:$0x1BD80] =	vst v63  }
0x126: {  	s31 =	rddreg [dreg:$0x9]  }
0x127: {  	[tilespmem:s10], [sflag:$0x2] =	stream.linear.gather [hbm4b:s31+s0], $0x4000, $0x38;
	[tilespmem:$0x1BD80] =	vst v63  }
0x128: {  	_ =	swait.ge [sflag:s17], $0x80  }
0x129: {  	[sflag:s17] =	ssyncset.done $0x0  }
0x12a: {  	[sflag:s17] =	ssyncadd.s32 $0xFFFFFF80  }
0x12b: {  	_ =	swait.ge [sflag:s18], $0x4000  }
0x12c: {  	[sflag:s18] =	ssyncset.done $0x0  }
0x12d: {  	[sflag:s18] =	ssyncadd.s32 $0xFFFFC000  }
0x12e: {  	[spmem:s1] =	stream.indirect.scatter.add.f32 [tilespmem:s12], [sflag:$0x6], $0x80, s11, s15, $0xb8;
	[tilespmem:$0x1BD80] =	vst v63  }
0x12f: {  	_ =	swait.ge [sflag:s6], $0x4000  }
0x130: {  	s0 =	sadd.s32 $0x0, s30;
	[sflag:s6] =	ssyncset.done $0x0  }
0x131: {  	s31 =	sadd.s32 $0x300, s0;
	s29 =	rddreg [dreg:$0x1a];
	[sflag:s6] =	ssyncadd.s32 $0xFFFFC000  }
0x132: {  	[tilespmem:s11], [sflag:$0x3] =	stream.linear.gather [hbm4b:s31+s2], $0x80, $0x38;
	[tilespmem:$0x1BD80] =	vst v63  }
0x133: {  	s31 =	sadd.s32 $0xFFFF8000, s29  }
0x134: {  	[tilespmem:s12], [sflag:$0x4] =	stream.linear.gather [hbm4b:s31+s2], $0x4000, $0x38;
	[tilespmem:$0x1BD80] =	vst v63  }
0x135: {  	_ =	swait.ge [sflag:s13], $0x80  }
0x136: {  	[sflag:s13] =	ssyncset.done $0x0  }
0x137: {  	[sflag:s13] =	ssyncadd.s32 $0xFFFFFF80  }
0x138: {  	_ =	swait.ge [sflag:s14], $0x4000  }
0x139: {  	[sflag:s14] =	ssyncset.done $0x0  }
0x13a: {  	[sflag:s14] =	ssyncadd.s32 $0xFFFFC000  }
0x13b: {  	[spmem:s1] =	stream.indirect.scatter.add.f32 [tilespmem:s10], [sflag:$0x5], $0x80, s9, s15, $0xb8;
	[tilespmem:$0x1BD80] =	vst v63  }
0x13c: {  	_ =	swait.ge [sflag:s16], $0x4000  }
0x13d: {  	[sflag:s16] =	ssyncset.done $0x0  }
0x13e: {  	s0 =	sadd.s32 $0x400, s0;
	[sflag:s16] =	ssyncadd.s32 $0xFFFFC000  }
0x13f: {  	[tilespmem:s9], [sflag:$0x1] =	stream.linear.gather [hbm4b:s0+s2], $0x80, $0x38;
	[tilespmem:$0x1BD80] =	vst v63  }
0x140: {  	_ = 	snop  }
0x141: {  	[tilespmem:s10], [sflag:$0x2] =	stream.linear.gather [hbm4b:s29+s2], $0x4000, $0x38;
	[tilespmem:$0x1BD80] =	vst v63  }
0x142: {  	_ =	swait.ge [sflag:s17], $0x80  }
0x143: {  	[sflag:s17] =	ssyncset.done $0x0  }
0x144: {  	[sflag:s17] =	ssyncadd.s32 $0xFFFFFF80  }
0x145: {  	_ =	swait.ge [sflag:s18], $0x4000  }
0x146: {  	[sflag:s18] =	ssyncset.done $0x0  }
0x147: {  	s28 =	simm.s32 $0x200;
	s29 =	sadd.s32 $0x10000, s29;
	[sflag:s18] =	ssyncadd.s32 $0xFFFFC000  }
.LBB2_8:
0x148: {  	[spmem:s1] =	stream.indirect.scatter.add.f32 [tilespmem:s12], [sflag:$0x6], $0x80, s11, s15, $0xb8;
	[tilespmem:$0x1BD80] =	vst v63  }
0x149: {  	s0 =	smov.u32 s28  }
0x14a: {  	p5 =	sne.s32 s28, $0x2200;
	s28 =	sadd.s32 $0x200, s28;
	_ =	swait.ge [sflag:s6], $0x4000  }
0x14b: {  	s0 =	sadd.s32 s0, s30;
	[sflag:s6] =	ssyncset.done $0x0  }
0x14c: {  	s19 =	sadd.s32 $0x300, s0;
	[sflag:s6] =	ssyncadd.s32 $0xFFFFC000  }
0x14d: {  	[tilespmem:s11], [sflag:$0x3] =	stream.linear.gather [hbm4b:s19+s2], $0x80, $0x38;
	[tilespmem:$0x1BD80] =	vst v63  }
0x14e: {  	s19 =	sadd.s32 $0xFFFF8000, s29  }
0x14f: {  	[tilespmem:s12], [sflag:$0x4] =	stream.linear.gather [hbm4b:s19+s2], $0x4000, $0x38;
	[tilespmem:$0x1BD80] =	vst v63  }
0x150: {  	_ =	swait.ge [sflag:s13], $0x80  }
0x151: {  	[sflag:s13] =	ssyncset.done $0x0  }
0x152: {  	[sflag:s13] =	ssyncadd.s32 $0xFFFFFF80  }
0x153: {  	_ =	swait.ge [sflag:s14], $0x4000  }
0x154: {  	[sflag:s14] =	ssyncset.done $0x0  }
0x155: {  	[sflag:s14] =	ssyncadd.s32 $0xFFFFC000  }
0x156: {  	[spmem:s1] =	stream.indirect.scatter.add.f32 [tilespmem:s10], [sflag:$0x5], $0x80, s9, s15, $0xb8;
	[tilespmem:$0x1BD80] =	vst v63  }
0x157: {  	_ =	swait.ge [sflag:s16], $0x4000  }
0x158: {  	[sflag:s16] =	ssyncset.done $0x0  }
0x159: {  	s0 =	sadd.s32 $0x400, s0;
	[sflag:s16] =	ssyncadd.s32 $0xFFFFC000  }
0x15a: {  	[tilespmem:s9], [sflag:$0x1] =	stream.linear.gather [hbm4b:s0+s2], $0x80, $0x38;
	[tilespmem:$0x1BD80] =	vst v63  }
0x15b: {  	_ = 	snop  }
0x15c: {  	[tilespmem:s10], [sflag:$0x2] =	stream.linear.gather [hbm4b:s29+s2], $0x4000, $0x38;
	[tilespmem:$0x1BD80] =	vst v63  }
0x15d: {  	_ =	swait.ge [sflag:s17], $0x80  }
.Ltmp3:
0x15e: {  	[sflag:s17] =	ssyncset.done $0x0;
	(pc) =	sbr.rel @p5 .LBB2_8-.Ltmp3, $4  }
0x15f: {  	[sflag:s17] =	ssyncadd.s32 $0xFFFFFF80  }
0x160: {  	_ =	swait.ge [sflag:s18], $0x4000  }
0x161: {  	[sflag:s18] =	ssyncset.done $0x0  }
0x162: {  	s29 =	sadd.s32 $0x10000, s29;
	[sflag:s18] =	ssyncadd.s32 $0xFFFFC000  }
0x163: {  	[spmem:s1] =	stream.indirect.scatter.add.f32 [tilespmem:s12], [sflag:$0x6], $0x80, s11, s15, $0xb8;
	[tilespmem:$0x1BD80] =	vst v63  }
0x164: {  	s0 =	simm.s32 @p0 $0x1  }
0x165: {  	_ =	swait.ge @p0 [sflag:s0], $0x80  }
0x166: {  	[sflag:s0] =	ssyncset.done @p0 $0x0  }
0x167: {  	[sflag:s0] =	ssyncadd.s32 @p0 $0xFFFFFF80;
	s0 =	simm.s32 @p0 $0x2  }
0x168: {  	_ =	swait.ge @p0 [sflag:s0], $0x4000  }
0x169: {  	s19 =	simm.s32 @p0 $0x1BC80;
	[sflag:s0] =	ssyncset.done @p0 $0x0  }
0x16a: {  	s28 =	simm.s32 @p0 $0x13C80;
	[sflag:s0] =	ssyncadd.s32 @p0 $0xFFFFC000;
	s0 =	simm.s32 @p0 $0x80  }
0x16b: {  	[spmem:s1] =	stream.indirect.scatter.add.f32 @p0 [tilespmem:s28], [sflag:$0x5], $0x80, s19, s0, $0xb8;
	[tilespmem:$0x1BD80] =	vst v63  }
0x16c: {  	s0 =	simm.s32 @!p0 $0x6  }
0x16d: {  	_ =	swait.ge @!p0 [sflag:s0], $0x4000  }
0x16e: {  	s19 =	simm.s32 @!p0 $0x1BD00;
	[sflag:s0] =	ssyncset.done @!p0 $0x0  }
0x16f: {  	s28 =	rddreg [dreg:$0xc];
	[sflag:s0] =	ssyncadd.s32 @!p0 $0xFFFFC000;
	s0 =	simm.s32 @!p0 $0x0  }
0x170: {  	[tilespmem:s19], [sflag:$0x3] =	stream.linear.gather @!p0 [hbm4b:s28+s0], $0x80, $0x38;
	[tilespmem:$0x1BD80] =	vst v63  }
0x171: {  	s29 =	rddreg [dreg:$0xd];
	s28 =	simm.s32 @!p0 $0x17C80  }
0x172: {  	[tilespmem:s28], [sflag:$0x4] =	stream.linear.gather @!p0 [hbm4b:s29+s0], $0x4000, $0x38;
	[tilespmem:$0x1BD80] =	vst v63  }
0x173: {  	s0 =	simm.s32 @!p0 $0x1  }
0x174: {  	_ =	swait.ge @!p0 [sflag:s0], $0x80  }
0x175: {  	[sflag:s0] =	ssyncset.done @!p0 $0x0  }
0x176: {  	[sflag:s0] =	ssyncadd.s32 @!p0 $0xFFFFFF80;
	s0 =	simm.s32 @!p0 $0x2  }
0x177: {  	_ =	swait.ge @!p0 [sflag:s0], $0x4000  }
0x178: {  	s31 =	simm.s32 @!p0 $0x13C80;
	[sflag:s0] =	ssyncset.done @!p0 $0x0  }
0x179: {  	s29 =	simm.s32 @!p0 $0x1BC80;
	[sflag:s0] =	ssyncadd.s32 @!p0 $0xFFFFC000;
	s0 =	simm.s32 @!p0 $0x80  }
0x17a: {  	[spmem:s1] =	stream.indirect.scatter.add.f32 @!p0 [tilespmem:s31], [sflag:$0x5], $0x80, s29, s0, $0xb8;
	[tilespmem:$0x1BD80] =	vst v63  }
0x17b: {  	s29 =	simm.s32 @!p0 $0x3  }
0x17c: {  	_ =	swait.ge @!p0 [sflag:s29], $0x80  }
0x17d: {  	[sflag:s29] =	ssyncset.done @!p0 $0x0  }
0x17e: {  	[sflag:s29] =	ssyncadd.s32 @!p0 $0xFFFFFF80;
	s29 =	simm.s32 @!p0 $0x4  }
0x17f: {  	_ =	swait.ge @!p0 [sflag:s29], $0x4000  }
0x180: {  	[sflag:s29] =	ssyncset.done @!p0 $0x0  }
0x181: {  	[sflag:s29] =	ssyncadd.s32 @!p0 $0xFFFFC000  }
0x182: {  	[spmem:s1] =	stream.indirect.scatter.add.f32 @!p0 [tilespmem:s28], [sflag:$0x6], $0x80, s19, s0, $0xb8;
	[tilespmem:$0x1BD80] =	vst v63  }
0x183: {  	_ =	swait.ge [sflag:s16], $0x4000  }
0x184: {  	[sflag:s16] =	ssyncset.done $0x0  }
0x185: {  	[sflag:s16] =	ssyncadd.s32 $0xFFFFC000  }
0x186: {  	_ =	swait.ge [sflag:s6], $0x4000  }
0x187: {  	[sflag:s6] =	ssyncset.done $0x0  }
0x188: {  	[sflag:s6] =	ssyncadd.s32 $0xFFFFC000  }
0x189: {  	[bflag:$0x0] =	sbarrier.arrive $0xFFFF  }
0x18a: {  	s0 =	simm.s32 @!p6 $0x1FC7;
	s19 =	rddreg [dreg:$0x17]  }
0x18b: {  	[hbm:s19], [sflag:s0] =	dma.local @!p6 [spmem:s21], $0x2080  }
0x18c: {  	s0 =	simm.s32 @!p6 $0x7  }
0x18d: {  	_ =	swait.ge @!p6 [sflag:s0], $0x2080  }
0x18e: {  	s29 =	sld [smem:$0x7FC];
	_ =	sdelay $0x1  }
0x18f: {  	[sflag:s0] =	ssyncset.done @!p6 $0x0  }
0x190: {  	[sflag:s0] =	ssyncadd.s32 @!p6 $0xFFFFDF80;
	s0 =	rddreg [dreg:$0x13];
	p1 =	seq.s32 s29, $0x1  }
0x191: {  	[hbm:s0], [sflag:s22] =	dma.local @!p1 [spmem:s23], $0x2780  }
0x192: {  	s0 =	simm.s32 @!p1 $0x7  }
0x193: {  	_ =	swait.ge @!p1 [sflag:s0], $0x2780  }
0x194: {  	[sflag:s0] =	ssyncset.done @!p1 $0x0  }
0x195: {  	s19 =	rddreg [dreg:$0x18];
	[sflag:s0] =	ssyncadd.s32 @!p1 $0xFFFFD880;
	s0 =	simm.s32 @!p3 $0x1FC7  }
0x196: {  	[hbm:s19], [sflag:s0] =	dma.local @!p3 [spmem:s24], $0x2080  }
0x197: {  	s0 =	simm.s32 @!p3 $0x7  }
0x198: {  	_ =	swait.ge @!p3 [sflag:s0], $0x2080  }
0x199: {  	[sflag:s0] =	ssyncset.done @!p3 $0x0  }
0x19a: {  	[sflag:s0] =	ssyncadd.s32 @!p3 $0xFFFFDF80;
	s0 =	rddreg [dreg:$0x14]  }
0x19b: {  	[hbm:s0], [sflag:s25] =	dma.local @!p4 [spmem:s26], $0x2780  }
0x19c: {  	s0 =	simm.s32 @!p4 $0x7  }
0x19d: {  	_ =	swait.ge @!p4 [sflag:s0], $0x2780  }
0x19e: {  	s20 =	sadd.s32 $0x1, s20;
	s31 =	rddreg [dreg:$0x19]  }
0x19f: {  	p1 =	sne.s32 s20, s31  }
.Ltmp4:
0x1a0: {  	_ = 	snop;
	(pc) =	sbr.rel @p1 .LBB2_1-.Ltmp4, $3  }
0x1a1: {  	_ =	sdelay $0x1  }
0x1a2: {  	[sflag:s0] =	ssyncset.done @!p4 $0x0  }
0x1a3: {  	[sflag:s0] =	ssyncadd.s32 @!p4 $0xFFFFD880  }
0x1a4: {  	_ =	sfence.sel $0x180000  }
0x1a5: {  	[bflag:$0x0] =	sbarrier.arrive $0xFFFF  }
0x1a6: {  	_ =	strace $0x9000004A  }
0x1a7: {  	[bflag:$0x2] =	sbarrier.arrive $0xFFFF  }
0x1a8: {  	s0 =	rddreg [dreg:$0x2]  }
0x1a9: {  	s0 =	sadd.s32 @!p0 $0x100000, s0  }
0x1aa: {  	[sflag:s0] =	ssyncadd.tile.s32 @!p0 $0x1;
	_ =	shalt  }
.Lfunc_end2:
_tile_overlayer_lowered:
.L_overlay_start_2:
0x1ab: {  	(tag) =	ssettag $0x2  }
0x1ac: {  	s0 =	rddreg [dreg:$0x0];
	s2 =	stileid.u32  }
0x1ad: {  	s1 =	rddreg [dreg:$0x1];
	p0 =	sne.s32 s2, $0x0  }
0x1ae: {  	s3 =	rddreg [dreg:$0x2];
	[bflag:$0x3] =	sbarrier.arrive $0xFFFF;
	s2 =	simm.s32 @!p0 $0x1C07  }
0x1af: {  	[timem:s3], [sflag:s2] =	dma.local @!p0 [hbm:s0], s1  }
0x1b0: {  	s0 =	simm.s32 @!p0 $0x7  }
0x1b1: {  	_ =	swait.ge @!p0 [sflag:s0], s1  }
0x1b2: {  	s1 =	ssub.s32 @!p0 $0x0, s1;
	[sflag:s0] =	ssyncset.done @!p0 $0x0  }
0x1b3: {  	[sflag:s0] =	ssyncadd.s32 @!p0 s1  }
0x1b4: {  	[bflag:$0x3] =	sbarrier.arrive $0xFFFF  }
0x1b5: {  	_ =	shalt  }

// kernel: kernel.9.cloned.1.call-start
scs
__scs_entry_jumppad:
0x0: {  	(pc) =	sbr.rel $0x88, $3  }
0x1: {  	(tag) =	ssettag $0x0;
	lr =	simm.s32 $0x1  }
0x2: {  	[smem:$0x3F93] =	sst lr;
	_ =	strace $0xD0000000  }
0x3: {  	_ = 	snop  }
0x4: {  	_ = 	snop  }
0x5: {  	_ = 	snop  }
0x6: {  	_ = 	snop  }
0x7: {  	_ = 	snop  }
__scs_overlays_trampoline_lowered:
0x8: {  	[smem:$0x3FA2] =	sst s0  }
0x9: {  	[smem:$0x3FA3] =	sst s1  }
0xa: {  	[smem:$0x3FA4] =	sst s2  }
0xb: {  	[smem:$0x3FA5] =	sst s3  }
0xc: {  	[smem:$0x3FA6] =	sst s4  }
0xd: {  	[smem:$0x3FA7] =	sst s5  }
0xe: {  	[smem:$0x3FA8] =	sst s6  }
0xf: {  	[smem:$0x3FA9] =	sst s7  }
0x10: {  	[smem:$0x3FAA] =	sst s8  }
0x11: {  	[smem:$0x3FAB] =	sst s9;
	s0 =	simm.s32 @!p0 $0x0  }
0x12: {  	s1 =	sld [smem:$0x3F91];
	s0 =	simm.s32 @p0 $0x1  }
0x13: {  	[smem:$0x3FAC] =	sst s0;
	s0 =	simm.s32 @!p1 $0x0  }
0x14: {  	s2 =	sld [smem:$0x3F90];
	s0 =	simm.s32 @p1 $0x1  }
0x15: {  	[smem:$0x3FAD] =	sst s0;
	s0 =	simm.s32 @!p2 $0x0  }
0x16: {  	s3 =	sld [smem:$0x3FDB];
	s0 =	simm.s32 @p2 $0x1  }
0x17: {  	s4 =	simm.s32 $0x1BF5;
	[smem:$0x3FAF] =	sst s0  }
0x18: {  	s0 =	sld [smem:$0x3F92];
	_ =	swait.ge [sflag:s4], $0x0  }
0x19: {  	s7 =	sld [smem:$0x3F93]  }
0x1a: {  	s8 =	sadd.s32 $0xFFFFE003, lr  }
0x1b: {  	s9 =	sadd.s32 $0xFFFFFEF7, lr;
	s5 =	simm.s32 $0xFFFFFFFF;
	p2 =	slt.u32 s8, $0xFFFFF086  }
0x1c: {  	p1 =	slt.u32 s9, $0xF7A;
	s5 =	simm.s32 @!p2 $0x0  }
0x1d: {  	s5 =	simm.s32 @p1 $0x1;
	p0 =	seq.s32 s7, s2  }
0x1e: {  	s7 =	smul.u32 @!p0 $0xF7A, s2;
	p2 =	seq.s32 @!p0 s5, $0x0  }
0x1f: {  	s9 =	smul.u32 $0xF7A, s1;
	s8 =	simm.s32 @!p0 $0x1BF5;
	p2 =	por !p2, p0  }
0x20: {  	[sflag:s8] =	ssyncset.s32 @!p0 $0xFFFFF086;
	s6 =	sadd.s32 @!p0 s3, s7;
	s7 =	simm.s32 @!p0 $0x108  }
0x21: {  	s3 =	sadd.s32 s3, s9;
	s6 =	sadd.s32 @!p0 $0x88, s6;
	s7 =	simm.s32 @p2 $0x1082  }
0x22: {  	[simem:s7], [sflag:s8] =	dma.local @!p0 [hbm:s6], $0xF7A  }
0x23: {  	s9 =	sor.u32 $0xD0000000, s2;
	s6 =	simm.s32 $0x108;
	_ =	swait.ge @!p0 [sflag:s8], $0x0  }
0x24: {  	s3 =	sadd.s32 $0x88, s3;
	s6 =	simm.s32 @!p1 $0x1082;
	[sflag:s4] =	ssyncset.s32 $0xFFFFF086  }
0x25: {  	[simem:s6], [sflag:s4] =	dma.local [hbm:s3], $0xF7A  }
0x26: {  	[smem:$0x3F93] =	sst s1;
	(tag) =	ssettag s2;
	_ =	strace s9  }
0x27: {  	s1 =	sld [smem:$0x3FA3]  }
0x28: {  	s2 =	sld [smem:$0x3FA4]  }
0x29: {  	s4 =	sld [smem:$0x3FA6]  }
0x2a: {  	p0 =	seq.s32 s5, $0x0;
	s5 =	sld [smem:$0x3FA7]  }
0x2b: {  	s6 =	sld [smem:$0x3FA8]  }
0x2c: {  	s7 =	sld [smem:$0x3FA9]  }
0x2d: {  	s3 =	simm.s32 $0x108;
	s8 =	sld [smem:$0x3FAA]  }
0x2e: {  	s3 =	simm.s32 @!p0 $0x1082;
	s9 =	sld [smem:$0x3FAB]  }
0x2f: {  	lr =	sadd.s32 s0, s3;
	s0 =	sld [smem:$0x3FA2]  }
0x30: {  	s3 =	sld [smem:$0x3FA5]  }
0x31: {  	[smem:$0x3FAE] =	sst s10  }
0x32: {  	s10 =	sld [smem:$0x3FAC];
	_ =	sdelay $0x3  }
0x33: {  	p0 =	seq.s32 s10, $0x1;
	s10 =	sld [smem:$0x3FAE];
	_ =	sdelay $0x3  }
0x34: {  	[smem:$0x3FAE] =	sst s10  }
0x35: {  	s10 =	sld [smem:$0x3FAD];
	_ =	sdelay $0x3  }
0x36: {  	p1 =	seq.s32 s10, $0x1;
	s10 =	sld [smem:$0x3FAE];
	_ =	sdelay $0x3  }
0x37: {  	[smem:$0x3FAE] =	sst s10  }
0x38: {  	s10 =	sld [smem:$0x3FAF]  }
0x39: {  	_ = 	snop;
	(pc) =	sbr.ind lr, $3  }
0x3a: {  	_ = 	snop  }
0x3b: {  	_ = 	snop  }
0x3c: {  	p2 =	seq.s32 s10, $0x1;
	s10 =	sld [smem:$0x3FAE]  }
0x3d: {  	_ =	shalt  }
0x3e: {  	_ =	shalt  }
0x3f: {  	_ =	shalt  }
0x40: {  	_ =	shalt  }
0x41: {  	_ =	shalt  }
0x42: {  	_ =	shalt  }
0x43: {  	_ =	shalt  }
0x44: {  	_ =	shalt  }
0x45: {  	_ =	shalt  }
0x46: {  	_ =	shalt  }
0x47: {  	_ =	shalt  }
0x48: {  	_ =	shalt  }
0x49: {  	_ =	shalt  }
0x4a: {  	_ =	shalt  }
0x4b: {  	_ =	shalt  }
0x4c: {  	_ =	shalt  }
0x4d: {  	_ =	shalt  }
0x4e: {  	_ =	shalt  }
0x4f: {  	_ =	shalt  }
0x50: {  	_ =	shalt  }
0x51: {  	_ =	shalt  }
0x52: {  	_ =	shalt  }
0x53: {  	_ =	shalt  }
0x54: {  	_ =	shalt  }
0x55: {  	_ =	shalt  }
0x56: {  	_ =	shalt  }
0x57: {  	_ =	shalt  }
0x58: {  	_ =	shalt  }
0x59: {  	_ =	shalt  }
0x5a: {  	_ =	shalt  }
0x5b: {  	_ =	shalt  }
0x5c: {  	_ =	shalt  }
0x5d: {  	_ =	shalt  }
0x5e: {  	_ =	shalt  }
0x5f: {  	_ =	shalt  }
0x60: {  	_ =	shalt  }
0x61: {  	_ =	shalt  }
0x62: {  	_ =	shalt  }
0x63: {  	_ =	shalt  }
0x64: {  	_ =	shalt  }
0x65: {  	_ =	shalt  }
0x66: {  	_ =	shalt  }
0x67: {  	_ =	shalt  }
0x68: {  	_ =	shalt  }
0x69: {  	_ =	shalt  }
0x6a: {  	_ =	shalt  }
0x6b: {  	_ =	shalt  }
0x6c: {  	_ =	shalt  }
0x6d: {  	_ =	shalt  }
0x6e: {  	_ =	shalt  }
0x6f: {  	_ =	shalt  }
0x70: {  	_ =	shalt  }
0x71: {  	_ =	shalt  }
0x72: {  	_ =	shalt  }
0x73: {  	_ =	shalt  }
0x74: {  	_ =	shalt  }
0x75: {  	_ =	shalt  }
0x76: {  	_ =	shalt  }
0x77: {  	_ =	shalt  }
0x78: {  	_ =	shalt  }
0x79: {  	_ =	shalt  }
0x7a: {  	_ =	shalt  }
0x7b: {  	_ =	shalt  }
0x7c: {  	_ =	shalt  }
0x7d: {  	_ =	shalt  }
0x7e: {  	_ =	shalt  }
0x7f: {  	_ =	shalt  }
0x80: {  	_ =	shalt  }
0x81: {  	_ =	shalt  }
0x82: {  	_ =	shalt  }
0x83: {  	_ =	shalt  }
0x84: {  	_ =	shalt  }
0x85: {  	_ =	shalt  }
0x86: {  	_ =	shalt  }
0x87: {  	_ =	shalt  }
.Lfunc_end0:
.L_simem_size_0:
called_computation_lowered:
.L_overlay_start_0:
0x88: {  	s2 =	sld [smem:$0x3FD9]  }
0x89: {  	s3 =	sld [smem:$0x3FFE];
	_ =	sdelay $0x1  }
0x8a: {  	s1 =	srdreg.scid  }
0x8b: {  	s0 =	sand.u32 $0x1, s1  }
0x8c: {  	s16 =	sshll.u32 s0, $0xA;
	s2 =	sadd.s32 s3, s2  }
0x8d: {  	s2 =	sadd.s32 s2, s16  }
0x8e: {  	[smem:$0x3FBA] =	sst s2  }
0x8f: {  	_ = 	snop  }
0x90: {  	(tm) =	ssettm $0x1  }
0x91: {  	s17 =	sld [smem:$0x3FFB];
	_ =	sdelay $0x3  }
0x92: {  	_ =	strace s17  }
0x93: {  	s2 =	sld [smem:$0x3FFC];
	_ =	sdelay $0x3  }
0x94: {  	_ =	strace s2  }
0x95: {  	s2 =	sld [smem:$0x3FFD];
	_ =	sdelay $0x3  }
0x96: {  	_ =	strace s2  }
0x97: {  	_ =	strace $0x8FFFFFFF  }
0x98: {  	s18 =	sld [smem:$0x3FDB];
	_ =	sdelay $0x1  }
0x99: {  	s19 =	simm.s32 $_scs_section_size  }
0x9a: {  	s4 =	simm.s32 $_size__tile_overlayer_lowered;
	s5 =	simm.s32 $_tile_overlayer_lowered  }
0x9b: {  	s22 =	simm.s32 $0x1BFF;
	s21 =	sshll.u32 s5, $0x1;
	s2 =	sadd.s32 s19, s18  }
0x9c: {  	s6 =	simm.s32 $0x0;
	s20 =	sshll.u32 s4, $0x1;
	s4 =	sadd.s32 s21, s2  }
0x9d: {  	[timem:s6], [sflag:s22] =	dma.local [hbm:s4], s20  }
0x9e: {  	_ =	swait.ge [sflag:s22], s20  }
0x9f: {  	s3 =	ssub.s32 $0x0, s20;
	[sflag:s22] =	ssyncset.done $0x0  }
0xa0: {  	[sflag:s22] =	ssyncadd.s32 s3;
	_ =	sdelay $0x1  }
0xa1: {  	s23 =	simm.s32 $0x1B8B  }
0xa2: {  	_ =	swait.ge [sflag:s23], $0x1  }
0xa3: {  	[sflag:s23] =	ssyncset.done $0x0  }
0xa4: {  	s25 =	simm.s32 $0x1B8E;
	s24 =	sld [smem:$0x3FFE];
	[sflag:s23] =	ssyncadd.s32 $0xFFFFFFFF  }
0xa5: {  	s26 =	simm.s32 $execute0_lowered;
	[smem:$0x3FD2] =	sst s25  }
0xa6: {  	s4 =	sshll.u32 s26, $0x1;
	_ =	strace $0x80000046;
	[dreg:$0x1] =	wrdreg $0xFFFFFFFF  }
0xa7: {  	s28 =	simm.s32 $_size_execute0_lowered;
	s2 =	sadd.s32 s2, s4;
	[dreg:$0x0] =	wrdreg $0x0  }
0xa8: {  	s4 =	sshll.u32 s28, $0x1;
	[dreg:$0x2] =	wrdreg s2  }
0xa9: {  	[dreg:$0x3] =	wrdreg s4  }
0xaa: {  	[dreg:$0x4] =	wrdreg $0xC0  }
0xab: {  	_ =	task [dreg:s6], $0x5FFFF  }
0xac: {  	[dreg:$0x1] =	wrdreg $0xFFFFFFFF  }
0xad: {  	[dreg:$0x0] =	wrdreg $0x60  }
0xae: {  	[dreg:$0x2] =	wrdreg s24  }
0xaf: {  	[dreg:$0x3] =	wrdreg $0x9  }
0xb0: {  	_ =	task.clear_ibuf [dreg:s6], $0x4FFFF;
	_ =	strace $0x90000046  }
0xb1: {  	s29 =	simm.s32 $0x9;
	_ =	strace $0x80000048  }
0xb2: {  	_ =	swait.ge [sflag:s29], $0x1  }
0xb3: {  	[sflag:s29] =	ssyncadd.s32 $0xFFFFFFFF  }
0xb4: {  	_ =	strace $0x90000048  }
0xb5: {  	_ =	sfence  }
0xb6: {  	s30 =	sld [smem:$0x0];
	_ =	sdelay $0x2  }
0xb7: {  	s31 =	sshll.u32 s1, $0xD;
	s1 =	sshrl.u32 s1, $0x2  }
0xb8: {  	s3 =	sand.u32 $0x4000, s31;
	s1 =	sadd.s32 s1, s30  }
0xb9: {  	s0 =	sor.u32 s3, s0;
	s1 =	sshll.u32 s1, $0x11  }
0xba: {  	s0 =	sor.u32 s1, s0  }
0xbb: {  	s0 =	sadd.s32 $0x8F2B, s0  }
0xbc: {  	[sflag:s0] =	ssyncadd.remote.s32 $0x1  }
0xbd: {  	_ =	sfence.sel $0xFFFF  }
0xbe: {  	[dreg:$0x0] =	wrdreg $0xFFFFFFFF;
	(pc) =	sbr.abs _section_cstart, $3  }
0xbf: {  	[dreg:$0x1] =	wrdreg $0xFFFFFFFF  }
0xc0: {  	_ =	task.clear_ibuf [dreg:s6], $0x2FFFF;
	_ =	strace $0x9FFFFFFF  }
0xc1: {  	(tm) =	ssettm $0x7FFFFFFF  }
tec
execute0_lowered:
.L_overlay_start_1:
0x0: {  	(tag) =	ssettag $0x1  }
0x1: {  	s0 =	rddreg [dreg:$0x0];
	s1 =	simm.s32 $0x0;
	s5 =	stileid.u32  }
0x2: {  	s8 =	srdreg.scid;
	s18 =	simm.s32 $0x3;
	s19 =	simm.s32 $0x4  }
0x3: {  	s20 =	simm.s32 $0x11D80;
	s28 =	simm.s32 $0x7;
	s29 =	simm.s32 $0x0  }
0x4: {  	[smem:$0x7FF] =	sst s1;
	s3 =	sadd.s32 $0x52E00, s0;
	s4 =	sadd.s32 $0x2BC00, s0  }
0x5: {  	s2 =	sadd.s32 $0xF0400, s0;
	s21 =	sadd.s32 $0xF1800, s0;
	s6 =	sadd.s32 $0xF6800, s0  }
0x6: {  	s7 =	sshll.u32 s5, $0xC;
	s22 =	sshll.u32 s5, $0x8;
	s12 =	sand.u32 $0x1, s8  }
0x7: {  	s24 =	sshll.u32 s5, $0x1;
	s14 =	sshll.u32 s5, $0x5;
	_ =	strace $0x80000047  }
0x8: {  	[dreg:$0x2] =	wrdreg s2;
	s11 =	sadd.s32 s7, s0;
	s13 =	sadd.s32 s22, s0  }
0x9: {  	s23 =	ssub.s32 $0x2, s12;
	s0 =	sor.u32 s12, s24;
	s10 =	sadd.s32 s14, s6  }
0xa: {  	s15 =	sshll.u32 s12, $0x4;
	s2 =	sadd.s32 s14, s21;
	s31 =	sshll.u32 s12, $0x7  }
0xb: {  	s12 =	sshll.u32 s12, $0xB;
	s22 =	simm.s32 $0x2;
	s24 =	simm.s32 $0x4100  }
0xc: {  	s25 =	sshrl.u32 s23, $0x1;
	s9 =	sshll.u32 s0, $0x4;
	s10 =	sadd.s32 s15, s10  }
0xd: {  	s2 =	sadd.s32 s15, s2;
	s12 =	sadd.s32 s12, s11;
	s15 =	simm.s32 $0x8100  }
0xe: {  	s16 =	ssub.s32 s23, s25;
	s26 =	sadd.s32 s21, s9;
	s30 =	sadd.s32 s6, s9  }
.Ltmp0:
0xf: {  	s10 =	sadd.s32 $0x200, s10;
	s11 =	sadd.s32 $0x200, s2;
	(pc) =	sbr.rel .LBB2_1-.Ltmp0, $4  }
0x10: {  	s6 =	sadd.s32 s31, s13;
	s13 =	sadd.s32 $0x393A00, s12;
	s14 =	sadd.s32 $0x122A00, s12  }
0x11: {  	s21 =	simm.s32 $0x1;
	s23 =	simm.s32 $0x100;
	[dreg:$0x3] =	wrdreg s26  }
0x12: {  	s25 =	simm.s32 $0x5;
	[dreg:$0x4] =	wrdreg s30;
	s9 =	smax.u32 s16, $0x1  }
0x13: {  	v0 =	vimm.f32 $0.0e+00;
	s2 =	sadd.s32 $0xFB800, s6;
	s16 =	simm.s32 $0x8;
	s26 =	simm.s32 $0x6  }
.LBB2_5:
0x14: {  	_ =	swait.ge [sflag:s25], $0x4000  }
0x15: {  	[sflag:s25] =	ssyncset.done $0x0  }
0x16: {  	s29 =	sadd.s32 $0x1, s29;
	[sflag:s25] =	ssyncadd.s32 $0xFFFFC000  }
0x17: {  	p0 =	sne.s32 s29, s9;
	_ =	swait.ge [sflag:s26], $0x4000  }
.Ltmp1:
0x18: {  	[sflag:s26] =	ssyncset.done $0x0;
	(pc) =	sbr.rel @!p0 .LBB2_6-.Ltmp1, $4  }
0x19: {  	[sflag:s26] =	ssyncadd.s32 $0xFFFFC000  }
0x1a: {  	_ =	swait.ge [sflag:s28], $0x400  }
0x1b: {  	[sflag:s28] =	ssyncset.done $0x0  }
0x1c: {  	[sflag:s28] =	ssyncadd.s32 $0xFFFFFC00  }
.LBB2_1:
0x1d: {  	s5 =	rddreg [dreg:$0x2]  }
0x1e: {  	[tilespmem:s15], [sflag:$0x8] =	stream.linear.gather [hbm4b:s5+s1], $0x9C80, $0x38;
	[tilespmem:$0x12180] =	vst v63  }
0x1f: {  	_ =	swait.ge [sflag:s16], $0x9C80  }
0x20: {  	[sflag:s16] =	ssyncset.done $0x0  }
0x21: {  	[sflag:s16] =	ssyncadd.s32 $0xFFFF6380  }
0x22: {  	[tilespmem:$0x11F00] =	vst v0  }
0x23: {  	[tilespmem:$0x11F80] =	vst v0  }
0x24: {  	[tilespmem:$0x12000] =	vst v0  }
0x25: {  	[tilespmem:$0x12080] =	vst v0  }
0x26: {  	[tilespmem:$0x12100] =	vst v0  }
0x27: {  	[tilespmem:$0x11F10] =	vst v0  }
0x28: {  	[tilespmem:$0x11F90] =	vst v0  }
0x29: {  	[tilespmem:$0x12010] =	vst v0  }
0x2a: {  	[tilespmem:$0x12090] =	vst v0  }
0x2b: {  	[tilespmem:$0x12110] =	vst v0  }
0x2c: {  	[tilespmem:$0x11F20] =	vst v0  }
0x2d: {  	[tilespmem:$0x11FA0] =	vst v0  }
0x2e: {  	[tilespmem:$0x12020] =	vst v0  }
0x2f: {  	[tilespmem:$0x120A0] =	vst v0  }
0x30: {  	[tilespmem:$0x12120] =	vst v0  }
0x31: {  	[tilespmem:$0x11F30] =	vst v0  }
0x32: {  	[tilespmem:$0x11FB0] =	vst v0  }
0x33: {  	[tilespmem:$0x12030] =	vst v0  }
0x34: {  	[tilespmem:$0x120B0] =	vst v0  }
0x35: {  	[tilespmem:$0x12130] =	vst v0  }
0x36: {  	[tilespmem:$0x11F40] =	vst v0  }
0x37: {  	[tilespmem:$0x11FC0] =	vst v0  }
0x38: {  	[tilespmem:$0x12040] =	vst v0  }
0x39: {  	[tilespmem:$0x120C0] =	vst v0  }
0x3a: {  	[tilespmem:$0x12140] =	vst v0  }
0x3b: {  	[tilespmem:$0x11F50] =	vst v0  }
0x3c: {  	[tilespmem:$0x11FD0] =	vst v0  }
0x3d: {  	[tilespmem:$0x12050] =	vst v0  }
0x3e: {  	[tilespmem:$0x120D0] =	vst v0  }
0x3f: {  	[tilespmem:$0x12150] =	vst v0  }
0x40: {  	[tilespmem:$0x11F60] =	vst v0  }
0x41: {  	[tilespmem:$0x11FE0] =	vst v0  }
0x42: {  	[tilespmem:$0x12060] =	vst v0  }
0x43: {  	[tilespmem:$0x120E0] =	vst v0  }
0x44: {  	[tilespmem:$0x12160] =	vst v0  }
0x45: {  	[tilespmem:$0x11F70] =	vst v0  }
0x46: {  	[tilespmem:$0x11FF0] =	vst v0  }
0x47: {  	[tilespmem:$0x12070] =	vst v0  }
0x48: {  	[tilespmem:$0x120F0] =	vst v0  }
.Ltmp2:
0x49: {  	s6 =	simm.s32 $0x80;
	s12 =	rddreg [dreg:$0x3];
	[tilespmem:$0x12170] =	vst v0;
	(pc) =	sbr.rel .LBB2_2-.Ltmp2, $4  }
0x4a: {  	[tilespmem:s1], [sflag:$0x3] =	stream.linear.gather [hbm4b:s12+s1], $0x80, $0x38;
	[tilespmem:$0x12180] =	vst v63  }
0x4b: {  	s30 =	smov.u32 s14;
	s31 =	smov.u32 s13;
	s17 =	rddreg [dreg:$0x4]  }
0x4c: {  	[tilespmem:s6], [sflag:$0x4] =	stream.linear.gather [hbm4b:s17+s1], $0x80, $0x38;
	[tilespmem:$0x12180] =	vst v63  }
0x4d: {  	s12 =	smov.u32 s2;
	s6 =	smov.u32 s0;
	s17 =	simm.s32 $0x0  }
.LBB2_4:
0x4e: {  	s17 =	sadd.s32 $0x200, s17  }
0x4f: {  	p0 =	sne.s32 s17, $0x5000  }
.Ltmp3:
0x50: {  	_ = 	snop;
	(pc) =	sbr.rel @!p0 .LBB2_5-.Ltmp3, $3  }
0x51: {  	_ =	sdelay $0x1  }
0x52: {  	s12 =	sadd.s32 $0x1000, s12  }
0x53: {  	s6 =	sadd.s32 $0x20, s6;
	s31 =	sadd.s32 $0x10000, s31;
	s30 =	sadd.s32 $0x10000, s30  }
.LBB2_2:
0x54: {  	p0 =	sgt.u32 s6, $0x4E1  }
.Ltmp4:
0x55: {  	_ = 	snop;
	(pc) =	sbr.rel @p0 .LBB2_4-.Ltmp4, $1  }
0x56: {  	_ =	sdelay $0x3  }
0x57: {  	_ =	swait.ge [sflag:s18], $0x80  }
0x58: {  	[sflag:s18] =	ssyncset.done $0x0  }
0x59: {  	[sflag:s18] =	ssyncadd.s32 $0xFFFFFF80  }
0x5a: {  	p0 =	seq.s32 s17, $0x0;
	_ =	swait.ge [sflag:s19], $0x80  }
0x5b: {  	s5 =	simm.s32 @p0 $0x80;
	[sflag:s19] =	ssyncset.done $0x0  }
0x5c: {  	s7 =	simm.s32 @p0 $0x0;
	s8 =	simm.s32 @p0 $0x100;
	[sflag:s19] =	ssyncadd.s32 $0xFFFFFF80  }
0x5d: {  	[tilespmem:s8], [sflag:$0x1] =	stream.indirect.gather @p0 [hbm4b:s3+s5], $0x80, s7, s5, $0xb8;
	[tilespmem:$0x12180] =	vst v63  }
0x5e: {  	s7 =	simm.s32 @p0 $0x4100  }
0x5f: {  	[tilespmem:s7], [sflag:$0x2] =	stream.indirect.gather @p0 [hbm4b:s4+s5], $0x80, s5, s5, $0xb8;
	[tilespmem:$0x12180] =	vst v63  }
0x60: {  	s5 =	simm.s32 @!p0 $0x5  }
0x61: {  	_ =	swait.ge @!p0 [sflag:s5], $0x4000  }
0x62: {  	[sflag:s5] =	ssyncset.done @!p0 $0x0  }
0x63: {  	[sflag:s5] =	ssyncadd.s32 @!p0 $0xFFFFC000;
	s5 =	simm.s32 @!p0 $0x6  }
0x64: {  	_ =	swait.ge @!p0 [sflag:s5], $0x4000  }
0x65: {  	s8 =	simm.s32 @!p0 $0x100;
	[sflag:s5] =	ssyncset.done @!p0 $0x0  }
0x66: {  	s7 =	simm.s32 @!p0 $0x0;
	[sflag:s5] =	ssyncadd.s32 @!p0 $0xFFFFC000;
	s5 =	simm.s32 @!p0 $0x80  }
0x67: {  	[tilespmem:s8], [sflag:$0x1] =	stream.indirect.gather @!p0 [hbm4b:s3+s5], $0x80, s7, s5, $0xb8;
	[tilespmem:$0x12180] =	vst v63  }
0x68: {  	s7 =	simm.s32 @!p0 $0x4100  }
0x69: {  	[tilespmem:s7], [sflag:$0x2] =	stream.indirect.gather @!p0 [hbm4b:s4+s5], $0x80, s5, s5, $0xb8;
	[tilespmem:$0x12180] =	vst v63  }
0x6a: {  	s5 =	simm.s32 @!p0 $0x7  }
0x6b: {  	_ =	swait.ge @!p0 [sflag:s5], $0x400  }
0x6c: {  	[sflag:s5] =	ssyncset.done @!p0 $0x0  }
0x6d: {  	[sflag:s5] =	ssyncadd.s32 @!p0 $0xFFFFFC00  }
0x6e: {  	v1 =	vld [tilespmem:$0x0]  }
0x6f: {  	v2 =	vld [tilespmem:$0x80];
	_ =	sdelay $0x3  }
0x70: {  	v1 =	vshll.u32 v1, $0x2  }
0x71: {  	v2 =	vshll.u32 v2, $0x2;
	_ =	sdelay $0x3  }
0x72: {  	v3 =	vld.idx.msk [tilespmem:v1+s15+$0x0], $0xffff  }
0x73: {  	v4 =	vld.idx.msk [tilespmem:v2+s15+$0x0], $0xffff;
	_ =	sdelay $0x2  }
0x74: {  	v5 =	vor.u32 $0x1, v1  }
0x75: {  	v6 =	vor.u32 $0x1, v2  }
0x76: {  	v3 =	vsub.f32 v3, v4;
	_ =	sdelay $0x1  }
0x77: {  	[tilespmem:$0x11D80] =	vst v3  }
0x78: {  	v3 =	vld.idx.msk [tilespmem:v5+s15+$0x0], $0xffff  }
0x79: {  	v42 =	vld.idx.msk [tilespmem:v6+s15+$0x0], $0xffff;
	_ =	sdelay $0x2  }
0x7a: {  	v1 =	vor.u32 $0x2, v1  }
0x7b: {  	v2 =	vor.u32 $0x2, v2  }
0x7c: {  	v3 =	vsub.f32 v3, v42  }
0x7d: {  	v43 =	vld [tilespmem:$0x90]  }
0x7e: {  	[tilespmem:$0x11E00] =	vst v3;
	v3 =	vld [tilespmem:$0x10]  }
0x7f: {  	v1 =	vld.idx.msk [tilespmem:v1+s15+$0x0], $0xffff  }
0x80: {  	v2 =	vld.idx.msk [tilespmem:v2+s15+$0x0], $0xffff;
	_ =	sdelay $0x2  }
0x81: {  	v4 =	vshll.u32 v43, $0x2  }
0x82: {  	v3 =	vshll.u32 v3, $0x2  }
0x83: {  	v1 =	vsub.f32 v1, v2;
	_ =	sdelay $0x1  }
0x84: {  	[tilespmem:$0x11E80] =	vst v1  }
0x85: {  	v2 =	vld.idx.msk [tilespmem:v4+s15+$0x0], $0xffff  }
0x86: {  	v1 =	vld.idx.msk [tilespmem:v3+s15+$0x0], $0xffff;
	_ =	sdelay $0x2  }
0x87: {  	v44 =	vor.u32 $0x1, v3  }
0x88: {  	v45 =	vor.u32 $0x1, v4  }
0x89: {  	v1 =	vsub.f32 v1, v2;
	_ =	sdelay $0x1  }
0x8a: {  	[tilespmem:$0x11D90] =	vst v1  }
0x8b: {  	v1 =	vld.idx.msk [tilespmem:v44+s15+$0x0], $0xffff  }
0x8c: {  	v2 =	vld.idx.msk [tilespmem:v45+s15+$0x0], $0xffff;
	_ =	sdelay $0x2  }
0x8d: {  	v3 =	vor.u32 $0x2, v3;
	_ =	sdelay $0x1  }
0x8e: {  	v1 =	vsub.f32 v1, v2  }
0x8f: {  	v2 =	vor.u32 $0x2, v4  }
0x90: {  	[tilespmem:$0x11E10] =	vst v1  }
0x91: {  	v1 =	vld.idx.msk [tilespmem:v3+s15+$0x0], $0xffff  }
0x92: {  	v3 =	vld [tilespmem:$0x20]  }
0x93: {  	v46 =	vld [tilespmem:$0xA0]  }
0x94: {  	v2 =	vld.idx.msk [tilespmem:v2+s15+$0x0], $0xffff;
	_ =	sdelay $0x2  }
0x95: {  	v3 =	vshll.u32 v3, $0x2  }
0x96: {  	v4 =	vshll.u32 v46, $0x2  }
0x97: {  	v1 =	vsub.f32 v1, v2;
	_ =	sdelay $0x1  }
0x98: {  	[tilespmem:$0x11E90] =	vst v1  }
0x99: {  	v1 =	vld.idx.msk [tilespmem:v3+s15+$0x0], $0xffff  }
0x9a: {  	v2 =	vld.idx.msk [tilespmem:v4+s15+$0x0], $0xffff;
	_ =	sdelay $0x2  }
0x9b: {  	v47 =	vor.u32 $0x1, v3  }
0x9c: {  	v48 =	vor.u32 $0x1, v4  }
0x9d: {  	v1 =	vsub.f32 v1, v2;
	_ =	sdelay $0x1  }
0x9e: {  	[tilespmem:$0x11DA0] =	vst v1  }
0x9f: {  	v1 =	vld.idx.msk [tilespmem:v47+s15+$0x0], $0xffff  }
0xa0: {  	v2 =	vld.idx.msk [tilespmem:v48+s15+$0x0], $0xffff;
	_ =	sdelay $0x2  }
0xa1: {  	v3 =	vor.u32 $0x2, v3;
	_ =	sdelay $0x1  }
0xa2: {  	v1 =	vsub.f32 v1, v2  }
0xa3: {  	v2 =	vor.u32 $0x2, v4  }
0xa4: {  	[tilespmem:$0x11E20] =	vst v1  }
0xa5: {  	v1 =	vld.idx.msk [tilespmem:v3+s15+$0x0], $0xffff  }
0xa6: {  	v3 =	vld [tilespmem:$0x30]  }
0xa7: {  	v49 =	vld [tilespmem:$0xB0]  }
0xa8: {  	v2 =	vld.idx.msk [tilespmem:v2+s15+$0x0], $0xffff;
	_ =	sdelay $0x2  }
0xa9: {  	v3 =	vshll.u32 v3, $0x2  }
0xaa: {  	v4 =	vshll.u32 v49, $0x2  }
0xab: {  	v1 =	vsub.f32 v1, v2;
	_ =	sdelay $0x1  }
0xac: {  	[tilespmem:$0x11EA0] =	vst v1  }
0xad: {  	v1 =	vld.idx.msk [tilespmem:v3+s15+$0x0], $0xffff  }
0xae: {  	v2 =	vld.idx.msk [tilespmem:v4+s15+$0x0], $0xffff;
	_ =	sdelay $0x2  }
0xaf: {  	v50 =	vor.u32 $0x1, v3  }
0xb0: {  	v51 =	vor.u32 $0x1, v4  }
0xb1: {  	v1 =	vsub.f32 v1, v2;
	_ =	sdelay $0x1  }
0xb2: {  	[tilespmem:$0x11DB0] =	vst v1  }
0xb3: {  	v1 =	vld.idx.msk [tilespmem:v50+s15+$0x0], $0xffff  }
0xb4: {  	v2 =	vld.idx.msk [tilespmem:v51+s15+$0x0], $0xffff;
	_ =	sdelay $0x2  }
0xb5: {  	v3 =	vor.u32 $0x2, v3;
	_ =	sdelay $0x1  }
0xb6: {  	v1 =	vsub.f32 v1, v2  }
0xb7: {  	v2 =	vor.u32 $0x2, v4  }
0xb8: {  	[tilespmem:$0x11E30] =	vst v1  }
0xb9: {  	v1 =	vld.idx.msk [tilespmem:v3+s15+$0x0], $0xffff  }
0xba: {  	v3 =	vld [tilespmem:$0x40]  }
0xbb: {  	v52 =	vld [tilespmem:$0xC0]  }
0xbc: {  	v2 =	vld.idx.msk [tilespmem:v2+s15+$0x0], $0xffff;
	_ =	sdelay $0x2  }
0xbd: {  	v3 =	vshll.u32 v3, $0x2  }
0xbe: {  	v4 =	vshll.u32 v52, $0x2  }
0xbf: {  	v1 =	vsub.f32 v1, v2;
	_ =	sdelay $0x1  }
0xc0: {  	[tilespmem:$0x11EB0] =	vst v1  }
0xc1: {  	v1 =	vld.idx.msk [tilespmem:v3+s15+$0x0], $0xffff  }
0xc2: {  	v2 =	vld.idx.msk [tilespmem:v4+s15+$0x0], $0xffff;
	_ =	sdelay $0x2  }
0xc3: {  	v53 =	vor.u32 $0x1, v3  }
0xc4: {  	v54 =	vor.u32 $0x1, v4  }
0xc5: {  	v1 =	vsub.f32 v1, v2;
	_ =	sdelay $0x1  }
0xc6: {  	[tilespmem:$0x11DC0] =	vst v1  }
0xc7: {  	v1 =	vld.idx.msk [tilespmem:v53+s15+$0x0], $0xffff  }
0xc8: {  	v2 =	vld.idx.msk [tilespmem:v54+s15+$0x0], $0xffff;
	_ =	sdelay $0x2  }
0xc9: {  	v3 =	vor.u32 $0x2, v3;
	_ =	sdelay $0x1  }
0xca: {  	v1 =	vsub.f32 v1, v2  }
0xcb: {  	v2 =	vor.u32 $0x2, v4  }
0xcc: {  	[tilespmem:$0x11E40] =	vst v1  }
0xcd: {  	v1 =	vld.idx.msk [tilespmem:v3+s15+$0x0], $0xffff  }
0xce: {  	v3 =	vld [tilespmem:$0x50]  }
0xcf: {  	v55 =	vld [tilespmem:$0xD0]  }
0xd0: {  	v2 =	vld.idx.msk [tilespmem:v2+s15+$0x0], $0xffff;
	_ =	sdelay $0x2  }
0xd1: {  	v3 =	vshll.u32 v3, $0x2  }
0xd2: {  	v4 =	vshll.u32 v55, $0x2  }
0xd3: {  	v1 =	vsub.f32 v1, v2;
	_ =	sdelay $0x1  }
0xd4: {  	[tilespmem:$0x11EC0] =	vst v1  }
0xd5: {  	v1 =	vld.idx.msk [tilespmem:v3+s15+$0x0], $0xffff  }
0xd6: {  	v2 =	vld.idx.msk [tilespmem:v4+s15+$0x0], $0xffff;
	_ =	sdelay $0x2  }
0xd7: {  	v56 =	vor.u32 $0x1, v3  }
0xd8: {  	v57 =	vor.u32 $0x1, v4  }
0xd9: {  	v1 =	vsub.f32 v1, v2;
	_ =	sdelay $0x1  }
0xda: {  	[tilespmem:$0x11DD0] =	vst v1  }
0xdb: {  	v1 =	vld.idx.msk [tilespmem:v56+s15+$0x0], $0xffff  }
0xdc: {  	v2 =	vld.idx.msk [tilespmem:v57+s15+$0x0], $0xffff;
	_ =	sdelay $0x2  }
0xdd: {  	v3 =	vor.u32 $0x2, v3;
	_ =	sdelay $0x1  }
0xde: {  	v1 =	vsub.f32 v1, v2  }
0xdf: {  	v2 =	vor.u32 $0x2, v4  }
0xe0: {  	[tilespmem:$0x11E50] =	vst v1  }
0xe1: {  	v1 =	vld.idx.msk [tilespmem:v3+s15+$0x0], $0xffff  }
0xe2: {  	v3 =	vld [tilespmem:$0x60]  }
0xe3: {  	v58 =	vld [tilespmem:$0xE0]  }
0xe4: {  	v2 =	vld.idx.msk [tilespmem:v2+s15+$0x0], $0xffff;
	_ =	sdelay $0x2  }
0xe5: {  	v3 =	vshll.u32 v3, $0x2  }
0xe6: {  	v4 =	vshll.u32 v58, $0x2  }
0xe7: {  	v1 =	vsub.f32 v1, v2;
	_ =	sdelay $0x1  }
0xe8: {  	[tilespmem:$0x11ED0] =	vst v1  }
0xe9: {  	v1 =	vld.idx.msk [tilespmem:v3+s15+$0x0], $0xffff  }
0xea: {  	v2 =	vld.idx.msk [tilespmem:v4+s15+$0x0], $0xffff;
	_ =	sdelay $0x2  }
0xeb: {  	v59 =	vor.u32 $0x1, v3  }
0xec: {  	v60 =	vor.u32 $0x1, v4  }
0xed: {  	v1 =	vsub.f32 v1, v2;
	_ =	sdelay $0x1  }
0xee: {  	[tilespmem:$0x11DE0] =	vst v1  }
0xef: {  	v1 =	vld.idx.msk [tilespmem:v59+s15+$0x0], $0xffff  }
0xf0: {  	v2 =	vld.idx.msk [tilespmem:v60+s15+$0x0], $0xffff;
	_ =	sdelay $0x2  }
0xf1: {  	v3 =	vor.u32 $0x2, v3;
	_ =	sdelay $0x1  }
0xf2: {  	v1 =	vsub.f32 v1, v2  }
0xf3: {  	v2 =	vor.u32 $0x2, v4  }
0xf4: {  	[tilespmem:$0x11E60] =	vst v1  }
0xf5: {  	v1 =	vld.idx.msk [tilespmem:v3+s15+$0x0], $0xffff  }
0xf6: {  	v3 =	vld [tilespmem:$0x70]  }
0xf7: {  	v61 =	vld [tilespmem:$0xF0]  }
0xf8: {  	v2 =	vld.idx.msk [tilespmem:v2+s15+$0x0], $0xffff;
	_ =	sdelay $0x2  }
0xf9: {  	v3 =	vshll.u32 v3, $0x2  }
0xfa: {  	v4 =	vshll.u32 v61, $0x2  }
0xfb: {  	v1 =	vsub.f32 v1, v2;
	_ =	sdelay $0x1  }
0xfc: {  	[tilespmem:$0x11EE0] =	vst v1  }
0xfd: {  	v1 =	vld.idx.msk [tilespmem:v3+s15+$0x0], $0xffff  }
0xfe: {  	v2 =	vld.idx.msk [tilespmem:v4+s15+$0x0], $0xffff;
	_ =	sdelay $0x2  }
0xff: {  	v62 =	vor.u32 $0x1, v3  }
0x100: {  	v63 =	vor.u32 $0x1, v4  }
0x101: {  	v1 =	vsub.f32 v1, v2;
	_ =	sdelay $0x1  }
0x102: {  	[tilespmem:$0x11DF0] =	vst v1  }
0x103: {  	v1 =	vld.idx.msk [tilespmem:v62+s15+$0x0], $0xffff  }
0x104: {  	v2 =	vld.idx.msk [tilespmem:v63+s15+$0x0], $0xffff;
	_ =	sdelay $0x2  }
0x105: {  	v3 =	vor.u32 $0x2, v3  }
0x106: {  	v4 =	vor.u32 $0x2, v4  }
0x107: {  	v1 =	vsub.f32 v1, v2;
	_ =	sdelay $0x1  }
0x108: {  	[tilespmem:$0x11E70] =	vst v1  }
0x109: {  	v1 =	vld.idx.msk [tilespmem:v3+s15+$0x0], $0xffff  }
0x10a: {  	v2 =	vld.idx.msk [tilespmem:v4+s15+$0x0], $0xffff;
	_ =	sdelay $0x4  }
0x10b: {  	v1 =	vsub.f32 v1, v2;
	_ =	sdelay $0x1  }
0x10c: {  	[tilespmem:$0x11EF0] =	vst v1  }
0x10d: {  	[hbm4b:s12+s1] =	stream.linear.scatter [tilespmem:s20], [sflag:$0x7], $0x400, $0x38;
	[tilespmem:$0x12180] =	vst v63  }
0x10e: {  	_ =	swait.ge [sflag:s21], $0x4000  }
0x10f: {  	[sflag:s21] =	ssyncset.done $0x0  }
0x110: {  	[sflag:s21] =	ssyncadd.s32 $0xFFFFC000  }
0x111: {  	_ =	swait.ge [sflag:s22], $0x4000  }
0x112: {  	p0 =	sgt.u32 s6, $0x4C1;
	[sflag:s22] =	ssyncset.done $0x0  }
0x113: {  	s5 =	sadd.s32 @!p0 s17, s11;
	s7 =	simm.s32 @!p0 $0x0;
	[sflag:s22] =	ssyncadd.s32 $0xFFFFC000  }
0x114: {  	[tilespmem:s7], [sflag:$0x3] =	stream.linear.gather @!p0 [hbm4b:s5+s7], $0x80, $0x38;
	[tilespmem:$0x12180] =	vst v63  }
0x115: {  	s8 =	simm.s32 @!p0 $0x80;
	s5 =	sadd.s32 @!p0 s17, s10  }
0x116: {  	[tilespmem:s8], [sflag:$0x4] =	stream.linear.gather @!p0 [hbm4b:s5+s7], $0x80, $0x38;
	[tilespmem:$0x12180] =	vst v63  }
.Ltmp5:
0x117: {  	_ = 	snop;
	(pc) =	sbr.rel .LBB2_4-.Ltmp5, $4  }
0x118: {  	_ = 	snop  }
0x119: {  	[hbm4b:s30+s1] =	stream.linear.scatter [tilespmem:s23], [sflag:$0x5], $0x4000, $0x38;
	[tilespmem:$0x12180] =	vst v63  }
0x11a: {  	_ = 	snop  }
0x11b: {  	[hbm4b:s31+s1] =	stream.linear.scatter [tilespmem:s24], [sflag:$0x6], $0x4000, $0x38;
	[tilespmem:$0x12180] =	vst v63  }
.LBB2_6:
0x11c: {  	_ =	sfence.sel $0x180000  }
0x11d: {  	[bflag:$0x0] =	sbarrier.arrive $0xFFFF  }
0x11e: {  	_ =	strace $0x90000047  }
0x11f: {  	s0 =	stileid.u32;
	[bflag:$0x2] =	sbarrier.arrive $0xFFFF  }
0x120: {  	p0 =	sne.s32 s0, $0x0;
	s0 =	rddreg [dreg:$0x1]  }
0x121: {  	s0 =	sadd.s32 @!p0 $0x100000, s0  }
0x122: {  	[sflag:s0] =	ssyncadd.tile.s32 @!p0 $0x1;
	_ =	shalt  }
.Lfunc_end2:
_tile_overlayer_lowered:
.L_overlay_start_2:
0x123: {  	(tag) =	ssettag $0x2  }
0x124: {  	s0 =	rddreg [dreg:$0x0];
	s2 =	stileid.u32  }
0x125: {  	s1 =	rddreg [dreg:$0x1];
	p0 =	sne.s32 s2, $0x0  }
0x126: {  	s3 =	rddreg [dreg:$0x2];
	[bflag:$0x3] =	sbarrier.arrive $0xFFFF;
	s2 =	simm.s32 @!p0 $0x1C08  }
0x127: {  	[timem:s3], [sflag:s2] =	dma.local @!p0 [hbm:s0], s1  }
0x128: {  	s0 =	simm.s32 @!p0 $0x8  }
0x129: {  	_ =	swait.ge @!p0 [sflag:s0], s1  }
0x12a: {  	s1 =	ssub.s32 @!p0 $0x0, s1;
	[sflag:s0] =	ssyncset.done @!p0 $0x0  }
0x12b: {  	[sflag:s0] =	ssyncadd.s32 @!p0 s1  }
0x12c: {  	[bflag:$0x3] =	sbarrier.arrive $0xFFFF  }
0x12d: {  	_ =	shalt  }

</sc_bundles>
